<compile_context>
chip_gen: v7x
topology: tpu7x:2x2x1
jax: 0.10.2.dev20260603
libtpu: 0.0.44.dev20260713+nightly
codegen_flags: <defaults>
</compile_context>

<pallas_src>
import jax
import jax.numpy as jnp
from jax import lax
from jax.experimental import pallas as pl
from jax.experimental.pallas import tpu as pltpu
from jax.experimental.pallas import tpu_sc as plsc

B = 4096
N_CTX = 25
MAX_DOM = 50
D = 64

NC = 2
NS = 16
LANES = 16
NW = NC * NS
B_PER_W = B // NW
GROUPS = B_PER_W // LANES
KH = 2
K_TASK = MAX_DOM // KH
ROWS_T = LANES * K_TASK

CHUNK = 80
N_CH = ROWS_T // CHUNK


def _sc_body(init_hbm, dom_hbm, attr_hbm, mask_hbm, inw_hbm, outw_hbm,
             outb_hbm, attrw_hbm, out_hbm,
             iidx_v, didx_v, attr_v, mask_v, aw_v, ctx_v, log_v,
             u_v, bias_v, sems):
    wid = lax.axis_index("s") * NC + lax.axis_index("c")
    iota = lax.iota(jnp.int32, LANES)
    row25 = iota * N_CTX
    row50 = iota * MAX_DOM
    inv_nctx = jnp.float32(1.0 / N_CTX)

    pltpu.sync_copy(init_hbm.at[pl.ds(wid * B_PER_W * N_CTX,
                                      B_PER_W * N_CTX)], iidx_v)
    pltpu.sync_copy(dom_hbm.at[pl.ds(wid * B_PER_W * MAX_DOM,
                                     B_PER_W * MAX_DOM)], didx_v)
    pltpu.sync_copy(attr_hbm.at[pl.ds(wid * B_PER_W, B_PER_W)], attr_v)
    pltpu.sync_copy(mask_hbm.at[pl.ds(wid * B_PER_W * MAX_DOM,
                                      B_PER_W * MAX_DOM)], mask_v)
    pltpu.async_copy(attrw_hbm.at[attr_v], aw_v, sems.at[0]).wait()

    NT = GROUPS + GROUPS * KH

    def fire(t):
        p = t & 1

        def f_ctx():
            for i in range(N_CH):
                pltpu.async_copy(
                    inw_hbm.at[iidx_v.at[pl.ds(t * ROWS_T + i * CHUNK,
                                               CHUNK)]],
                    u_v.at[p].at[pl.ds(i * CHUNK, CHUNK)],
                    sems.at[p])

        def f_dom():
            tt = t - GROUPS
            for i in range(N_CH):
                idx = didx_v.at[pl.ds(tt * ROWS_T + i * CHUNK, CHUNK)]
                pltpu.async_copy(
                    outw_hbm.at[idx],
                    u_v.at[p].at[pl.ds(i * CHUNK, CHUNK)],
                    sems.at[p])
                pltpu.async_copy(
                    outb_hbm.at[idx],
                    bias_v.at[p].at[pl.ds(i * CHUNK, CHUNK)],
                    sems.at[p])

        lax.cond(t < GROUPS, f_ctx, f_dom)

    def drain(t):
        p = t & 1

        def d_ctx():
            pltpu.make_async_copy(inw_hbm.at[pl.ds(0, ROWS_T)],
                                  u_v.at[p], sems.at[p]).wait()

        def d_dom():
            pltpu.make_async_copy(outw_hbm.at[pl.ds(0, ROWS_T)],
                                  u_v.at[p], sems.at[p]).wait()
            pltpu.make_async_copy(outb_hbm.at[pl.ds(0, ROWS_T)],
                                  bias_v.at[p], sems.at[p]).wait()

        lax.cond(t < GROUPS, d_ctx, d_dom)

    def ctx_task(g):
        ub = u_v.at[g & 1]
        awrow = g * LANES + iota

        def ctx_body(d, _):
            cold = ((d + iota) & (LANES - 1)) | (d & ~(LANES - 1))
            acc = plsc.load_gather(ub, [row25, cold])
            for j in range(1, N_CTX):
                acc = acc + plsc.load_gather(ub, [row25 + j, cold])
            aw = plsc.load_gather(aw_v, [awrow, cold])
            ctx_v[pl.ds(d * B_PER_W + g * LANES, LANES)] = \
                acc * inv_nctx * aw
            return 0

        lax.fori_loop(0, D, ctx_body, 0, unroll=False)

    kt = 5

    def dom_task(tt):
        g = tt >> 1
        h = tt & 1
        ub = u_v.at[tt & 1]
        bb = bias_v.at[tt & 1]
        for kc in range(K_TASK // kt):
            rows = [row25 + (kc * kt + s) for s in range(kt)]

            def dot_body(d, accs, rows=rows):
                cold = ((d + iota) & (LANES - 1)) | (d & ~(LANES - 1))
                c = ctx_v[pl.ds(d * B_PER_W + g * LANES, LANES)]
                return tuple(
                    accs[s] + plsc.load_gather(ub, [rows[s], cold]) * c
                    for s in range(kt))

            accs = lax.fori_loop(
                0, D, dot_body,
                tuple(jnp.zeros((LANES,), jnp.float32) for _ in range(kt)),
                unroll=False)
            for s in range(kt):
                kk = kc * kt + s
                gidx = (g * (LANES * MAX_DOM) + row50
                        + (h * K_TASK + kk))
                val = (accs[s] + plsc.load_gather(bb, [rows[s]])
                       + plsc.load_gather(mask_v, [gidx]))
                plsc.store_scatter(log_v, [gidx], val)

    fire(0)

    def task_body(t, _):
        lax.cond(t + 1 < NT, lambda: fire(t + 1), lambda: None)
        drain(t)
        lax.cond(t < GROUPS,
                 lambda: ctx_task(t),
                 lambda: dom_task(t - GROUPS))
        return 0

    lax.fori_loop(0, NT, task_body, 0, unroll=False)

    pltpu.sync_copy(log_v, out_hbm.at[pl.ds(wid * B_PER_W * MAX_DOM,
                                            B_PER_W * MAX_DOM)])


@jax.jit
def _run(init_flat, dom_flat, attr_idx, mask_flat, in_W, out_W, out_b1,
         attr_W):
    mesh = plsc.VectorSubcoreMesh(core_axis_name="c", subcore_axis_name="s",
                                  num_cores=NC)
    grid_kernel = pl.kernel(
        _sc_body,
        out_type=jax.ShapeDtypeStruct((B * MAX_DOM,), jnp.float32),
        mesh=mesh,
        compiler_params=pltpu.CompilerParams(
            needs_layout_passes=False, use_tc_tiling_on_sc=False),
        scratch_types=[
            pltpu.VMEM((B_PER_W * N_CTX,), jnp.int32),
            pltpu.VMEM((B_PER_W * MAX_DOM,), jnp.int32),
            pltpu.VMEM((B_PER_W,), jnp.int32),
            pltpu.VMEM((B_PER_W * MAX_DOM,), jnp.float32),
            pltpu.VMEM((B_PER_W, D), jnp.float32),
            pltpu.VMEM((D * B_PER_W,), jnp.float32),
            pltpu.VMEM((B_PER_W * MAX_DOM,), jnp.float32),
            pltpu.VMEM((2, ROWS_T, D), jnp.float32),
            pltpu.VMEM((2, ROWS_T), jnp.float32),
            pltpu.SemaphoreType.DMA((2,)),
        ],
    )
    return grid_kernel(init_flat, dom_flat, attr_idx, mask_flat, in_W,
                       out_W, out_b1, attr_W)


def kernel(init_idxs, domain_idxs, attr_idx, domain_mask, in_W, out_W,
           out_B, attr_W):
    init_flat = init_idxs.astype(jnp.int32).reshape(B * N_CTX)
    dom_flat = (domain_idxs.astype(jnp.int32)
                .reshape(NW, GROUPS, LANES, KH, K_TASK)
                .transpose(0, 1, 3, 2, 4)
                .reshape(B * MAX_DOM))
    attr32 = attr_idx.astype(jnp.int32)
    mask_flat = domain_mask.reshape(B * MAX_DOM)
    out_b1 = out_B.reshape(-1)
    out = _run(init_flat, dom_flat, attr32, mask_flat, in_W, out_W, out_b1,
               attr_W)
    return out.reshape(B, MAX_DOM)

# --- scband reference (transcript-rebuilt; emitter-appended) ---
"""Pipeline reference for scband-tuple-embedding-77833397338522 (READ-ONLY COPY).

The authoritative reference and input builder live on the scoring server;
editing this copy changes nothing except your own understanding.
"""

import jax, jax.numpy as jnp
import numpy as np

B = 4096
N_CTX = 25          # n_init_attrs - 1 (target attr excluded from context)
MAX_DOM = 50
D = 64
N_INIT_VALS = 100000
N_TRAIN_VALS = 100000
N_TRAIN_ATTRS = 26


def setup_inputs(seed: int = 0) -> dict:
    key = jax.random.key(seed)
    k0, k1, k2, k3, k4, k5, k6 = jax.random.split(key, 7)
    init_idxs = jax.random.randint(k0, (B, N_CTX), 0, N_INIT_VALS, dtype=jnp.int64)
    domain_idxs = jax.random.randint(k1, (B, MAX_DOM), 0, N_TRAIN_VALS, dtype=jnp.int64)
    attr_idx = jax.random.randint(k2, (B,), 0, N_TRAIN_ATTRS, dtype=jnp.int64)
    domain_mask = jnp.zeros((B, MAX_DOM), dtype=jnp.float32)
    # learned parameters
    in_W = jax.random.normal(k3, (N_INIT_VALS, D), dtype=jnp.float32) * 0.02
    out_W = jax.random.normal(k4, (N_TRAIN_VALS, D), dtype=jnp.float32) * 0.02
    out_B = jax.random.normal(k5, (N_TRAIN_VALS, 1), dtype=jnp.float32) * 0.02
    attr_W = 1.0 + jax.random.normal(k6, (N_TRAIN_ATTRS, D), dtype=jnp.float32) * 0.02
    return {
        "init_idxs": init_idxs,
        "domain_idxs": domain_idxs,
        "attr_idx": attr_idx,
        "domain_mask": domain_mask,
        "in_W": in_W,
        "out_W": out_W,
        "out_B": out_B,
        "attr_W": attr_W,
    }


def reference(init_idxs, domain_idxs, attr_idx, domain_mask, in_W, out_W, out_B, attr_W):
    # context embedding: mean of init-value embeddings of the other attributes
    ctx = jnp.take(in_W, init_idxs, axis=0)            # [B, N_CTX, D]
    ctx = jnp.mean(ctx, axis=1)                        # [B, D]
    # attribute-specific reweighting of the context vector
    aw = jnp.take(attr_W, attr_idx, axis=0)            # [B, D]
    ctx = ctx * aw                                     # [B, D]
    # candidate (domain) value embeddings and biases
    tgt = jnp.take(out_W, domain_idxs, axis=0)         # [B, MAX_DOM, D]
    bias = jnp.take(out_B, domain_idxs, axis=0)[..., 0]  # [B, MAX_DOM]
    # dot-product logits over the candidate domain + mask (0 valid, -inf-ish padded)
    logits = jnp.einsum("bd,bkd->bk", ctx, tgt) + bias + domain_mask
    return logits

if __name__ == "__main__":
    import jax
    _d = setup_inputs()
    print(jax.jit(kernel)(*tuple(_d.values())))

</pallas_src>

<mosaic_0001>
#map = affine_map<(d0, d1) -> (0)>
#map1 = affine_map<(d0, d1) -> (0, 0)>
module attributes {stable_mosaic.version = 14 : i64} {
  func.func @_sc_body(%arg0: i32, %arg1: i32, %arg2: memref<102400xi32, #tpu.memory_space<hbm>>, %arg3: memref<204800xi32, #tpu.memory_space<hbm>>, %arg4: memref<4096xi32, #tpu.memory_space<hbm>>, %arg5: memref<204800xf32, #tpu.memory_space<hbm>>, %arg6: memref<100000x64xf32, #tpu.memory_space<hbm>>, %arg7: memref<100000x64xf32, #tpu.memory_space<hbm>>, %arg8: memref<100000xf32, #tpu.memory_space<hbm>>, %arg9: memref<26x64xf32, #tpu.memory_space<hbm>>, %arg10: memref<204800xf32, #tpu.memory_space<hbm>>, %arg11: memref<3200xi32, #tpu.memory_space<vmem>>, %arg12: memref<6400xi32, #tpu.memory_space<vmem>>, %arg13: memref<128xi32, #tpu.memory_space<vmem>>, %arg14: memref<6400xf32, #tpu.memory_space<vmem>>, %arg15: memref<128x64xf32, #tpu.memory_space<vmem>>, %arg16: memref<8192xf32, #tpu.memory_space<vmem>>, %arg17: memref<6400xf32, #tpu.memory_space<vmem>>, %arg18: memref<2x400x64xf32, #tpu.memory_space<vmem>>, %arg19: memref<2x400xf32, #tpu.memory_space<vmem>>, %arg20: memref<2x!tpu.dma_semaphore, #tpu.memory_space<semaphore_mem>>) attributes {dimension_semantics = [#tpu.dimension_semantics<core_parallel>, #tpu.dimension_semantics<subcore_parallel>], iteration_bounds = array<i64: 2, 16>, scalar_prefetch = 0 : i64, scratch_operands = 10 : i64, tpu.core_type = #tpu.core_type<sc_vector_subcore>, window_params = [{transform_indices = #map}, {transform_indices = #map}, {transform_indices = #map}, {transform_indices = #map}, {transform_indices = #map1}, {transform_indices = #map1}, {transform_indices = #map}, {transform_indices = #map1}, {transform_indices = #map}]} {
    %mul3A = arith.constant 2 : i32
    %mul3A_0 = arith.muli %arg1, %mul3A : i32
    %add3A = arith.addi %mul3A_0, %arg0 : i32
    %iota3A = tpu.iota {dimensions = array<i32: 0>} : vector<16xi32>
    %mul3A_1 = arith.constant 25 : i32
    %mul3A_2 = vector.broadcast %mul3A_1 : i32 to vector<16xi32>
    %mul3A_3 = arith.muli %iota3A, %mul3A_2 : vector<16xi32>
    %mul3A_4 = arith.constant 50 : i32
    %mul3A_5 = vector.broadcast %mul3A_4 : i32 to vector<16xi32>
    %mul3A_6 = arith.muli %iota3A, %mul3A_5 : vector<16xi32>
    %mul3A_7 = arith.constant 128 : i32
    %mul3A_8 = arith.muli %add3A, %mul3A_7 : i32
    %mul3A_9 = arith.constant 25 : i32
    %mul3A_10 = arith.muli %mul3A_8, %mul3A_9 : i32
    "tpu.region"() ({
      %run_scoped3A = tpu.sem_alloc : memref<!tpu.dma_semaphore, #tpu.memory_space<semaphore_mem>>
      %dma_start3A_122 = tpu.memref_slice %arg2[%mul3A_10] : memref<102400xi32, #tpu.memory_space<hbm>> -> memref<3200xi32, #tpu.memory_space<hbm>>
      %dma_start3A_123 = tpu.memref_slice %arg2[%mul3A_10] : memref<102400xi32, #tpu.memory_space<hbm>> -> memref<3200xi32, #tpu.memory_space<hbm>>
      tpu.enqueue_dma source(%dma_start3A_123 : memref<3200xi32, #tpu.memory_space<hbm>>) target(%arg11 : memref<3200xi32, #tpu.memory_space<vmem>>) target_semaphore(%run_scoped3A : memref<!tpu.dma_semaphore, #tpu.memory_space<semaphore_mem>>)
      %dma_wait3A_124 = tpu.memref_slice %arg2[%mul3A_10] : memref<102400xi32, #tpu.memory_space<hbm>> -> memref<3200xi32, #tpu.memory_space<hbm>>
      %dma_wait3A_125 = tpu.memref_slice %arg2[%mul3A_10] : memref<102400xi32, #tpu.memory_space<hbm>> -> memref<3200xi32, #tpu.memory_space<hbm>>
      tpu.wait_dma2 semaphore(%run_scoped3A : memref<!tpu.dma_semaphore, #tpu.memory_space<semaphore_mem>>) src(%dma_wait3A_125 : memref<3200xi32, #tpu.memory_space<hbm>>) dst(%arg11 : memref<3200xi32, #tpu.memory_space<vmem>>)
      tpu.yield
    }) : () -> ()
    %mul3A_11 = arith.constant 128 : i32
    %mul3A_12 = arith.muli %add3A, %mul3A_11 : i32
    %mul3A_13 = arith.constant 50 : i32
    %mul3A_14 = arith.muli %mul3A_12, %mul3A_13 : i32
    "tpu.region"() ({
      %run_scoped3A = tpu.sem_alloc : memref<!tpu.dma_semaphore, #tpu.memory_space<semaphore_mem>>
      %dma_start3A_122 = tpu.memref_slice %arg3[%mul3A_14] : memref<204800xi32, #tpu.memory_space<hbm>> -> memref<6400xi32, #tpu.memory_space<hbm>>
      %dma_start3A_123 = tpu.memref_slice %arg3[%mul3A_14] : memref<204800xi32, #tpu.memory_space<hbm>> -> memref<6400xi32, #tpu.memory_space<hbm>>
      tpu.enqueue_dma source(%dma_start3A_123 : memref<6400xi32, #tpu.memory_space<hbm>>) target(%arg12 : memref<6400xi32, #tpu.memory_space<vmem>>) target_semaphore(%run_scoped3A : memref<!tpu.dma_semaphore, #tpu.memory_space<semaphore_mem>>)
      %dma_wait3A_124 = tpu.memref_slice %arg3[%mul3A_14] : memref<204800xi32, #tpu.memory_space<hbm>> -> memref<6400xi32, #tpu.memory_space<hbm>>
      %dma_wait3A_125 = tpu.memref_slice %arg3[%mul3A_14] : memref<204800xi32, #tpu.memory_space<hbm>> -> memref<6400xi32, #tpu.memory_space<hbm>>
      tpu.wait_dma2 semaphore(%run_scoped3A : memref<!tpu.dma_semaphore, #tpu.memory_space<semaphore_mem>>) src(%dma_wait3A_125 : memref<6400xi32, #tpu.memory_space<hbm>>) dst(%arg12 : memref<6400xi32, #tpu.memory_space<vmem>>)
      tpu.yield
    }) : () -> ()
    %mul3A_15 = arith.constant 128 : i32
    %mul3A_16 = arith.muli %add3A, %mul3A_15 : i32
    "tpu.region"() ({
      %run_scoped3A = tpu.sem_alloc : memref<!tpu.dma_semaphore, #tpu.memory_space<semaphore_mem>>
      %dma_start3A_122 = tpu.memref_slice %arg4[%mul3A_16] : memref<4096xi32, #tpu.memory_space<hbm>> -> memref<128xi32, #tpu.memory_space<hbm>>
      %dma_start3A_123 = tpu.memref_slice %arg4[%mul3A_16] : memref<4096xi32, #tpu.memory_space<hbm>> -> memref<128xi32, #tpu.memory_space<hbm>>
      tpu.enqueue_dma source(%dma_start3A_123 : memref<128xi32, #tpu.memory_space<hbm>>) target(%arg13 : memref<128xi32, #tpu.memory_space<vmem>>) target_semaphore(%run_scoped3A : memref<!tpu.dma_semaphore, #tpu.memory_space<semaphore_mem>>)
      %dma_wait3A_124 = tpu.memref_slice %arg4[%mul3A_16] : memref<4096xi32, #tpu.memory_space<hbm>> -> memref<128xi32, #tpu.memory_space<hbm>>
      %dma_wait3A_125 = tpu.memref_slice %arg4[%mul3A_16] : memref<4096xi32, #tpu.memory_space<hbm>> -> memref<128xi32, #tpu.memory_space<hbm>>
      tpu.wait_dma2 semaphore(%run_scoped3A : memref<!tpu.dma_semaphore, #tpu.memory_space<semaphore_mem>>) src(%dma_wait3A_125 : memref<128xi32, #tpu.memory_space<hbm>>) dst(%arg13 : memref<128xi32, #tpu.memory_space<vmem>>)
      tpu.yield
    }) : () -> ()
    %mul3A_17 = arith.constant 128 : i32
    %mul3A_18 = arith.muli %add3A, %mul3A_17 : i32
    %mul3A_19 = arith.constant 50 : i32
    %mul3A_20 = arith.muli %mul3A_18, %mul3A_19 : i32
    "tpu.region"() ({
      %run_scoped3A = tpu.sem_alloc : memref<!tpu.dma_semaphore, #tpu.memory_space<semaphore_mem>>
      %dma_start3A_122 = tpu.memref_slice %arg5[%mul3A_20] : memref<204800xf32, #tpu.memory_space<hbm>> -> memref<6400xf32, #tpu.memory_space<hbm>>
      %dma_start3A_123 = tpu.memref_slice %arg5[%mul3A_20] : memref<204800xf32, #tpu.memory_space<hbm>> -> memref<6400xf32, #tpu.memory_space<hbm>>
      tpu.enqueue_dma source(%dma_start3A_123 : memref<6400xf32, #tpu.memory_space<hbm>>) target(%arg14 : memref<6400xf32, #tpu.memory_space<vmem>>) target_semaphore(%run_scoped3A : memref<!tpu.dma_semaphore, #tpu.memory_space<semaphore_mem>>)
      %dma_wait3A_124 = tpu.memref_slice %arg5[%mul3A_20] : memref<204800xf32, #tpu.memory_space<hbm>> -> memref<6400xf32, #tpu.memory_space<hbm>>
      %dma_wait3A_125 = tpu.memref_slice %arg5[%mul3A_20] : memref<204800xf32, #tpu.memory_space<hbm>> -> memref<6400xf32, #tpu.memory_space<hbm>>
      tpu.wait_dma2 semaphore(%run_scoped3A : memref<!tpu.dma_semaphore, #tpu.memory_space<semaphore_mem>>) src(%dma_wait3A_125 : memref<6400xf32, #tpu.memory_space<hbm>>) dst(%arg14 : memref<6400xf32, #tpu.memory_space<vmem>>)
      tpu.yield
    }) : () -> ()
    %dma_start3A = arith.constant 0 : i32
    %dma_start3A_21 = arith.constant 0 : i32
    %dma_start3A_22 = arith.constant 0 : i32
    %dma_start3A_23 = tpu.memref_slice %arg9[%dma_start3A_21, %dma_start3A_22] : memref<26x64xf32, #tpu.memory_space<hbm>> -> memref<26x64xf32, #tpu.memory_space<hbm>>
    %dma_start3A_24 = tpu.memref_slice %arg20[%dma_start3A] : memref<2x!tpu.dma_semaphore, #tpu.memory_space<semaphore_mem>> -> memref<1x!tpu.dma_semaphore, #tpu.memory_space<semaphore_mem>>
    %dma_start3A_25 = tpu.memref_squeeze %dma_start3A_24 : memref<1x!tpu.dma_semaphore, #tpu.memory_space<semaphore_mem>> -> memref<!tpu.dma_semaphore, #tpu.memory_space<semaphore_mem>>
    tpu.enqueue_indirect_dma source(%dma_start3A_23 : memref<26x64xf32, #tpu.memory_space<hbm>>) target(%arg15 : memref<128x64xf32, #tpu.memory_space<vmem>>) offsets(%arg13 : memref<128xi32, #tpu.memory_space<vmem>>) semaphore(%dma_start3A_25 : memref<!tpu.dma_semaphore, #tpu.memory_space<semaphore_mem>>)
    %dma_wait3A = arith.constant 0 : i32
    %dma_wait3A_26 = arith.constant 0 : i32
    %dma_wait3A_27 = arith.constant 0 : i32
    %dma_wait3A_28 = tpu.memref_slice %arg9[%dma_wait3A_26, %dma_wait3A_27] : memref<26x64xf32, #tpu.memory_space<hbm>> -> memref<26x64xf32, #tpu.memory_space<hbm>>
    %dma_wait3A_29 = tpu.memref_slice %arg20[%dma_wait3A] : memref<2x!tpu.dma_semaphore, #tpu.memory_space<semaphore_mem>> -> memref<1x!tpu.dma_semaphore, #tpu.memory_space<semaphore_mem>>
    %dma_wait3A_30 = tpu.memref_squeeze %dma_wait3A_29 : memref<1x!tpu.dma_semaphore, #tpu.memory_space<semaphore_mem>> -> memref<!tpu.dma_semaphore, #tpu.memory_space<semaphore_mem>>
    tpu.wait_indirect_dma semaphore(%dma_wait3A_30 : memref<!tpu.dma_semaphore, #tpu.memory_space<semaphore_mem>>) src(%dma_wait3A_28 : memref<26x64xf32, #tpu.memory_space<hbm>>) dst(%arg15 : memref<128x64xf32, #tpu.memory_space<vmem>>)
    %cond3A = arith.constant 1 : i32
    %dma_start3A_31 = arith.constant 0 : i32
    %dma_start3A_32 = arith.constant 0 : i32
    %dma_start3A_33 = arith.constant 0 : i32
    %dma_start3A_34 = arith.constant 0 : i32
    %dma_start3A_35 = tpu.memref_slice %arg18[%dma_start3A_31, %dma_start3A_33, %dma_start3A_34] : memref<2x400x64xf32, #tpu.memory_space<vmem>> -> memref<1x400x64xf32, #tpu.memory_space<vmem>>
    %dma_start3A_36 = tpu.memref_squeeze %dma_start3A_35 : memref<1x400x64xf32, #tpu.memory_space<vmem>> -> memref<400x64xf32, #tpu.memory_space<vmem>>
    %dma_start3A_37 = arith.constant 0 : i32
    %dma_start3A_38 = arith.constant 0 : i32
    %dma_start3A_39 = tpu.memref_slice %dma_start3A_36[%dma_start3A_37, %dma_start3A_38] : memref<400x64xf32, #tpu.memory_space<vmem>> -> memref<80x64xf32, #tpu.memory_space<vmem>>
    %dma_start3A_40 = arith.constant 0 : i32
    %dma_start3A_41 = tpu.memref_slice %arg11[%dma_start3A_40] : memref<3200xi32, #tpu.memory_space<vmem>> -> memref<80xi32, #tpu.memory_space<vmem>>
    %dma_start3A_42 = arith.constant 0 : i32
    %dma_start3A_43 = arith.constant 0 : i32
    %dma_start3A_44 = tpu.memref_slice %arg6[%dma_start3A_42, %dma_start3A_43] : memref<100000x64xf32, #tpu.memory_space<hbm>> -> memref<100000x64xf32, #tpu.memory_space<hbm>>
    %dma_start3A_45 = tpu.memref_slice %arg20[%dma_start3A_32] : memref<2x!tpu.dma_semaphore, #tpu.memory_space<semaphore_mem>> -> memref<1x!tpu.dma_semaphore, #tpu.memory_space<semaphore_mem>>
    %dma_start3A_46 = tpu.memref_squeeze %dma_start3A_45 : memref<1x!tpu.dma_semaphore, #tpu.memory_space<semaphore_mem>> -> memref<!tpu.dma_semaphore, #tpu.memory_space<semaphore_mem>>
    tpu.enqueue_indirect_dma source(%dma_start3A_44 : memref<100000x64xf32, #tpu.memory_space<hbm>>) target(%dma_start3A_39 : memref<80x64xf32, #tpu.memory_space<vmem>>) offsets(%dma_start3A_41 : memref<80xi32, #tpu.memory_space<vmem>>) semaphore(%dma_start3A_46 : memref<!tpu.dma_semaphore, #tpu.memory_space<semaphore_mem>>)
    %dma_start3A_47 = arith.constant 0 : i32
    %dma_start3A_48 = arith.constant 0 : i32
    %dma_start3A_49 = arith.constant 0 : i32
    %dma_start3A_50 = arith.constant 0 : i32
    %dma_start3A_51 = tpu.memref_slice %arg18[%dma_start3A_47, %dma_start3A_49, %dma_start3A_50] : memref<2x400x64xf32, #tpu.memory_space<vmem>> -> memref<1x400x64xf32, #tpu.memory_space<vmem>>
    %dma_start3A_52 = tpu.memref_squeeze %dma_start3A_51 : memref<1x400x64xf32, #tpu.memory_space<vmem>> -> memref<400x64xf32, #tpu.memory_space<vmem>>
    %dma_start3A_53 = arith.constant 80 : i32
    %dma_start3A_54 = arith.constant 0 : i32
    %dma_start3A_55 = tpu.memref_slice %dma_start3A_52[%dma_start3A_53, %dma_start3A_54] : memref<400x64xf32, #tpu.memory_space<vmem>> -> memref<80x64xf32, #tpu.memory_space<vmem>>
    %dma_start3A_56 = arith.constant 80 : i32
    %dma_start3A_57 = tpu.memref_slice %arg11[%dma_start3A_56] : memref<3200xi32, #tpu.memory_space<vmem>> -> memref<80xi32, #tpu.memory_space<vmem>>
    %dma_start3A_58 = arith.constant 0 : i32
    %dma_start3A_59 = arith.constant 0 : i32
    %dma_start3A_60 = tpu.memref_slice %arg6[%dma_start3A_58, %dma_start3A_59] : memref<100000x64xf32, #tpu.memory_space<hbm>> -> memref<100000x64xf32, #tpu.memory_space<hbm>>
    %dma_start3A_61 = tpu.memref_slice %arg20[%dma_start3A_48] : memref<2x!tpu.dma_semaphore, #tpu.memory_space<semaphore_mem>> -> memref<1x!tpu.dma_semaphore, #tpu.memory_space<semaphore_mem>>
    %dma_start3A_62 = tpu.memref_squeeze %dma_start3A_61 : memref<1x!tpu.dma_semaphore, #tpu.memory_space<semaphore_mem>> -> memref<!tpu.dma_semaphore, #tpu.memory_space<semaphore_mem>>
    tpu.enqueue_indirect_dma source(%dma_start3A_60 : memref<100000x64xf32, #tpu.memory_space<hbm>>) target(%dma_start3A_55 : memref<80x64xf32, #tpu.memory_space<vmem>>) offsets(%dma_start3A_57 : memref<80xi32, #tpu.memory_space<vmem>>) semaphore(%dma_start3A_62 : memref<!tpu.dma_semaphore, #tpu.memory_space<semaphore_mem>>)
    %dma_start3A_63 = arith.constant 0 : i32
    %dma_start3A_64 = arith.constant 0 : i32
    %dma_start3A_65 = arith.constant 0 : i32
    %dma_start3A_66 = arith.constant 0 : i32
    %dma_start3A_67 = tpu.memref_slice %arg18[%dma_start3A_63, %dma_start3A_65, %dma_start3A_66] : memref<2x400x64xf32, #tpu.memory_space<vmem>> -> memref<1x400x64xf32, #tpu.memory_space<vmem>>
    %dma_start3A_68 = tpu.memref_squeeze %dma_start3A_67 : memref<1x400x64xf32, #tpu.memory_space<vmem>> -> memref<400x64xf32, #tpu.memory_space<vmem>>
    %dma_start3A_69 = arith.constant 160 : i32
    %dma_start3A_70 = arith.constant 0 : i32
    %dma_start3A_71 = tpu.memref_slice %dma_start3A_68[%dma_start3A_69, %dma_start3A_70] : memref<400x64xf32, #tpu.memory_space<vmem>> -> memref<80x64xf32, #tpu.memory_space<vmem>>
    %dma_start3A_72 = arith.constant 160 : i32
    %dma_start3A_73 = tpu.memref_slice %arg11[%dma_start3A_72] : memref<3200xi32, #tpu.memory_space<vmem>> -> memref<80xi32, #tpu.memory_space<vmem>>
    %dma_start3A_74 = arith.constant 0 : i32
    %dma_start3A_75 = arith.constant 0 : i32
    %dma_start3A_76 = tpu.memref_slice %arg6[%dma_start3A_74, %dma_start3A_75] : memref<100000x64xf32, #tpu.memory_space<hbm>> -> memref<100000x64xf32, #tpu.memory_space<hbm>>
    %dma_start3A_77 = tpu.memref_slice %arg20[%dma_start3A_64] : memref<2x!tpu.dma_semaphore, #tpu.memory_space<semaphore_mem>> -> memref<1x!tpu.dma_semaphore, #tpu.memory_space<semaphore_mem>>
    %dma_start3A_78 = tpu.memref_squeeze %dma_start3A_77 : memref<1x!tpu.dma_semaphore, #tpu.memory_space<semaphore_mem>> -> memref<!tpu.dma_semaphore, #tpu.memory_space<semaphore_mem>>
    tpu.enqueue_indirect_dma source(%dma_start3A_76 : memref<100000x64xf32, #tpu.memory_space<hbm>>) target(%dma_start3A_71 : memref<80x64xf32, #tpu.memory_space<vmem>>) offsets(%dma_start3A_73 : memref<80xi32, #tpu.memory_space<vmem>>) semaphore(%dma_start3A_78 : memref<!tpu.dma_semaphore, #tpu.memory_space<semaphore_mem>>)
    %dma_start3A_79 = arith.constant 0 : i32
    %dma_start3A_80 = arith.constant 0 : i32
    %dma_start3A_81 = arith.constant 0 : i32
    %dma_start3A_82 = arith.constant 0 : i32
    %dma_start3A_83 = tpu.memref_slice %arg18[%dma_start3A_79, %dma_start3A_81, %dma_start3A_82] : memref<2x400x64xf32, #tpu.memory_space<vmem>> -> memref<1x400x64xf32, #tpu.memory_space<vmem>>
    %dma_start3A_84 = tpu.memref_squeeze %dma_start3A_83 : memref<1x400x64xf32, #tpu.memory_space<vmem>> -> memref<400x64xf32, #tpu.memory_space<vmem>>
    %dma_start3A_85 = arith.constant 240 : i32
    %dma_start3A_86 = arith.constant 0 : i32
    %dma_start3A_87 = tpu.memref_slice %dma_start3A_84[%dma_start3A_85, %dma_start3A_86] : memref<400x64xf32, #tpu.memory_space<vmem>> -> memref<80x64xf32, #tpu.memory_space<vmem>>
    %dma_start3A_88 = arith.constant 240 : i32
    %dma_start3A_89 = tpu.memref_slice %arg11[%dma_start3A_88] : memref<3200xi32, #tpu.memory_space<vmem>> -> memref<80xi32, #tpu.memory_space<vmem>>
    %dma_start3A_90 = arith.constant 0 : i32
    %dma_start3A_91 = arith.constant 0 : i32
    %dma_start3A_92 = tpu.memref_slice %arg6[%dma_start3A_90, %dma_start3A_91] : memref<100000x64xf32, #tpu.memory_space<hbm>> -> memref<100000x64xf32, #tpu.memory_space<hbm>>
    %dma_start3A_93 = tpu.memref_slice %arg20[%dma_start3A_80] : memref<2x!tpu.dma_semaphore, #tpu.memory_space<semaphore_mem>> -> memref<1x!tpu.dma_semaphore, #tpu.memory_space<semaphore_mem>>
    %dma_start3A_94 = tpu.memref_squeeze %dma_start3A_93 : memref<1x!tpu.dma_semaphore, #tpu.memory_space<semaphore_mem>> -> memref<!tpu.dma_semaphore, #tpu.memory_space<semaphore_mem>>
    tpu.enqueue_indirect_dma source(%dma_start3A_92 : memref<100000x64xf32, #tpu.memory_space<hbm>>) target(%dma_start3A_87 : memref<80x64xf32, #tpu.memory_space<vmem>>) offsets(%dma_start3A_89 : memref<80xi32, #tpu.memory_space<vmem>>) semaphore(%dma_start3A_94 : memref<!tpu.dma_semaphore, #tpu.memory_space<semaphore_mem>>)
    %dma_start3A_95 = arith.constant 0 : i32
    %dma_start3A_96 = arith.constant 0 : i32
    %dma_start3A_97 = arith.constant 0 : i32
    %dma_start3A_98 = arith.constant 0 : i32
    %dma_start3A_99 = tpu.memref_slice %arg18[%dma_start3A_95, %dma_start3A_97, %dma_start3A_98] : memref<2x400x64xf32, #tpu.memory_space<vmem>> -> memref<1x400x64xf32, #tpu.memory_space<vmem>>
    %dma_start3A_100 = tpu.memref_squeeze %dma_start3A_99 : memref<1x400x64xf32, #tpu.memory_space<vmem>> -> memref<400x64xf32, #tpu.memory_space<vmem>>
    %dma_start3A_101 = arith.constant 320 : i32
    %dma_start3A_102 = arith.constant 0 : i32
    %dma_start3A_103 = tpu.memref_slice %dma_start3A_100[%dma_start3A_101, %dma_start3A_102] : memref<400x64xf32, #tpu.memory_space<vmem>> -> memref<80x64xf32, #tpu.memory_space<vmem>>
    %dma_start3A_104 = arith.constant 320 : i32
    %dma_start3A_105 = tpu.memref_slice %arg11[%dma_start3A_104] : memref<3200xi32, #tpu.memory_space<vmem>> -> memref<80xi32, #tpu.memory_space<vmem>>
    %dma_start3A_106 = arith.constant 0 : i32
    %dma_start3A_107 = arith.constant 0 : i32
    %dma_start3A_108 = tpu.memref_slice %arg6[%dma_start3A_106, %dma_start3A_107] : memref<100000x64xf32, #tpu.memory_space<hbm>> -> memref<100000x64xf32, #tpu.memory_space<hbm>>
    %dma_start3A_109 = tpu.memref_slice %arg20[%dma_start3A_96] : memref<2x!tpu.dma_semaphore, #tpu.memory_space<semaphore_mem>> -> memref<1x!tpu.dma_semaphore, #tpu.memory_space<semaphore_mem>>
    %dma_start3A_110 = tpu.memref_squeeze %dma_start3A_109 : memref<1x!tpu.dma_semaphore, #tpu.memory_space<semaphore_mem>> -> memref<!tpu.dma_semaphore, #tpu.memory_space<semaphore_mem>>
    tpu.enqueue_indirect_dma source(%dma_start3A_108 : memref<100000x64xf32, #tpu.memory_space<hbm>>) target(%dma_start3A_103 : memref<80x64xf32, #tpu.memory_space<vmem>>) offsets(%dma_start3A_105 : memref<80xi32, #tpu.memory_space<vmem>>) semaphore(%dma_start3A_110 : memref<!tpu.dma_semaphore, #tpu.memory_space<semaphore_mem>>)
    %scan3A = arith.constant 4.000000e-02 : f32
    %scan3A_111 = arith.constant 0 : i32
    %scan3A_112 = arith.constant 0 : i32
    %scan3A_113 = arith.constant 24 : i32
    %scan3A_114 = arith.addi %scan3A_112, %scan3A_113 : i32
    %scan3A_115 = arith.constant 1 : i32
    %scan3A_116 = scf.for %scan3A_122 = %scan3A_112 to %scan3A_114 step %scan3A_115 iter_args(%scan3A_123 = %scan3A_111) -> (i32)  : i32 {
      %add3A_124 = arith.constant 1 : i32
      %add3A_125 = arith.addi %scan3A_122, %add3A_124 : i32
      %lt3A = arith.constant 24 : i32
      %lt3A_126 = arith.cmpi slt, %add3A_125, %lt3A : i32
      %convert_element_type3A = arith.extui %lt3A_126 : i1 to i32
      %cond3A_127 = arith.constant 0 : i32
      %cond3A_128 = arith.cmpi ne, %convert_element_type3A, %cond3A_127 : i32
      scf.if %cond3A_128 {
        %add3A_141 = arith.constant 1 : i32
        %add3A_142 = arith.addi %scan3A_122, %add3A_141 : i32
        %and3A_143 = arith.constant 1 : i32
        %and3A_144 = arith.andi %add3A_142, %and3A_143 : i32
        %lt3A_145 = arith.constant 8 : i32
        %lt3A_146 = arith.cmpi slt, %add3A_142, %lt3A_145 : i32
        %convert_element_type3A_147 = arith.extui %lt3A_146 : i1 to i32
        %cond3A_148 = arith.constant 0 : i32
        %cond3A_149 = arith.cmpi ne, %convert_element_type3A_147, %cond3A_148 : i32
        scf.if %cond3A_149 {
          %mul3A_150 = arith.constant 400 : i32
          %mul3A_151 = arith.muli %add3A_142, %mul3A_150 : i32
          %add3A_152 = arith.constant 0 : i32
          %add3A_153 = arith.addi %mul3A_151, %add3A_152 : i32
          %dma_start3A_154 = arith.constant 0 : i32
          %dma_start3A_155 = arith.constant 0 : i32
          %dma_start3A_156 = tpu.memref_slice %arg18[%and3A_144, %dma_start3A_154, %dma_start3A_155] : memref<2x400x64xf32, #tpu.memory_space<vmem>> -> memref<1x400x64xf32, #tpu.memory_space<vmem>>
          %dma_start3A_157 = tpu.memref_squeeze %dma_start3A_156 : memref<1x400x64xf32, #tpu.memory_space<vmem>> -> memref<400x64xf32, #tpu.memory_space<vmem>>
          %dma_start3A_158 = arith.constant 0 : i32
          %dma_start3A_159 = arith.constant 0 : i32
          %dma_start3A_160 = tpu.memref_slice %dma_start3A_157[%dma_start3A_158, %dma_start3A_159] : memref<400x64xf32, #tpu.memory_space<vmem>> -> memref<80x64xf32, #tpu.memory_space<vmem>>
          %dma_start3A_161 = tpu.memref_slice %arg11[%add3A_153] : memref<3200xi32, #tpu.memory_space<vmem>> -> memref<80xi32, #tpu.memory_space<vmem>>
          %dma_start3A_162 = arith.constant 0 : i32
          %dma_start3A_163 = arith.constant 0 : i32
          %dma_start3A_164 = tpu.memref_slice %arg6[%dma_start3A_162, %dma_start3A_163] : memref<100000x64xf32, #tpu.memory_space<hbm>> -> memref<100000x64xf32, #tpu.memory_space<hbm>>
          %dma_start3A_165 = tpu.memref_slice %arg20[%and3A_144] : memref<2x!tpu.dma_semaphore, #tpu.memory_space<semaphore_mem>> -> memref<1x!tpu.dma_semaphore, #tpu.memory_space<semaphore_mem>>
          %dma_start3A_166 = tpu.memref_squeeze %dma_start3A_165 : memref<1x!tpu.dma_semaphore, #tpu.memory_space<semaphore_mem>> -> memref<!tpu.dma_semaphore, #tpu.memory_space<semaphore_mem>>
          tpu.enqueue_indirect_dma source(%dma_start3A_164 : memref<100000x64xf32, #tpu.memory_space<hbm>>) target(%dma_start3A_160 : memref<80x64xf32, #tpu.memory_space<vmem>>) offsets(%dma_start3A_161 : memref<80xi32, #tpu.memory_space<vmem>>) semaphore(%dma_start3A_166 : memref<!tpu.dma_semaphore, #tpu.memory_space<semaphore_mem>>)
          %mul3A_167 = arith.constant 400 : i32
          %mul3A_168 = arith.muli %add3A_142, %mul3A_167 : i32
          %add3A_169 = arith.constant 80 : i32
          %add3A_170 = arith.addi %mul3A_168, %add3A_169 : i32
          %dma_start3A_171 = arith.constant 0 : i32
          %dma_start3A_172 = arith.constant 0 : i32
          %dma_start3A_173 = tpu.memref_slice %arg18[%and3A_144, %dma_start3A_171, %dma_start3A_172] : memref<2x400x64xf32, #tpu.memory_space<vmem>> -> memref<1x400x64xf32, #tpu.memory_space<vmem>>
          %dma_start3A_174 = tpu.memref_squeeze %dma_start3A_173 : memref<1x400x64xf32, #tpu.memory_space<vmem>> -> memref<400x64xf32, #tpu.memory_space<vmem>>
          %dma_start3A_175 = arith.constant 80 : i32
          %dma_start3A_176 = arith.constant 0 : i32
          %dma_start3A_177 = tpu.memref_slice %dma_start3A_174[%dma_start3A_175, %dma_start3A_176] : memref<400x64xf32, #tpu.memory_space<vmem>> -> memref<80x64xf32, #tpu.memory_space<vmem>>
          %dma_start3A_178 = tpu.memref_slice %arg11[%add3A_170] : memref<3200xi32, #tpu.memory_space<vmem>> -> memref<80xi32, #tpu.memory_space<vmem>>
          %dma_start3A_179 = arith.constant 0 : i32
          %dma_start3A_180 = arith.constant 0 : i32
          %dma_start3A_181 = tpu.memref_slice %arg6[%dma_start3A_179, %dma_start3A_180] : memref<100000x64xf32, #tpu.memory_space<hbm>> -> memref<100000x64xf32, #tpu.memory_space<hbm>>
          %dma_start3A_182 = tpu.memref_slice %arg20[%and3A_144] : memref<2x!tpu.dma_semaphore, #tpu.memory_space<semaphore_mem>> -> memref<1x!tpu.dma_semaphore, #tpu.memory_space<semaphore_mem>>
          %dma_start3A_183 = tpu.memref_squeeze %dma_start3A_182 : memref<1x!tpu.dma_semaphore, #tpu.memory_space<semaphore_mem>> -> memref<!tpu.dma_semaphore, #tpu.memory_space<semaphore_mem>>
          tpu.enqueue_indirect_dma source(%dma_start3A_181 : memref<100000x64xf32, #tpu.memory_space<hbm>>) target(%dma_start3A_177 : memref<80x64xf32, #tpu.memory_space<vmem>>) offsets(%dma_start3A_178 : memref<80xi32, #tpu.memory_space<vmem>>) semaphore(%dma_start3A_183 : memref<!tpu.dma_semaphore, #tpu.memory_space<semaphore_mem>>)
          %mul3A_184 = arith.constant 400 : i32
          %mul3A_185 = arith.muli %add3A_142, %mul3A_184 : i32
          %add3A_186 = arith.constant 160 : i32
          %add3A_187 = arith.addi %mul3A_185, %add3A_186 : i32
          %dma_start3A_188 = arith.constant 0 : i32
          %dma_start3A_189 = arith.constant 0 : i32
          %dma_start3A_190 = tpu.memref_slice %arg18[%and3A_144, %dma_start3A_188, %dma_start3A_189] : memref<2x400x64xf32, #tpu.memory_space<vmem>> -> memref<1x400x64xf32, #tpu.memory_space<vmem>>
          %dma_start3A_191 = tpu.memref_squeeze %dma_start3A_190 : memref<1x400x64xf32, #tpu.memory_space<vmem>> -> memref<400x64xf32, #tpu.memory_space<vmem>>
          %dma_start3A_192 = arith.constant 160 : i32
          %dma_start3A_193 = arith.constant 0 : i32
          %dma_start3A_194 = tpu.memref_slice %dma_start3A_191[%dma_start3A_192, %dma_start3A_193] : memref<400x64xf32, #tpu.memory_space<vmem>> -> memref<80x64xf32, #tpu.memory_space<vmem>>
          %dma_start3A_195 = tpu.memref_slice %arg11[%add3A_187] : memref<3200xi32, #tpu.memory_space<vmem>> -> memref<80xi32, #tpu.memory_space<vmem>>
          %dma_start3A_196 = arith.constant 0 : i32
          %dma_start3A_197 = arith.constant 0 : i32
          %dma_start3A_198 = tpu.memref_slice %arg6[%dma_start3A_196, %dma_start3A_197] : memref<100000x64xf32, #tpu.memory_space<hbm>> -> memref<100000x64xf32, #tpu.memory_space<hbm>>
          %dma_start3A_199 = tpu.memref_slice %arg20[%and3A_144] : memref<2x!tpu.dma_semaphore, #tpu.memory_space<semaphore_mem>> -> memref<1x!tpu.dma_semaphore, #tpu.memory_space<semaphore_mem>>
          %dma_start3A_200 = tpu.memref_squeeze %dma_start3A_199 : memref<1x!tpu.dma_semaphore, #tpu.memory_space<semaphore_mem>> -> memref<!tpu.dma_semaphore, #tpu.memory_space<semaphore_mem>>
          tpu.enqueue_indirect_dma source(%dma_start3A_198 : memref<100000x64xf32, #tpu.memory_space<hbm>>) target(%dma_start3A_194 : memref<80x64xf32, #tpu.memory_space<vmem>>) offsets(%dma_start3A_195 : memref<80xi32, #tpu.memory_space<vmem>>) semaphore(%dma_start3A_200 : memref<!tpu.dma_semaphore, #tpu.memory_space<semaphore_mem>>)
          %mul3A_201 = arith.constant 400 : i32
          %mul3A_202 = arith.muli %add3A_142, %mul3A_201 : i32
          %add3A_203 = arith.constant 240 : i32
          %add3A_204 = arith.addi %mul3A_202, %add3A_203 : i32
          %dma_start3A_205 = arith.constant 0 : i32
          %dma_start3A_206 = arith.constant 0 : i32
          %dma_start3A_207 = tpu.memref_slice %arg18[%and3A_144, %dma_start3A_205, %dma_start3A_206] : memref<2x400x64xf32, #tpu.memory_space<vmem>> -> memref<1x400x64xf32, #tpu.memory_space<vmem>>
          %dma_start3A_208 = tpu.memref_squeeze %dma_start3A_207 : memref<1x400x64xf32, #tpu.memory_space<vmem>> -> memref<400x64xf32, #tpu.memory_space<vmem>>
          %dma_start3A_209 = arith.constant 240 : i32
          %dma_start3A_210 = arith.constant 0 : i32
          %dma_start3A_211 = tpu.memref_slice %dma_start3A_208[%dma_start3A_209, %dma_start3A_210] : memref<400x64xf32, #tpu.memory_space<vmem>> -> memref<80x64xf32, #tpu.memory_space<vmem>>
          %dma_start3A_212 = tpu.memref_slice %arg11[%add3A_204] : memref<3200xi32, #tpu.memory_space<vmem>> -> memref<80xi32, #tpu.memory_space<vmem>>
          %dma_start3A_213 = arith.constant 0 : i32
          %dma_start3A_214 = arith.constant 0 : i32
          %dma_start3A_215 = tpu.memref_slice %arg6[%dma_start3A_213, %dma_start3A_214] : memref<100000x64xf32, #tpu.memory_space<hbm>> -> memref<100000x64xf32, #tpu.memory_space<hbm>>
          %dma_start3A_216 = tpu.memref_slice %arg20[%and3A_144] : memref<2x!tpu.dma_semaphore, #tpu.memory_space<semaphore_mem>> -> memref<1x!tpu.dma_semaphore, #tpu.memory_space<semaphore_mem>>
          %dma_start3A_217 = tpu.memref_squeeze %dma_start3A_216 : memref<1x!tpu.dma_semaphore, #tpu.memory_space<semaphore_mem>> -> memref<!tpu.dma_semaphore, #tpu.memory_space<semaphore_mem>>
          tpu.enqueue_indirect_dma source(%dma_start3A_215 : memref<100000x64xf32, #tpu.memory_space<hbm>>) target(%dma_start3A_211 : memref<80x64xf32, #tpu.memory_space<vmem>>) offsets(%dma_start3A_212 : memref<80xi32, #tpu.memory_space<vmem>>) semaphore(%dma_start3A_217 : memref<!tpu.dma_semaphore, #tpu.memory_space<semaphore_mem>>)
          %mul3A_218 = arith.constant 400 : i32
          %mul3A_219 = arith.muli %add3A_142, %mul3A_218 : i32
          %add3A_220 = arith.constant 320 : i32
          %add3A_221 = arith.addi %mul3A_219, %add3A_220 : i32
          %dma_start3A_222 = arith.constant 0 : i32
          %dma_start3A_223 = arith.constant 0 : i32
          %dma_start3A_224 = tpu.memref_slice %arg18[%and3A_144, %dma_start3A_222, %dma_start3A_223] : memref<2x400x64xf32, #tpu.memory_space<vmem>> -> memref<1x400x64xf32, #tpu.memory_space<vmem>>
          %dma_start3A_225 = tpu.memref_squeeze %dma_start3A_224 : memref<1x400x64xf32, #tpu.memory_space<vmem>> -> memref<400x64xf32, #tpu.memory_space<vmem>>
          %dma_start3A_226 = arith.constant 320 : i32
          %dma_start3A_227 = arith.constant 0 : i32
          %dma_start3A_228 = tpu.memref_slice %dma_start3A_225[%dma_start3A_226, %dma_start3A_227] : memref<400x64xf32, #tpu.memory_space<vmem>> -> memref<80x64xf32, #tpu.memory_space<vmem>>
          %dma_start3A_229 = tpu.memref_slice %arg11[%add3A_221] : memref<3200xi32, #tpu.memory_space<vmem>> -> memref<80xi32, #tpu.memory_space<vmem>>
          %dma_start3A_230 = arith.constant 0 : i32
          %dma_start3A_231 = arith.constant 0 : i32
          %dma_start3A_232 = tpu.memref_slice %arg6[%dma_start3A_230, %dma_start3A_231] : memref<100000x64xf32, #tpu.memory_space<hbm>> -> memref<100000x64xf32, #tpu.memory_space<hbm>>
          %dma_start3A_233 = tpu.memref_slice %arg20[%and3A_144] : memref<2x!tpu.dma_semaphore, #tpu.memory_space<semaphore_mem>> -> memref<1x!tpu.dma_semaphore, #tpu.memory_space<semaphore_mem>>
          %dma_start3A_234 = tpu.memref_squeeze %dma_start3A_233 : memref<1x!tpu.dma_semaphore, #tpu.memory_space<semaphore_mem>> -> memref<!tpu.dma_semaphore, #tpu.memory_space<semaphore_mem>>
          tpu.enqueue_indirect_dma source(%dma_start3A_232 : memref<100000x64xf32, #tpu.memory_space<hbm>>) target(%dma_start3A_228 : memref<80x64xf32, #tpu.memory_space<vmem>>) offsets(%dma_start3A_229 : memref<80xi32, #tpu.memory_space<vmem>>) semaphore(%dma_start3A_234 : memref<!tpu.dma_semaphore, #tpu.memory_space<semaphore_mem>>)
        } else {
          %sub3A = arith.constant 8 : i32
          %sub3A_150 = arith.subi %add3A_142, %sub3A : i32
          %mul3A_151 = arith.constant 400 : i32
          %mul3A_152 = arith.muli %sub3A_150, %mul3A_151 : i32
          %add3A_153 = arith.constant 0 : i32
          %add3A_154 = arith.addi %mul3A_152, %add3A_153 : i32
          %dma_start3A_155 = arith.constant 0 : i32
          %dma_start3A_156 = arith.constant 0 : i32
          %dma_start3A_157 = tpu.memref_slice %arg18[%and3A_144, %dma_start3A_155, %dma_start3A_156] : memref<2x400x64xf32, #tpu.memory_space<vmem>> -> memref<1x400x64xf32, #tpu.memory_space<vmem>>
          %dma_start3A_158 = tpu.memref_squeeze %dma_start3A_157 : memref<1x400x64xf32, #tpu.memory_space<vmem>> -> memref<400x64xf32, #tpu.memory_space<vmem>>
          %dma_start3A_159 = arith.constant 0 : i32
          %dma_start3A_160 = arith.constant 0 : i32
          %dma_start3A_161 = tpu.memref_slice %dma_start3A_158[%dma_start3A_159, %dma_start3A_160] : memref<400x64xf32, #tpu.memory_space<vmem>> -> memref<80x64xf32, #tpu.memory_space<vmem>>
          %dma_start3A_162 = tpu.memref_slice %arg12[%add3A_154] : memref<6400xi32, #tpu.memory_space<vmem>> -> memref<80xi32, #tpu.memory_space<vmem>>
          %dma_start3A_163 = arith.constant 0 : i32
          %dma_start3A_164 = arith.constant 0 : i32
          %dma_start3A_165 = tpu.memref_slice %arg7[%dma_start3A_163, %dma_start3A_164] : memref<100000x64xf32, #tpu.memory_space<hbm>> -> memref<100000x64xf32, #tpu.memory_space<hbm>>
          %dma_start3A_166 = tpu.memref_slice %arg20[%and3A_144] : memref<2x!tpu.dma_semaphore, #tpu.memory_space<semaphore_mem>> -> memref<1x!tpu.dma_semaphore, #tpu.memory_space<semaphore_mem>>
          %dma_start3A_167 = tpu.memref_squeeze %dma_start3A_166 : memref<1x!tpu.dma_semaphore, #tpu.memory_space<semaphore_mem>> -> memref<!tpu.dma_semaphore, #tpu.memory_space<semaphore_mem>>
          tpu.enqueue_indirect_dma source(%dma_start3A_165 : memref<100000x64xf32, #tpu.memory_space<hbm>>) target(%dma_start3A_161 : memref<80x64xf32, #tpu.memory_space<vmem>>) offsets(%dma_start3A_162 : memref<80xi32, #tpu.memory_space<vmem>>) semaphore(%dma_start3A_167 : memref<!tpu.dma_semaphore, #tpu.memory_space<semaphore_mem>>)
          %dma_start3A_168 = arith.constant 0 : i32
          %dma_start3A_169 = tpu.memref_slice %arg19[%and3A_144, %dma_start3A_168] : memref<2x400xf32, #tpu.memory_space<vmem>> -> memref<1x400xf32, #tpu.memory_space<vmem>>
          %dma_start3A_170 = tpu.memref_squeeze %dma_start3A_169 : memref<1x400xf32, #tpu.memory_space<vmem>> -> memref<400xf32, #tpu.memory_space<vmem>>
          %dma_start3A_171 = arith.constant 0 : i32
          %dma_start3A_172 = tpu.memref_slice %dma_start3A_170[%dma_start3A_171] : memref<400xf32, #tpu.memory_space<vmem>> -> memref<80xf32, #tpu.memory_space<vmem>>
          %dma_start3A_173 = tpu.memref_slice %arg12[%add3A_154] : memref<6400xi32, #tpu.memory_space<vmem>> -> memref<80xi32, #tpu.memory_space<vmem>>
          %dma_start3A_174 = arith.constant 0 : i32
          %dma_start3A_175 = tpu.memref_slice %arg8[%dma_start3A_174] : memref<100000xf32, #tpu.memory_space<hbm>> -> memref<100000xf32, #tpu.memory_space<hbm>>
          %dma_start3A_176 = tpu.memref_slice %arg20[%and3A_144] : memref<2x!tpu.dma_semaphore, #tpu.memory_space<semaphore_mem>> -> memref<1x!tpu.dma_semaphore, #tpu.memory_space<semaphore_mem>>
          %dma_start3A_177 = tpu.memref_squeeze %dma_start3A_176 : memref<1x!tpu.dma_semaphore, #tpu.memory_space<semaphore_mem>> -> memref<!tpu.dma_semaphore, #tpu.memory_space<semaphore_mem>>
          tpu.enqueue_indirect_dma source(%dma_start3A_175 : memref<100000xf32, #tpu.memory_space<hbm>>) target(%dma_start3A_172 : memref<80xf32, #tpu.memory_space<vmem>>) offsets(%dma_start3A_173 : memref<80xi32, #tpu.memory_space<vmem>>) semaphore(%dma_start3A_177 : memref<!tpu.dma_semaphore, #tpu.memory_space<semaphore_mem>>)
          %mul3A_178 = arith.constant 400 : i32
          %mul3A_179 = arith.muli %sub3A_150, %mul3A_178 : i32
          %add3A_180 = arith.constant 80 : i32
          %add3A_181 = arith.addi %mul3A_179, %add3A_180 : i32
          %dma_start3A_182 = arith.constant 0 : i32
          %dma_start3A_183 = arith.constant 0 : i32
          %dma_start3A_184 = tpu.memref_slice %arg18[%and3A_144, %dma_start3A_182, %dma_start3A_183] : memref<2x400x64xf32, #tpu.memory_space<vmem>> -> memref<1x400x64xf32, #tpu.memory_space<vmem>>
          %dma_start3A_185 = tpu.memref_squeeze %dma_start3A_184 : memref<1x400x64xf32, #tpu.memory_space<vmem>> -> memref<400x64xf32, #tpu.memory_space<vmem>>
          %dma_start3A_186 = arith.constant 80 : i32
          %dma_start3A_187 = arith.constant 0 : i32
          %dma_start3A_188 = tpu.memref_slice %dma_start3A_185[%dma_start3A_186, %dma_start3A_187] : memref<400x64xf32, #tpu.memory_space<vmem>> -> memref<80x64xf32, #tpu.memory_space<vmem>>
          %dma_start3A_189 = tpu.memref_slice %arg12[%add3A_181] : memref<6400xi32, #tpu.memory_space<vmem>> -> memref<80xi32, #tpu.memory_space<vmem>>
          %dma_start3A_190 = arith.constant 0 : i32
          %dma_start3A_191 = arith.constant 0 : i32
          %dma_start3A_192 = tpu.memref_slice %arg7[%dma_start3A_190, %dma_start3A_191] : memref<100000x64xf32, #tpu.memory_space<hbm>> -> memref<100000x64xf32, #tpu.memory_space<hbm>>
          %dma_start3A_193 = tpu.memref_slice %arg20[%and3A_144] : memref<2x!tpu.dma_semaphore, #tpu.memory_space<semaphore_mem>> -> memref<1x!tpu.dma_semaphore, #tpu.memory_space<semaphore_mem>>
          %dma_start3A_194 = tpu.memref_squeeze %dma_start3A_193 : memref<1x!tpu.dma_semaphore, #tpu.memory_space<semaphore_mem>> -> memref<!tpu.dma_semaphore, #tpu.memory_space<semaphore_mem>>
          tpu.enqueue_indirect_dma source(%dma_start3A_192 : memref<100000x64xf32, #tpu.memory_space<hbm>>) target(%dma_start3A_188 : memref<80x64xf32, #tpu.memory_space<vmem>>) offsets(%dma_start3A_189 : memref<80xi32, #tpu.memory_space<vmem>>) semaphore(%dma_start3A_194 : memref<!tpu.dma_semaphore, #tpu.memory_space<semaphore_mem>>)
          %dma_start3A_195 = arith.constant 0 : i32
          %dma_start3A_196 = tpu.memref_slice %arg19[%and3A_144, %dma_start3A_195] : memref<2x400xf32, #tpu.memory_space<vmem>> -> memref<1x400xf32, #tpu.memory_space<vmem>>
          %dma_start3A_197 = tpu.memref_squeeze %dma_start3A_196 : memref<1x400xf32, #tpu.memory_space<vmem>> -> memref<400xf32, #tpu.memory_space<vmem>>
          %dma_start3A_198 = arith.constant 80 : i32
          %dma_start3A_199 = tpu.memref_slice %dma_start3A_197[%dma_start3A_198] : memref<400xf32, #tpu.memory_space<vmem>> -> memref<80xf32, #tpu.memory_space<vmem>>
          %dma_start3A_200 = tpu.memref_slice %arg12[%add3A_181] : memref<6400xi32, #tpu.memory_space<vmem>> -> memref<80xi32, #tpu.memory_space<vmem>>
          %dma_start3A_201 = arith.constant 0 : i32
          %dma_start3A_202 = tpu.memref_slice %arg8[%dma_start3A_201] : memref<100000xf32, #tpu.memory_space<hbm>> -> memref<100000xf32, #tpu.memory_space<hbm>>
          %dma_start3A_203 = tpu.memref_slice %arg20[%and3A_144] : memref<2x!tpu.dma_semaphore, #tpu.memory_space<semaphore_mem>> -> memref<1x!tpu.dma_semaphore, #tpu.memory_space<semaphore_mem>>
          %dma_start3A_204 = tpu.memref_squeeze %dma_start3A_203 : memref<1x!tpu.dma_semaphore, #tpu.memory_space<semaphore_mem>> -> memref<!tpu.dma_semaphore, #tpu.memory_space<semaphore_mem>>
          tpu.enqueue_indirect_dma source(%dma_start3A_202 : memref<100000xf32, #tpu.memory_space<hbm>>) target(%dma_start3A_199 : memref<80xf32, #tpu.memory_space<vmem>>) offsets(%dma_start3A_200 : memref<80xi32, #tpu.memory_space<vmem>>) semaphore(%dma_start3A_204 : memref<!tpu.dma_semaphore, #tpu.memory_space<semaphore_mem>>)
          %mul3A_205 = arith.constant 400 : i32
          %mul3A_206 = arith.muli %sub3A_150, %mul3A_205 : i32
          %add3A_207 = arith.constant 160 : i32
          %add3A_208 = arith.addi %mul3A_206, %add3A_207 : i32
          %dma_start3A_209 = arith.constant 0 : i32
          %dma_start3A_210 = arith.constant 0 : i32
          %dma_start3A_211 = tpu.memref_slice %arg18[%and3A_144, %dma_start3A_209, %dma_start3A_210] : memref<2x400x64xf32, #tpu.memory_space<vmem>> -> memref<1x400x64xf32, #tpu.memory_space<vmem>>
          %dma_start3A_212 = tpu.memref_squeeze %dma_start3A_211 : memref<1x400x64xf32, #tpu.memory_space<vmem>> -> memref<400x64xf32, #tpu.memory_space<vmem>>
          %dma_start3A_213 = arith.constant 160 : i32
          %dma_start3A_214 = arith.constant 0 : i32
          %dma_start3A_215 = tpu.memref_slice %dma_start3A_212[%dma_start3A_213, %dma_start3A_214] : memref<400x64xf32, #tpu.memory_space<vmem>> -> memref<80x64xf32, #tpu.memory_space<vmem>>
          %dma_start3A_216 = tpu.memref_slice %arg12[%add3A_208] : memref<6400xi32, #tpu.memory_space<vmem>> -> memref<80xi32, #tpu.memory_space<vmem>>
          %dma_start3A_217 = arith.constant 0 : i32
          %dma_start3A_218 = arith.constant 0 : i32
          %dma_start3A_219 = tpu.memref_slice %arg7[%dma_start3A_217, %dma_start3A_218] : memref<100000x64xf32, #tpu.memory_space<hbm>> -> memref<100000x64xf32, #tpu.memory_space<hbm>>
          %dma_start3A_220 = tpu.memref_slice %arg20[%and3A_144] : memref<2x!tpu.dma_semaphore, #tpu.memory_space<semaphore_mem>> -> memref<1x!tpu.dma_semaphore, #tpu.memory_space<semaphore_mem>>
          %dma_start3A_221 = tpu.memref_squeeze %dma_start3A_220 : memref<1x!tpu.dma_semaphore, #tpu.memory_space<semaphore_mem>> -> memref<!tpu.dma_semaphore, #tpu.memory_space<semaphore_mem>>
          tpu.enqueue_indirect_dma source(%dma_start3A_219 : memref<100000x64xf32, #tpu.memory_space<hbm>>) target(%dma_start3A_215 : memref<80x64xf32, #tpu.memory_space<vmem>>) offsets(%dma_start3A_216 : memref<80xi32, #tpu.memory_space<vmem>>) semaphore(%dma_start3A_221 : memref<!tpu.dma_semaphore, #tpu.memory_space<semaphore_mem>>)
          %dma_start3A_222 = arith.constant 0 : i32
          %dma_start3A_223 = tpu.memref_slice %arg19[%and3A_144, %dma_start3A_222] : memref<2x400xf32, #tpu.memory_space<vmem>> -> memref<1x400xf32, #tpu.memory_space<vmem>>
          %dma_start3A_224 = tpu.memref_squeeze %dma_start3A_223 : memref<1x400xf32, #tpu.memory_space<vmem>> -> memref<400xf32, #tpu.memory_space<vmem>>
          %dma_start3A_225 = arith.constant 160 : i32
          %dma_start3A_226 = tpu.memref_slice %dma_start3A_224[%dma_start3A_225] : memref<400xf32, #tpu.memory_space<vmem>> -> memref<80xf32, #tpu.memory_space<vmem>>
          %dma_start3A_227 = tpu.memref_slice %arg12[%add3A_208] : memref<6400xi32, #tpu.memory_space<vmem>> -> memref<80xi32, #tpu.memory_space<vmem>>
          %dma_start3A_228 = arith.constant 0 : i32
          %dma_start3A_229 = tpu.memref_slice %arg8[%dma_start3A_228] : memref<100000xf32, #tpu.memory_space<hbm>> -> memref<100000xf32, #tpu.memory_space<hbm>>
          %dma_start3A_230 = tpu.memref_slice %arg20[%and3A_144] : memref<2x!tpu.dma_semaphore, #tpu.memory_space<semaphore_mem>> -> memref<1x!tpu.dma_semaphore, #tpu.memory_space<semaphore_mem>>
          %dma_start3A_231 = tpu.memref_squeeze %dma_start3A_230 : memref<1x!tpu.dma_semaphore, #tpu.memory_space<semaphore_mem>> -> memref<!tpu.dma_semaphore, #tpu.memory_space<semaphore_mem>>
          tpu.enqueue_indirect_dma source(%dma_start3A_229 : memref<100000xf32, #tpu.memory_space<hbm>>) target(%dma_start3A_226 : memref<80xf32, #tpu.memory_space<vmem>>) offsets(%dma_start3A_227 : memref<80xi32, #tpu.memory_space<vmem>>) semaphore(%dma_start3A_231 : memref<!tpu.dma_semaphore, #tpu.memory_space<semaphore_mem>>)
          %mul3A_232 = arith.constant 400 : i32
          %mul3A_233 = arith.muli %sub3A_150, %mul3A_232 : i32
          %add3A_234 = arith.constant 240 : i32
          %add3A_235 = arith.addi %mul3A_233, %add3A_234 : i32
          %dma_start3A_236 = arith.constant 0 : i32
          %dma_start3A_237 = arith.constant 0 : i32
          %dma_start3A_238 = tpu.memref_slice %arg18[%and3A_144, %dma_start3A_236, %dma_start3A_237] : memref<2x400x64xf32, #tpu.memory_space<vmem>> -> memref<1x400x64xf32, #tpu.memory_space<vmem>>
          %dma_start3A_239 = tpu.memref_squeeze %dma_start3A_238 : memref<1x400x64xf32, #tpu.memory_space<vmem>> -> memref<400x64xf32, #tpu.memory_space<vmem>>
          %dma_start3A_240 = arith.constant 240 : i32
          %dma_start3A_241 = arith.constant 0 : i32
          %dma_start3A_242 = tpu.memref_slice %dma_start3A_239[%dma_start3A_240, %dma_start3A_241] : memref<400x64xf32, #tpu.memory_space<vmem>> -> memref<80x64xf32, #tpu.memory_space<vmem>>
          %dma_start3A_243 = tpu.memref_slice %arg12[%add3A_235] : memref<6400xi32, #tpu.memory_space<vmem>> -> memref<80xi32, #tpu.memory_space<vmem>>
          %dma_start3A_244 = arith.constant 0 : i32
          %dma_start3A_245 = arith.constant 0 : i32
          %dma_start3A_246 = tpu.memref_slice %arg7[%dma_start3A_244, %dma_start3A_245] : memref<100000x64xf32, #tpu.memory_space<hbm>> -> memref<100000x64xf32, #tpu.memory_space<hbm>>
          %dma_start3A_247 = tpu.memref_slice %arg20[%and3A_144] : memref<2x!tpu.dma_semaphore, #tpu.memory_space<semaphore_mem>> -> memref<1x!tpu.dma_semaphore, #tpu.memory_space<semaphore_mem>>
          %dma_start3A_248 = tpu.memref_squeeze %dma_start3A_247 : memref<1x!tpu.dma_semaphore, #tpu.memory_space<semaphore_mem>> -> memref<!tpu.dma_semaphore, #tpu.memory_space<semaphore_mem>>
          tpu.enqueue_indirect_dma source(%dma_start3A_246 : memref<100000x64xf32, #tpu.memory_space<hbm>>) target(%dma_start3A_242 : memref<80x64xf32, #tpu.memory_space<vmem>>) offsets(%dma_start3A_243 : memref<80xi32, #tpu.memory_space<vmem>>) semaphore(%dma_start3A_248 : memref<!tpu.dma_semaphore, #tpu.memory_space<semaphore_mem>>)
          %dma_start3A_249 = arith.constant 0 : i32
          %dma_start3A_250 = tpu.memref_slice %arg19[%and3A_144, %dma_start3A_249] : memref<2x400xf32, #tpu.memory_space<vmem>> -> memref<1x400xf32, #tpu.memory_space<vmem>>
          %dma_start3A_251 = tpu.memref_squeeze %dma_start3A_250 : memref<1x400xf32, #tpu.memory_space<vmem>> -> memref<400xf32, #tpu.memory_space<vmem>>
          %dma_start3A_252 = arith.constant 240 : i32
          %dma_start3A_253 = tpu.memref_slice %dma_start3A_251[%dma_start3A_252] : memref<400xf32, #tpu.memory_space<vmem>> -> memref<80xf32, #tpu.memory_space<vmem>>
          %dma_start3A_254 = tpu.memref_slice %arg12[%add3A_235] : memref<6400xi32, #tpu.memory_space<vmem>> -> memref<80xi32, #tpu.memory_space<vmem>>
          %dma_start3A_255 = arith.constant 0 : i32
          %dma_start3A_256 = tpu.memref_slice %arg8[%dma_start3A_255] : memref<100000xf32, #tpu.memory_space<hbm>> -> memref<100000xf32, #tpu.memory_space<hbm>>
          %dma_start3A_257 = tpu.memref_slice %arg20[%and3A_144] : memref<2x!tpu.dma_semaphore, #tpu.memory_space<semaphore_mem>> -> memref<1x!tpu.dma_semaphore, #tpu.memory_space<semaphore_mem>>
          %dma_start3A_258 = tpu.memref_squeeze %dma_start3A_257 : memref<1x!tpu.dma_semaphore, #tpu.memory_space<semaphore_mem>> -> memref<!tpu.dma_semaphore, #tpu.memory_space<semaphore_mem>>
          tpu.enqueue_indirect_dma source(%dma_start3A_256 : memref<100000xf32, #tpu.memory_space<hbm>>) target(%dma_start3A_253 : memref<80xf32, #tpu.memory_space<vmem>>) offsets(%dma_start3A_254 : memref<80xi32, #tpu.memory_space<vmem>>) semaphore(%dma_start3A_258 : memref<!tpu.dma_semaphore, #tpu.memory_space<semaphore_mem>>)
          %mul3A_259 = arith.constant 400 : i32
          %mul3A_260 = arith.muli %sub3A_150, %mul3A_259 : i32
          %add3A_261 = arith.constant 320 : i32
          %add3A_262 = arith.addi %mul3A_260, %add3A_261 : i32
          %dma_start3A_263 = arith.constant 0 : i32
          %dma_start3A_264 = arith.constant 0 : i32
          %dma_start3A_265 = tpu.memref_slice %arg18[%and3A_144, %dma_start3A_263, %dma_start3A_264] : memref<2x400x64xf32, #tpu.memory_space<vmem>> -> memref<1x400x64xf32, #tpu.memory_space<vmem>>
          %dma_start3A_266 = tpu.memref_squeeze %dma_start3A_265 : memref<1x400x64xf32, #tpu.memory_space<vmem>> -> memref<400x64xf32, #tpu.memory_space<vmem>>
          %dma_start3A_267 = arith.constant 320 : i32
          %dma_start3A_268 = arith.constant 0 : i32
          %dma_start3A_269 = tpu.memref_slice %dma_start3A_266[%dma_start3A_267, %dma_start3A_268] : memref<400x64xf32, #tpu.memory_space<vmem>> -> memref<80x64xf32, #tpu.memory_space<vmem>>
          %dma_start3A_270 = tpu.memref_slice %arg12[%add3A_262] : memref<6400xi32, #tpu.memory_space<vmem>> -> memref<80xi32, #tpu.memory_space<vmem>>
          %dma_start3A_271 = arith.constant 0 : i32
          %dma_start3A_272 = arith.constant 0 : i32
          %dma_start3A_273 = tpu.memref_slice %arg7[%dma_start3A_271, %dma_start3A_272] : memref<100000x64xf32, #tpu.memory_space<hbm>> -> memref<100000x64xf32, #tpu.memory_space<hbm>>
          %dma_start3A_274 = tpu.memref_slice %arg20[%and3A_144] : memref<2x!tpu.dma_semaphore, #tpu.memory_space<semaphore_mem>> -> memref<1x!tpu.dma_semaphore, #tpu.memory_space<semaphore_mem>>
          %dma_start3A_275 = tpu.memref_squeeze %dma_start3A_274 : memref<1x!tpu.dma_semaphore, #tpu.memory_space<semaphore_mem>> -> memref<!tpu.dma_semaphore, #tpu.memory_space<semaphore_mem>>
          tpu.enqueue_indirect_dma source(%dma_start3A_273 : memref<100000x64xf32, #tpu.memory_space<hbm>>) target(%dma_start3A_269 : memref<80x64xf32, #tpu.memory_space<vmem>>) offsets(%dma_start3A_270 : memref<80xi32, #tpu.memory_space<vmem>>) semaphore(%dma_start3A_275 : memref<!tpu.dma_semaphore, #tpu.memory_space<semaphore_mem>>)
          %dma_start3A_276 = arith.constant 0 : i32
          %dma_start3A_277 = tpu.memref_slice %arg19[%and3A_144, %dma_start3A_276] : memref<2x400xf32, #tpu.memory_space<vmem>> -> memref<1x400xf32, #tpu.memory_space<vmem>>
          %dma_start3A_278 = tpu.memref_squeeze %dma_start3A_277 : memref<1x400xf32, #tpu.memory_space<vmem>> -> memref<400xf32, #tpu.memory_space<vmem>>
          %dma_start3A_279 = arith.constant 320 : i32
          %dma_start3A_280 = tpu.memref_slice %dma_start3A_278[%dma_start3A_279] : memref<400xf32, #tpu.memory_space<vmem>> -> memref<80xf32, #tpu.memory_space<vmem>>
          %dma_start3A_281 = tpu.memref_slice %arg12[%add3A_262] : memref<6400xi32, #tpu.memory_space<vmem>> -> memref<80xi32, #tpu.memory_space<vmem>>
          %dma_start3A_282 = arith.constant 0 : i32
          %dma_start3A_283 = tpu.memref_slice %arg8[%dma_start3A_282] : memref<100000xf32, #tpu.memory_space<hbm>> -> memref<100000xf32, #tpu.memory_space<hbm>>
          %dma_start3A_284 = tpu.memref_slice %arg20[%and3A_144] : memref<2x!tpu.dma_semaphore, #tpu.memory_space<semaphore_mem>> -> memref<1x!tpu.dma_semaphore, #tpu.memory_space<semaphore_mem>>
          %dma_start3A_285 = tpu.memref_squeeze %dma_start3A_284 : memref<1x!tpu.dma_semaphore, #tpu.memory_space<semaphore_mem>> -> memref<!tpu.dma_semaphore, #tpu.memory_space<semaphore_mem>>
          tpu.enqueue_indirect_dma source(%dma_start3A_283 : memref<100000xf32, #tpu.memory_space<hbm>>) target(%dma_start3A_280 : memref<80xf32, #tpu.memory_space<vmem>>) offsets(%dma_start3A_281 : memref<80xi32, #tpu.memory_space<vmem>>) semaphore(%dma_start3A_285 : memref<!tpu.dma_semaphore, #tpu.memory_space<semaphore_mem>>)
        }
      } else {
      }
      %and3A = arith.constant 1 : i32
      %and3A_129 = arith.andi %scan3A_122, %and3A : i32
      %lt3A_130 = arith.constant 8 : i32
      %lt3A_131 = arith.cmpi slt, %scan3A_122, %lt3A_130 : i32
      %convert_element_type3A_132 = arith.extui %lt3A_131 : i1 to i32
      %cond3A_133 = arith.constant 0 : i32
      %cond3A_134 = arith.cmpi ne, %convert_element_type3A_132, %cond3A_133 : i32
      scf.if %cond3A_134 {
        %dma_wait3A_141 = arith.constant 0 : i32
        %dma_wait3A_142 = arith.constant 0 : i32
        %dma_wait3A_143 = tpu.memref_slice %arg18[%and3A_129, %dma_wait3A_141, %dma_wait3A_142] : memref<2x400x64xf32, #tpu.memory_space<vmem>> -> memref<1x400x64xf32, #tpu.memory_space<vmem>>
        %dma_wait3A_144 = tpu.memref_squeeze %dma_wait3A_143 : memref<1x400x64xf32, #tpu.memory_space<vmem>> -> memref<400x64xf32, #tpu.memory_space<vmem>>
        %dma_wait3A_145 = arith.constant 0 : i32
        %dma_wait3A_146 = arith.constant 0 : i32
        %dma_wait3A_147 = tpu.memref_slice %arg6[%dma_wait3A_145, %dma_wait3A_146] : memref<100000x64xf32, #tpu.memory_space<hbm>> -> memref<400x64xf32, #tpu.memory_space<hbm>>
        %dma_wait3A_148 = tpu.memref_slice %arg20[%and3A_129] : memref<2x!tpu.dma_semaphore, #tpu.memory_space<semaphore_mem>> -> memref<1x!tpu.dma_semaphore, #tpu.memory_space<semaphore_mem>>
        %dma_wait3A_149 = tpu.memref_squeeze %dma_wait3A_148 : memref<1x!tpu.dma_semaphore, #tpu.memory_space<semaphore_mem>> -> memref<!tpu.dma_semaphore, #tpu.memory_space<semaphore_mem>>
        %dma_wait3A_150 = arith.constant 0 : i32
        %dma_wait3A_151 = arith.constant 0 : i32
        %dma_wait3A_152 = tpu.memref_slice %arg18[%and3A_129, %dma_wait3A_150, %dma_wait3A_151] : memref<2x400x64xf32, #tpu.memory_space<vmem>> -> memref<1x400x64xf32, #tpu.memory_space<vmem>>
        %dma_wait3A_153 = tpu.memref_squeeze %dma_wait3A_152 : memref<1x400x64xf32, #tpu.memory_space<vmem>> -> memref<400x64xf32, #tpu.memory_space<vmem>>
        %dma_wait3A_154 = arith.constant 0 : i32
        %dma_wait3A_155 = arith.constant 0 : i32
        %dma_wait3A_156 = tpu.memref_slice %arg6[%dma_wait3A_154, %dma_wait3A_155] : memref<100000x64xf32, #tpu.memory_space<hbm>> -> memref<400x64xf32, #tpu.memory_space<hbm>>
        tpu.wait_dma2 semaphore(%dma_wait3A_149 : memref<!tpu.dma_semaphore, #tpu.memory_space<semaphore_mem>>) src(%dma_wait3A_156 : memref<400x64xf32, #tpu.memory_space<hbm>>) dst(%dma_wait3A_153 : memref<400x64xf32, #tpu.memory_space<vmem>>)
      } else {
        %dma_wait3A_141 = arith.constant 0 : i32
        %dma_wait3A_142 = arith.constant 0 : i32
        %dma_wait3A_143 = tpu.memref_slice %arg18[%and3A_129, %dma_wait3A_141, %dma_wait3A_142] : memref<2x400x64xf32, #tpu.memory_space<vmem>> -> memref<1x400x64xf32, #tpu.memory_space<vmem>>
        %dma_wait3A_144 = tpu.memref_squeeze %dma_wait3A_143 : memref<1x400x64xf32, #tpu.memory_space<vmem>> -> memref<400x64xf32, #tpu.memory_space<vmem>>
        %dma_wait3A_145 = arith.constant 0 : i32
        %dma_wait3A_146 = arith.constant 0 : i32
        %dma_wait3A_147 = tpu.memref_slice %arg7[%dma_wait3A_145, %dma_wait3A_146] : memref<100000x64xf32, #tpu.memory_space<hbm>> -> memref<400x64xf32, #tpu.memory_space<hbm>>
        %dma_wait3A_148 = tpu.memref_slice %arg20[%and3A_129] : memref<2x!tpu.dma_semaphore, #tpu.memory_space<semaphore_mem>> -> memref<1x!tpu.dma_semaphore, #tpu.memory_space<semaphore_mem>>
        %dma_wait3A_149 = tpu.memref_squeeze %dma_wait3A_148 : memref<1x!tpu.dma_semaphore, #tpu.memory_space<semaphore_mem>> -> memref<!tpu.dma_semaphore, #tpu.memory_space<semaphore_mem>>
        %dma_wait3A_150 = arith.constant 0 : i32
        %dma_wait3A_151 = arith.constant 0 : i32
        %dma_wait3A_152 = tpu.memref_slice %arg18[%and3A_129, %dma_wait3A_150, %dma_wait3A_151] : memref<2x400x64xf32, #tpu.memory_space<vmem>> -> memref<1x400x64xf32, #tpu.memory_space<vmem>>
        %dma_wait3A_153 = tpu.memref_squeeze %dma_wait3A_152 : memref<1x400x64xf32, #tpu.memory_space<vmem>> -> memref<400x64xf32, #tpu.memory_space<vmem>>
        %dma_wait3A_154 = arith.constant 0 : i32
        %dma_wait3A_155 = arith.constant 0 : i32
        %dma_wait3A_156 = tpu.memref_slice %arg7[%dma_wait3A_154, %dma_wait3A_155] : memref<100000x64xf32, #tpu.memory_space<hbm>> -> memref<400x64xf32, #tpu.memory_space<hbm>>
        tpu.wait_dma2 semaphore(%dma_wait3A_149 : memref<!tpu.dma_semaphore, #tpu.memory_space<semaphore_mem>>) src(%dma_wait3A_156 : memref<400x64xf32, #tpu.memory_space<hbm>>) dst(%dma_wait3A_153 : memref<400x64xf32, #tpu.memory_space<vmem>>)
        %dma_wait3A_157 = arith.constant 0 : i32
        %dma_wait3A_158 = tpu.memref_slice %arg19[%and3A_129, %dma_wait3A_157] : memref<2x400xf32, #tpu.memory_space<vmem>> -> memref<1x400xf32, #tpu.memory_space<vmem>>
        %dma_wait3A_159 = tpu.memref_squeeze %dma_wait3A_158 : memref<1x400xf32, #tpu.memory_space<vmem>> -> memref<400xf32, #tpu.memory_space<vmem>>
        %dma_wait3A_160 = arith.constant 0 : i32
        %dma_wait3A_161 = tpu.memref_slice %arg8[%dma_wait3A_160] : memref<100000xf32, #tpu.memory_space<hbm>> -> memref<400xf32, #tpu.memory_space<hbm>>
        %dma_wait3A_162 = tpu.memref_slice %arg20[%and3A_129] : memref<2x!tpu.dma_semaphore, #tpu.memory_space<semaphore_mem>> -> memref<1x!tpu.dma_semaphore, #tpu.memory_space<semaphore_mem>>
        %dma_wait3A_163 = tpu.memref_squeeze %dma_wait3A_162 : memref<1x!tpu.dma_semaphore, #tpu.memory_space<semaphore_mem>> -> memref<!tpu.dma_semaphore, #tpu.memory_space<semaphore_mem>>
        %dma_wait3A_164 = arith.constant 0 : i32
        %dma_wait3A_165 = tpu.memref_slice %arg19[%and3A_129, %dma_wait3A_164] : memref<2x400xf32, #tpu.memory_space<vmem>> -> memref<1x400xf32, #tpu.memory_space<vmem>>
        %dma_wait3A_166 = tpu.memref_squeeze %dma_wait3A_165 : memref<1x400xf32, #tpu.memory_space<vmem>> -> memref<400xf32, #tpu.memory_space<vmem>>
        %dma_wait3A_167 = arith.constant 0 : i32
        %dma_wait3A_168 = tpu.memref_slice %arg8[%dma_wait3A_167] : memref<100000xf32, #tpu.memory_space<hbm>> -> memref<400xf32, #tpu.memory_space<hbm>>
        tpu.wait_dma2 semaphore(%dma_wait3A_163 : memref<!tpu.dma_semaphore, #tpu.memory_space<semaphore_mem>>) src(%dma_wait3A_168 : memref<400xf32, #tpu.memory_space<hbm>>) dst(%dma_wait3A_166 : memref<400xf32, #tpu.memory_space<vmem>>)
      }
      %lt3A_135 = arith.constant 8 : i32
      %lt3A_136 = arith.cmpi slt, %scan3A_122, %lt3A_135 : i32
      %convert_element_type3A_137 = arith.extui %lt3A_136 : i1 to i32
      %cond3A_138 = arith.constant 0 : i32
      %cond3A_139 = arith.cmpi ne, %convert_element_type3A_137, %cond3A_138 : i32
      scf.if %cond3A_139 {
        %and3A_141 = arith.constant 1 : i32
        %and3A_142 = arith.andi %scan3A_122, %and3A_141 : i32
        %mul3A_143 = arith.constant 16 : i32
        %mul3A_144 = arith.muli %scan3A_122, %mul3A_143 : i32
        %add3A_145 = vector.broadcast %mul3A_144 : i32 to vector<16xi32>
        %add3A_146 = arith.addi %add3A_145, %iota3A : vector<16xi32>
        %scan3A_147 = arith.constant 0 : i32
        %scan3A_148 = arith.constant 0 : i32
        %scan3A_149 = arith.constant 64 : i32
        %scan3A_150 = arith.addi %scan3A_148, %scan3A_149 : i32
        %scan3A_151 = arith.constant 1 : i32
        %scan3A_152 = scf.for %scan3A_154 = %scan3A_148 to %scan3A_150 step %scan3A_151 iter_args(%scan3A_155 = %scan3A_147) -> (i32)  : i32 {
          %add3A_156 = vector.broadcast %scan3A_154 : i32 to vector<16xi32>
          %add3A_157 = arith.addi %add3A_156, %iota3A : vector<16xi32>
          %and3A_158 = arith.constant 15 : i32
          %and3A_159 = vector.broadcast %and3A_158 : i32 to vector<16xi32>
          %and3A_160 = arith.andi %add3A_157, %and3A_159 : vector<16xi32>
          %and3A_161 = arith.constant -16 : i32
          %and3A_162 = arith.andi %scan3A_154, %and3A_161 : i32
          %or3A = vector.broadcast %and3A_162 : i32 to vector<16xi32>
          %or3A_163 = arith.ori %and3A_160, %or3A : vector<16xi32>
          %gather3A = arith.constant 0 : i32
          %gather3A_164 = arith.constant 0 : i32
          %gather3A_165 = tpu.memref_slice %arg18[%and3A_142, %gather3A, %gather3A_164] : memref<2x400x64xf32, #tpu.memory_space<vmem>> -> memref<1x400x64xf32, #tpu.memory_space<vmem>>
          %gather3A_166 = tpu.memref_squeeze %gather3A_165 : memref<1x400x64xf32, #tpu.memory_space<vmem>> -> memref<400x64xf32, #tpu.memory_space<vmem>>
          %gather3A_167 = tpu.vector_load_idx %gather3A_166[%mul3A_3, %or3A_163] : memref<400x64xf32, #tpu.memory_space<vmem>>[vector<16xi32>, vector<16xi32>], vector<16xf32>,
          %add3A_168 = arith.constant 1 : i32
          %add3A_169 = vector.broadcast %add3A_168 : i32 to vector<16xi32>
          %add3A_170 = arith.addi %mul3A_3, %add3A_169 : vector<16xi32>
          %gather3A_171 = arith.constant 0 : i32
          %gather3A_172 = arith.constant 0 : i32
          %gather3A_173 = tpu.memref_slice %arg18[%and3A_142, %gather3A_171, %gather3A_172] : memref<2x400x64xf32, #tpu.memory_space<vmem>> -> memref<1x400x64xf32, #tpu.memory_space<vmem>>
          %gather3A_174 = tpu.memref_squeeze %gather3A_173 : memref<1x400x64xf32, #tpu.memory_space<vmem>> -> memref<400x64xf32, #tpu.memory_space<vmem>>
          %gather3A_175 = tpu.vector_load_idx %gather3A_174[%add3A_170, %or3A_163] : memref<400x64xf32, #tpu.memory_space<vmem>>[vector<16xi32>, vector<16xi32>], vector<16xf32>,
          %add3A_176 = arith.addf %gather3A_167, %gather3A_175 : vector<16xf32>
          %add3A_177 = arith.constant 2 : i32
          %add3A_178 = vector.broadcast %add3A_177 : i32 to vector<16xi32>
          %add3A_179 = arith.addi %mul3A_3, %add3A_178 : vector<16xi32>
          %gather3A_180 = arith.constant 0 : i32
          %gather3A_181 = arith.constant 0 : i32
          %gather3A_182 = tpu.memref_slice %arg18[%and3A_142, %gather3A_180, %gather3A_181] : memref<2x400x64xf32, #tpu.memory_space<vmem>> -> memref<1x400x64xf32, #tpu.memory_space<vmem>>
          %gather3A_183 = tpu.memref_squeeze %gather3A_182 : memref<1x400x64xf32, #tpu.memory_space<vmem>> -> memref<400x64xf32, #tpu.memory_space<vmem>>
          %gather3A_184 = tpu.vector_load_idx %gather3A_183[%add3A_179, %or3A_163] : memref<400x64xf32, #tpu.memory_space<vmem>>[vector<16xi32>, vector<16xi32>], vector<16xf32>,
          %add3A_185 = arith.addf %add3A_176, %gather3A_184 : vector<16xf32>
          %add3A_186 = arith.constant 3 : i32
          %add3A_187 = vector.broadcast %add3A_186 : i32 to vector<16xi32>
          %add3A_188 = arith.addi %mul3A_3, %add3A_187 : vector<16xi32>
          %gather3A_189 = arith.constant 0 : i32
          %gather3A_190 = arith.constant 0 : i32
          %gather3A_191 = tpu.memref_slice %arg18[%and3A_142, %gather3A_189, %gather3A_190] : memref<2x400x64xf32, #tpu.memory_space<vmem>> -> memref<1x400x64xf32, #tpu.memory_space<vmem>>
          %gather3A_192 = tpu.memref_squeeze %gather3A_191 : memref<1x400x64xf32, #tpu.memory_space<vmem>> -> memref<400x64xf32, #tpu.memory_space<vmem>>
          %gather3A_193 = tpu.vector_load_idx %gather3A_192[%add3A_188, %or3A_163] : memref<400x64xf32, #tpu.memory_space<vmem>>[vector<16xi32>, vector<16xi32>], vector<16xf32>,
          %add3A_194 = arith.addf %add3A_185, %gather3A_193 : vector<16xf32>
          %add3A_195 = arith.constant 4 : i32
          %add3A_196 = vector.broadcast %add3A_195 : i32 to vector<16xi32>
          %add3A_197 = arith.addi %mul3A_3, %add3A_196 : vector<16xi32>
          %gather3A_198 = arith.constant 0 : i32
          %gather3A_199 = arith.constant 0 : i32
          %gather3A_200 = tpu.memref_slice %arg18[%and3A_142, %gather3A_198, %gather3A_199] : memref<2x400x64xf32, #tpu.memory_space<vmem>> -> memref<1x400x64xf32, #tpu.memory_space<vmem>>
          %gather3A_201 = tpu.memref_squeeze %gather3A_200 : memref<1x400x64xf32, #tpu.memory_space<vmem>> -> memref<400x64xf32, #tpu.memory_space<vmem>>
          %gather3A_202 = tpu.vector_load_idx %gather3A_201[%add3A_197, %or3A_163] : memref<400x64xf32, #tpu.memory_space<vmem>>[vector<16xi32>, vector<16xi32>], vector<16xf32>,
          %add3A_203 = arith.addf %add3A_194, %gather3A_202 : vector<16xf32>
          %add3A_204 = arith.constant 5 : i32
          %add3A_205 = vector.broadcast %add3A_204 : i32 to vector<16xi32>
          %add3A_206 = arith.addi %mul3A_3, %add3A_205 : vector<16xi32>
          %gather3A_207 = arith.constant 0 : i32
          %gather3A_208 = arith.constant 0 : i32
          %gather3A_209 = tpu.memref_slice %arg18[%and3A_142, %gather3A_207, %gather3A_208] : memref<2x400x64xf32, #tpu.memory_space<vmem>> -> memref<1x400x64xf32, #tpu.memory_space<vmem>>
          %gather3A_210 = tpu.memref_squeeze %gather3A_209 : memref<1x400x64xf32, #tpu.memory_space<vmem>> -> memref<400x64xf32, #tpu.memory_space<vmem>>
          %gather3A_211 = tpu.vector_load_idx %gather3A_210[%add3A_206, %or3A_163] : memref<400x64xf32, #tpu.memory_space<vmem>>[vector<16xi32>, vector<16xi32>], vector<16xf32>,
          %add3A_212 = arith.addf %add3A_203, %gather3A_211 : vector<16xf32>
          %add3A_213 = arith.constant 6 : i32
          %add3A_214 = vector.broadcast %add3A_213 : i32 to vector<16xi32>
          %add3A_215 = arith.addi %mul3A_3, %add3A_214 : vector<16xi32>
          %gather3A_216 = arith.constant 0 : i32
          %gather3A_217 = arith.constant 0 : i32
          %gather3A_218 = tpu.memref_slice %arg18[%and3A_142, %gather3A_216, %gather3A_217] : memref<2x400x64xf32, #tpu.memory_space<vmem>> -> memref<1x400x64xf32, #tpu.memory_space<vmem>>
          %gather3A_219 = tpu.memref_squeeze %gather3A_218 : memref<1x400x64xf32, #tpu.memory_space<vmem>> -> memref<400x64xf32, #tpu.memory_space<vmem>>
          %gather3A_220 = tpu.vector_load_idx %gather3A_219[%add3A_215, %or3A_163] : memref<400x64xf32, #tpu.memory_space<vmem>>[vector<16xi32>, vector<16xi32>], vector<16xf32>,
          %add3A_221 = arith.addf %add3A_212, %gather3A_220 : vector<16xf32>
          %add3A_222 = arith.constant 7 : i32
          %add3A_223 = vector.broadcast %add3A_222 : i32 to vector<16xi32>
          %add3A_224 = arith.addi %mul3A_3, %add3A_223 : vector<16xi32>
          %gather3A_225 = arith.constant 0 : i32
          %gather3A_226 = arith.constant 0 : i32
          %gather3A_227 = tpu.memref_slice %arg18[%and3A_142, %gather3A_225, %gather3A_226] : memref<2x400x64xf32, #tpu.memory_space<vmem>> -> memref<1x400x64xf32, #tpu.memory_space<vmem>>
          %gather3A_228 = tpu.memref_squeeze %gather3A_227 : memref<1x400x64xf32, #tpu.memory_space<vmem>> -> memref<400x64xf32, #tpu.memory_space<vmem>>
          %gather3A_229 = tpu.vector_load_idx %gather3A_228[%add3A_224, %or3A_163] : memref<400x64xf32, #tpu.memory_space<vmem>>[vector<16xi32>, vector<16xi32>], vector<16xf32>,
          %add3A_230 = arith.addf %add3A_221, %gather3A_229 : vector<16xf32>
          %add3A_231 = arith.constant 8 : i32
          %add3A_232 = vector.broadcast %add3A_231 : i32 to vector<16xi32>
          %add3A_233 = arith.addi %mul3A_3, %add3A_232 : vector<16xi32>
          %gather3A_234 = arith.constant 0 : i32
          %gather3A_235 = arith.constant 0 : i32
          %gather3A_236 = tpu.memref_slice %arg18[%and3A_142, %gather3A_234, %gather3A_235] : memref<2x400x64xf32, #tpu.memory_space<vmem>> -> memref<1x400x64xf32, #tpu.memory_space<vmem>>
          %gather3A_237 = tpu.memref_squeeze %gather3A_236 : memref<1x400x64xf32, #tpu.memory_space<vmem>> -> memref<400x64xf32, #tpu.memory_space<vmem>>
          %gather3A_238 = tpu.vector_load_idx %gather3A_237[%add3A_233, %or3A_163] : memref<400x64xf32, #tpu.memory_space<vmem>>[vector<16xi32>, vector<16xi32>], vector<16xf32>,
          %add3A_239 = arith.addf %add3A_230, %gather3A_238 : vector<16xf32>
          %add3A_240 = arith.constant 9 : i32
          %add3A_241 = vector.broadcast %add3A_240 : i32 to vector<16xi32>
          %add3A_242 = arith.addi %mul3A_3, %add3A_241 : vector<16xi32>
          %gather3A_243 = arith.constant 0 : i32
          %gather3A_244 = arith.constant 0 : i32
          %gather3A_245 = tpu.memref_slice %arg18[%and3A_142, %gather3A_243, %gather3A_244] : memref<2x400x64xf32, #tpu.memory_space<vmem>> -> memref<1x400x64xf32, #tpu.memory_space<vmem>>
          %gather3A_246 = tpu.memref_squeeze %gather3A_245 : memref<1x400x64xf32, #tpu.memory_space<vmem>> -> memref<400x64xf32, #tpu.memory_space<vmem>>
          %gather3A_247 = tpu.vector_load_idx %gather3A_246[%add3A_242, %or3A_163] : memref<400x64xf32, #tpu.memory_space<vmem>>[vector<16xi32>, vector<16xi32>], vector<16xf32>,
          %add3A_248 = arith.addf %add3A_239, %gather3A_247 : vector<16xf32>
          %add3A_249 = arith.constant 10 : i32
          %add3A_250 = vector.broadcast %add3A_249 : i32 to vector<16xi32>
          %add3A_251 = arith.addi %mul3A_3, %add3A_250 : vector<16xi32>
          %gather3A_252 = arith.constant 0 : i32
          %gather3A_253 = arith.constant 0 : i32
          %gather3A_254 = tpu.memref_slice %arg18[%and3A_142, %gather3A_252, %gather3A_253] : memref<2x400x64xf32, #tpu.memory_space<vmem>> -> memref<1x400x64xf32, #tpu.memory_space<vmem>>
          %gather3A_255 = tpu.memref_squeeze %gather3A_254 : memref<1x400x64xf32, #tpu.memory_space<vmem>> -> memref<400x64xf32, #tpu.memory_space<vmem>>
          %gather3A_256 = tpu.vector_load_idx %gather3A_255[%add3A_251, %or3A_163] : memref<400x64xf32, #tpu.memory_space<vmem>>[vector<16xi32>, vector<16xi32>], vector<16xf32>,
          %add3A_257 = arith.addf %add3A_248, %gather3A_256 : vector<16xf32>
          %add3A_258 = arith.constant 11 : i32
          %add3A_259 = vector.broadcast %add3A_258 : i32 to vector<16xi32>
          %add3A_260 = arith.addi %mul3A_3, %add3A_259 : vector<16xi32>
          %gather3A_261 = arith.constant 0 : i32
          %gather3A_262 = arith.constant 0 : i32
          %gather3A_263 = tpu.memref_slice %arg18[%and3A_142, %gather3A_261, %gather3A_262] : memref<2x400x64xf32, #tpu.memory_space<vmem>> -> memref<1x400x64xf32, #tpu.memory_space<vmem>>
          %gather3A_264 = tpu.memref_squeeze %gather3A_263 : memref<1x400x64xf32, #tpu.memory_space<vmem>> -> memref<400x64xf32, #tpu.memory_space<vmem>>
          %gather3A_265 = tpu.vector_load_idx %gather3A_264[%add3A_260, %or3A_163] : memref<400x64xf32, #tpu.memory_space<vmem>>[vector<16xi32>, vector<16xi32>], vector<16xf32>,
          %add3A_266 = arith.addf %add3A_257, %gather3A_265 : vector<16xf32>
          %add3A_267 = arith.constant 12 : i32
          %add3A_268 = vector.broadcast %add3A_267 : i32 to vector<16xi32>
          %add3A_269 = arith.addi %mul3A_3, %add3A_268 : vector<16xi32>
          %gather3A_270 = arith.constant 0 : i32
          %gather3A_271 = arith.constant 0 : i32
          %gather3A_272 = tpu.memref_slice %arg18[%and3A_142, %gather3A_270, %gather3A_271] : memref<2x400x64xf32, #tpu.memory_space<vmem>> -> memref<1x400x64xf32, #tpu.memory_space<vmem>>
          %gather3A_273 = tpu.memref_squeeze %gather3A_272 : memref<1x400x64xf32, #tpu.memory_space<vmem>> -> memref<400x64xf32, #tpu.memory_space<vmem>>
          %gather3A_274 = tpu.vector_load_idx %gather3A_273[%add3A_269, %or3A_163] : memref<400x64xf32, #tpu.memory_space<vmem>>[vector<16xi32>, vector<16xi32>], vector<16xf32>,
          %add3A_275 = arith.addf %add3A_266, %gather3A_274 : vector<16xf32>
          %add3A_276 = arith.constant 13 : i32
          %add3A_277 = vector.broadcast %add3A_276 : i32 to vector<16xi32>
          %add3A_278 = arith.addi %mul3A_3, %add3A_277 : vector<16xi32>
          %gather3A_279 = arith.constant 0 : i32
          %gather3A_280 = arith.constant 0 : i32
          %gather3A_281 = tpu.memref_slice %arg18[%and3A_142, %gather3A_279, %gather3A_280] : memref<2x400x64xf32, #tpu.memory_space<vmem>> -> memref<1x400x64xf32, #tpu.memory_space<vmem>>
          %gather3A_282 = tpu.memref_squeeze %gather3A_281 : memref<1x400x64xf32, #tpu.memory_space<vmem>> -> memref<400x64xf32, #tpu.memory_space<vmem>>
          %gather3A_283 = tpu.vector_load_idx %gather3A_282[%add3A_278, %or3A_163] : memref<400x64xf32, #tpu.memory_space<vmem>>[vector<16xi32>, vector<16xi32>], vector<16xf32>,
          %add3A_284 = arith.addf %add3A_275, %gather3A_283 : vector<16xf32>
          %add3A_285 = arith.constant 14 : i32
          %add3A_286 = vector.broadcast %add3A_285 : i32 to vector<16xi32>
          %add3A_287 = arith.addi %mul3A_3, %add3A_286 : vector<16xi32>
          %gather3A_288 = arith.constant 0 : i32
          %gather3A_289 = arith.constant 0 : i32
          %gather3A_290 = tpu.memref_slice %arg18[%and3A_142, %gather3A_288, %gather3A_289] : memref<2x400x64xf32, #tpu.memory_space<vmem>> -> memref<1x400x64xf32, #tpu.memory_space<vmem>>
          %gather3A_291 = tpu.memref_squeeze %gather3A_290 : memref<1x400x64xf32, #tpu.memory_space<vmem>> -> memref<400x64xf32, #tpu.memory_space<vmem>>
          %gather3A_292 = tpu.vector_load_idx %gather3A_291[%add3A_287, %or3A_163] : memref<400x64xf32, #tpu.memory_space<vmem>>[vector<16xi32>, vector<16xi32>], vector<16xf32>,
          %add3A_293 = arith.addf %add3A_284, %gather3A_292 : vector<16xf32>
          %add3A_294 = arith.constant 15 : i32
          %add3A_295 = vector.broadcast %add3A_294 : i32 to vector<16xi32>
          %add3A_296 = arith.addi %mul3A_3, %add3A_295 : vector<16xi32>
          %gather3A_297 = arith.constant 0 : i32
          %gather3A_298 = arith.constant 0 : i32
          %gather3A_299 = tpu.memref_slice %arg18[%and3A_142, %gather3A_297, %gather3A_298] : memref<2x400x64xf32, #tpu.memory_space<vmem>> -> memref<1x400x64xf32, #tpu.memory_space<vmem>>
          %gather3A_300 = tpu.memref_squeeze %gather3A_299 : memref<1x400x64xf32, #tpu.memory_space<vmem>> -> memref<400x64xf32, #tpu.memory_space<vmem>>
          %gather3A_301 = tpu.vector_load_idx %gather3A_300[%add3A_296, %or3A_163] : memref<400x64xf32, #tpu.memory_space<vmem>>[vector<16xi32>, vector<16xi32>], vector<16xf32>,
          %add3A_302 = arith.addf %add3A_293, %gather3A_301 : vector<16xf32>
          %add3A_303 = arith.constant 16 : i32
          %add3A_304 = vector.broadcast %add3A_303 : i32 to vector<16xi32>
          %add3A_305 = arith.addi %mul3A_3, %add3A_304 : vector<16xi32>
          %gather3A_306 = arith.constant 0 : i32
          %gather3A_307 = arith.constant 0 : i32
          %gather3A_308 = tpu.memref_slice %arg18[%and3A_142, %gather3A_306, %gather3A_307] : memref<2x400x64xf32, #tpu.memory_space<vmem>> -> memref<1x400x64xf32, #tpu.memory_space<vmem>>
          %gather3A_309 = tpu.memref_squeeze %gather3A_308 : memref<1x400x64xf32, #tpu.memory_space<vmem>> -> memref<400x64xf32, #tpu.memory_space<vmem>>
          %gather3A_310 = tpu.vector_load_idx %gather3A_309[%add3A_305, %or3A_163] : memref<400x64xf32, #tpu.memory_space<vmem>>[vector<16xi32>, vector<16xi32>], vector<16xf32>,
          %add3A_311 = arith.addf %add3A_302, %gather3A_310 : vector<16xf32>
          %add3A_312 = arith.constant 17 : i32
          %add3A_313 = vector.broadcast %add3A_312 : i32 to vector<16xi32>
          %add3A_314 = arith.addi %mul3A_3, %add3A_313 : vector<16xi32>
          %gather3A_315 = arith.constant 0 : i32
          %gather3A_316 = arith.constant 0 : i32
          %gather3A_317 = tpu.memref_slice %arg18[%and3A_142, %gather3A_315, %gather3A_316] : memref<2x400x64xf32, #tpu.memory_space<vmem>> -> memref<1x400x64xf32, #tpu.memory_space<vmem>>
          %gather3A_318 = tpu.memref_squeeze %gather3A_317 : memref<1x400x64xf32, #tpu.memory_space<vmem>> -> memref<400x64xf32, #tpu.memory_space<vmem>>
          %gather3A_319 = tpu.vector_load_idx %gather3A_318[%add3A_314, %or3A_163] : memref<400x64xf32, #tpu.memory_space<vmem>>[vector<16xi32>, vector<16xi32>], vector<16xf32>,
          %add3A_320 = arith.addf %add3A_311, %gather3A_319 : vector<16xf32>
          %add3A_321 = arith.constant 18 : i32
          %add3A_322 = vector.broadcast %add3A_321 : i32 to vector<16xi32>
          %add3A_323 = arith.addi %mul3A_3, %add3A_322 : vector<16xi32>
          %gather3A_324 = arith.constant 0 : i32
          %gather3A_325 = arith.constant 0 : i32
          %gather3A_326 = tpu.memref_slice %arg18[%and3A_142, %gather3A_324, %gather3A_325] : memref<2x400x64xf32, #tpu.memory_space<vmem>> -> memref<1x400x64xf32, #tpu.memory_space<vmem>>
          %gather3A_327 = tpu.memref_squeeze %gather3A_326 : memref<1x400x64xf32, #tpu.memory_space<vmem>> -> memref<400x64xf32, #tpu.memory_space<vmem>>
          %gather3A_328 = tpu.vector_load_idx %gather3A_327[%add3A_323, %or3A_163] : memref<400x64xf32, #tpu.memory_space<vmem>>[vector<16xi32>, vector<16xi32>], vector<16xf32>,
          %add3A_329 = arith.addf %add3A_320, %gather3A_328 : vector<16xf32>
          %add3A_330 = arith.constant 19 : i32
          %add3A_331 = vector.broadcast %add3A_330 : i32 to vector<16xi32>
          %add3A_332 = arith.addi %mul3A_3, %add3A_331 : vector<16xi32>
          %gather3A_333 = arith.constant 0 : i32
          %gather3A_334 = arith.constant 0 : i32
          %gather3A_335 = tpu.memref_slice %arg18[%and3A_142, %gather3A_333, %gather3A_334] : memref<2x400x64xf32, #tpu.memory_space<vmem>> -> memref<1x400x64xf32, #tpu.memory_space<vmem>>
          %gather3A_336 = tpu.memref_squeeze %gather3A_335 : memref<1x400x64xf32, #tpu.memory_space<vmem>> -> memref<400x64xf32, #tpu.memory_space<vmem>>
          %gather3A_337 = tpu.vector_load_idx %gather3A_336[%add3A_332, %or3A_163] : memref<400x64xf32, #tpu.memory_space<vmem>>[vector<16xi32>, vector<16xi32>], vector<16xf32>,
          %add3A_338 = arith.addf %add3A_329, %gather3A_337 : vector<16xf32>
          %add3A_339 = arith.constant 20 : i32
          %add3A_340 = vector.broadcast %add3A_339 : i32 to vector<16xi32>
          %add3A_341 = arith.addi %mul3A_3, %add3A_340 : vector<16xi32>
          %gather3A_342 = arith.constant 0 : i32
          %gather3A_343 = arith.constant 0 : i32
          %gather3A_344 = tpu.memref_slice %arg18[%and3A_142, %gather3A_342, %gather3A_343] : memref<2x400x64xf32, #tpu.memory_space<vmem>> -> memref<1x400x64xf32, #tpu.memory_space<vmem>>
          %gather3A_345 = tpu.memref_squeeze %gather3A_344 : memref<1x400x64xf32, #tpu.memory_space<vmem>> -> memref<400x64xf32, #tpu.memory_space<vmem>>
          %gather3A_346 = tpu.vector_load_idx %gather3A_345[%add3A_341, %or3A_163] : memref<400x64xf32, #tpu.memory_space<vmem>>[vector<16xi32>, vector<16xi32>], vector<16xf32>,
          %add3A_347 = arith.addf %add3A_338, %gather3A_346 : vector<16xf32>
          %add3A_348 = arith.constant 21 : i32
          %add3A_349 = vector.broadcast %add3A_348 : i32 to vector<16xi32>
          %add3A_350 = arith.addi %mul3A_3, %add3A_349 : vector<16xi32>
          %gather3A_351 = arith.constant 0 : i32
          %gather3A_352 = arith.constant 0 : i32
          %gather3A_353 = tpu.memref_slice %arg18[%and3A_142, %gather3A_351, %gather3A_352] : memref<2x400x64xf32, #tpu.memory_space<vmem>> -> memref<1x400x64xf32, #tpu.memory_space<vmem>>
          %gather3A_354 = tpu.memref_squeeze %gather3A_353 : memref<1x400x64xf32, #tpu.memory_space<vmem>> -> memref<400x64xf32, #tpu.memory_space<vmem>>
          %gather3A_355 = tpu.vector_load_idx %gather3A_354[%add3A_350, %or3A_163] : memref<400x64xf32, #tpu.memory_space<vmem>>[vector<16xi32>, vector<16xi32>], vector<16xf32>,
          %add3A_356 = arith.addf %add3A_347, %gather3A_355 : vector<16xf32>
          %add3A_357 = arith.constant 22 : i32
          %add3A_358 = vector.broadcast %add3A_357 : i32 to vector<16xi32>
          %add3A_359 = arith.addi %mul3A_3, %add3A_358 : vector<16xi32>
          %gather3A_360 = arith.constant 0 : i32
          %gather3A_361 = arith.constant 0 : i32
          %gather3A_362 = tpu.memref_slice %arg18[%and3A_142, %gather3A_360, %gather3A_361] : memref<2x400x64xf32, #tpu.memory_space<vmem>> -> memref<1x400x64xf32, #tpu.memory_space<vmem>>
          %gather3A_363 = tpu.memref_squeeze %gather3A_362 : memref<1x400x64xf32, #tpu.memory_space<vmem>> -> memref<400x64xf32, #tpu.memory_space<vmem>>
          %gather3A_364 = tpu.vector_load_idx %gather3A_363[%add3A_359, %or3A_163] : memref<400x64xf32, #tpu.memory_space<vmem>>[vector<16xi32>, vector<16xi32>], vector<16xf32>,
          %add3A_365 = arith.addf %add3A_356, %gather3A_364 : vector<16xf32>
          %add3A_366 = arith.constant 23 : i32
          %add3A_367 = vector.broadcast %add3A_366 : i32 to vector<16xi32>
          %add3A_368 = arith.addi %mul3A_3, %add3A_367 : vector<16xi32>
          %gather3A_369 = arith.constant 0 : i32
          %gather3A_370 = arith.constant 0 : i32
          %gather3A_371 = tpu.memref_slice %arg18[%and3A_142, %gather3A_369, %gather3A_370] : memref<2x400x64xf32, #tpu.memory_space<vmem>> -> memref<1x400x64xf32, #tpu.memory_space<vmem>>
          %gather3A_372 = tpu.memref_squeeze %gather3A_371 : memref<1x400x64xf32, #tpu.memory_space<vmem>> -> memref<400x64xf32, #tpu.memory_space<vmem>>
          %gather3A_373 = tpu.vector_load_idx %gather3A_372[%add3A_368, %or3A_163] : memref<400x64xf32, #tpu.memory_space<vmem>>[vector<16xi32>, vector<16xi32>], vector<16xf32>,
          %add3A_374 = arith.addf %add3A_365, %gather3A_373 : vector<16xf32>
          %add3A_375 = arith.constant 24 : i32
          %add3A_376 = vector.broadcast %add3A_375 : i32 to vector<16xi32>
          %add3A_377 = arith.addi %mul3A_3, %add3A_376 : vector<16xi32>
          %gather3A_378 = arith.constant 0 : i32
          %gather3A_379 = arith.constant 0 : i32
          %gather3A_380 = tpu.memref_slice %arg18[%and3A_142, %gather3A_378, %gather3A_379] : memref<2x400x64xf32, #tpu.memory_space<vmem>> -> memref<1x400x64xf32, #tpu.memory_space<vmem>>
          %gather3A_381 = tpu.memref_squeeze %gather3A_380 : memref<1x400x64xf32, #tpu.memory_space<vmem>> -> memref<400x64xf32, #tpu.memory_space<vmem>>
          %gather3A_382 = tpu.vector_load_idx %gather3A_381[%add3A_377, %or3A_163] : memref<400x64xf32, #tpu.memory_space<vmem>>[vector<16xi32>, vector<16xi32>], vector<16xf32>,
          %add3A_383 = arith.addf %add3A_374, %gather3A_382 : vector<16xf32>
          %gather3A_384 = tpu.vector_load_idx %arg15[%add3A_146, %or3A_163] : memref<128x64xf32, #tpu.memory_space<vmem>>[vector<16xi32>, vector<16xi32>], vector<16xf32>,
          %mul3A_385 = vector.broadcast %scan3A : f32 to vector<16xf32>
          %mul3A_386 = arith.mulf %add3A_383, %mul3A_385 : vector<16xf32>
          %mul3A_387 = arith.mulf %mul3A_386, %gather3A_384 : vector<16xf32>
          %mul3A_388 = arith.constant 128 : i32
          %mul3A_389 = arith.muli %scan3A_154, %mul3A_388 : i32
          %mul3A_390 = arith.constant 16 : i32
          %mul3A_391 = arith.muli %scan3A_122, %mul3A_390 : i32
          %add3A_392 = arith.addi %mul3A_389, %mul3A_391 : i32
          %swap3A = arith.index_cast %add3A_392 : i32 to index
          %swap3A_393 = tpu.vector_load %arg16[%swap3A] {strides = array<i32>} : memref<8192xf32, #tpu.memory_space<vmem>>, vector<16xf32>,
          tpu.vector_store %arg16[%swap3A], %mul3A_387 {strides = array<i32>} : memref<8192xf32, #tpu.memory_space<vmem>>, vector<16xf32>,
          %scan3A_394 = arith.constant 0 : i32
          scf.yield %scan3A_394 : i32
        }
        %scan3A_153 = arith.constant 64 : i32
      } else {
        %sub3A = arith.constant 8 : i32
        %sub3A_141 = arith.subi %scan3A_122, %sub3A : i32
        %shift_right_arithmetic3A = arith.constant 1 : i32
        %shift_right_arithmetic3A_142 = arith.shrsi %sub3A_141, %shift_right_arithmetic3A : i32
        %and3A_143 = arith.constant 1 : i32
        %and3A_144 = arith.andi %sub3A_141, %and3A_143 : i32
        %and3A_145 = arith.constant 1 : i32
        %and3A_146 = arith.andi %sub3A_141, %and3A_145 : i32
        %and3A_147 = arith.constant 1 : i32
        %and3A_148 = arith.andi %sub3A_141, %and3A_147 : i32
        %add3A_149 = arith.constant 0 : i32
        %add3A_150 = vector.broadcast %add3A_149 : i32 to vector<16xi32>
        %add3A_151 = arith.addi %mul3A_3, %add3A_150 : vector<16xi32>
        %add3A_152 = arith.constant 1 : i32
        %add3A_153 = vector.broadcast %add3A_152 : i32 to vector<16xi32>
        %add3A_154 = arith.addi %mul3A_3, %add3A_153 : vector<16xi32>
        %add3A_155 = arith.constant 2 : i32
        %add3A_156 = vector.broadcast %add3A_155 : i32 to vector<16xi32>
        %add3A_157 = arith.addi %mul3A_3, %add3A_156 : vector<16xi32>
        %add3A_158 = arith.constant 3 : i32
        %add3A_159 = vector.broadcast %add3A_158 : i32 to vector<16xi32>
        %add3A_160 = arith.addi %mul3A_3, %add3A_159 : vector<16xi32>
        %add3A_161 = arith.constant 4 : i32
        %add3A_162 = vector.broadcast %add3A_161 : i32 to vector<16xi32>
        %add3A_163 = arith.addi %mul3A_3, %add3A_162 : vector<16xi32>
        %broadcast_in_dim3A = arith.constant 0.000000e+00 : f32
        %broadcast_in_dim3A_164 = vector.broadcast %broadcast_in_dim3A : f32 to vector<16xf32>
        %broadcast_in_dim3A_165 = arith.constant 0.000000e+00 : f32
        %broadcast_in_dim3A_166 = vector.broadcast %broadcast_in_dim3A_165 : f32 to vector<16xf32>
        %broadcast_in_dim3A_167 = arith.constant 0.000000e+00 : f32
        %broadcast_in_dim3A_168 = vector.broadcast %broadcast_in_dim3A_167 : f32 to vector<16xf32>
        %broadcast_in_dim3A_169 = arith.constant 0.000000e+00 : f32
        %broadcast_in_dim3A_170 = vector.broadcast %broadcast_in_dim3A_169 : f32 to vector<16xf32>
        %broadcast_in_dim3A_171 = arith.constant 0.000000e+00 : f32
        %broadcast_in_dim3A_172 = vector.broadcast %broadcast_in_dim3A_171 : f32 to vector<16xf32>
        %scan3A_173 = arith.constant 0 : i32
        %scan3A_174 = arith.constant 64 : i32
        %scan3A_175 = arith.addi %scan3A_173, %scan3A_174 : i32
        %scan3A_176 = arith.constant 1 : i32
        %scan3A_177:5 = scf.for %scan3A_727 = %scan3A_173 to %scan3A_175 step %scan3A_176 iter_args(%scan3A_728 = %broadcast_in_dim3A_164, %scan3A_729 = %broadcast_in_dim3A_166, %scan3A_730 = %broadcast_in_dim3A_168, %scan3A_731 = %broadcast_in_dim3A_170, %scan3A_732 = %broadcast_in_dim3A_172) -> (vector<16xf32>, vector<16xf32>, vector<16xf32>, vector<16xf32>, vector<16xf32>)  : i32 {
          %add3A_733 = vector.broadcast %scan3A_727 : i32 to vector<16xi32>
          %add3A_734 = arith.addi %add3A_733, %iota3A : vector<16xi32>
          %and3A_735 = arith.constant 15 : i32
          %and3A_736 = vector.broadcast %and3A_735 : i32 to vector<16xi32>
          %and3A_737 = arith.andi %add3A_734, %and3A_736 : vector<16xi32>
          %and3A_738 = arith.constant -16 : i32
          %and3A_739 = arith.andi %scan3A_727, %and3A_738 : i32
          %or3A = vector.broadcast %and3A_739 : i32 to vector<16xi32>
          %or3A_740 = arith.ori %and3A_737, %or3A : vector<16xi32>
          %mul3A_741 = arith.constant 128 : i32
          %mul3A_742 = arith.muli %scan3A_727, %mul3A_741 : i32
          %mul3A_743 = arith.constant 16 : i32
          %mul3A_744 = arith.muli %shift_right_arithmetic3A_142, %mul3A_743 : i32
          %add3A_745 = arith.addi %mul3A_742, %mul3A_744 : i32
          %get3A = arith.index_cast %add3A_745 : i32 to index
          %get3A_746 = tpu.vector_load %arg16[%get3A] {strides = array<i32>} : memref<8192xf32, #tpu.memory_space<vmem>>, vector<16xf32>,
          %gather3A_747 = arith.constant 0 : i32
          %gather3A_748 = arith.constant 0 : i32
          %gather3A_749 = tpu.memref_slice %arg18[%and3A_146, %gather3A_747, %gather3A_748] : memref<2x400x64xf32, #tpu.memory_space<vmem>> -> memref<1x400x64xf32, #tpu.memory_space<vmem>>
          %gather3A_750 = tpu.memref_squeeze %gather3A_749 : memref<1x400x64xf32, #tpu.memory_space<vmem>> -> memref<400x64xf32, #tpu.memory_space<vmem>>
          %gather3A_751 = tpu.vector_load_idx %gather3A_750[%add3A_151, %or3A_740] : memref<400x64xf32, #tpu.memory_space<vmem>>[vector<16xi32>, vector<16xi32>], vector<16xf32>,
          %mul3A_752 = arith.mulf %gather3A_751, %get3A_746 : vector<16xf32>
          %add3A_753 = arith.addf %scan3A_728, %mul3A_752 : vector<16xf32>
          %gather3A_754 = arith.constant 0 : i32
          %gather3A_755 = arith.constant 0 : i32
          %gather3A_756 = tpu.memref_slice %arg18[%and3A_146, %gather3A_754, %gather3A_755] : memref<2x400x64xf32, #tpu.memory_space<vmem>> -> memref<1x400x64xf32, #tpu.memory_space<vmem>>
          %gather3A_757 = tpu.memref_squeeze %gather3A_756 : memref<1x400x64xf32, #tpu.memory_space<vmem>> -> memref<400x64xf32, #tpu.memory_space<vmem>>
          %gather3A_758 = tpu.vector_load_idx %gather3A_757[%add3A_154, %or3A_740] : memref<400x64xf32, #tpu.memory_space<vmem>>[vector<16xi32>, vector<16xi32>], vector<16xf32>,
          %mul3A_759 = arith.mulf %gather3A_758, %get3A_746 : vector<16xf32>
          %add3A_760 = arith.addf %scan3A_729, %mul3A_759 : vector<16xf32>
          %gather3A_761 = arith.constant 0 : i32
          %gather3A_762 = arith.constant 0 : i32
          %gather3A_763 = tpu.memref_slice %arg18[%and3A_146, %gather3A_761, %gather3A_762] : memref<2x400x64xf32, #tpu.memory_space<vmem>> -> memref<1x400x64xf32, #tpu.memory_space<vmem>>
          %gather3A_764 = tpu.memref_squeeze %gather3A_763 : memref<1x400x64xf32, #tpu.memory_space<vmem>> -> memref<400x64xf32, #tpu.memory_space<vmem>>
          %gather3A_765 = tpu.vector_load_idx %gather3A_764[%add3A_157, %or3A_740] : memref<400x64xf32, #tpu.memory_space<vmem>>[vector<16xi32>, vector<16xi32>], vector<16xf32>,
          %mul3A_766 = arith.mulf %gather3A_765, %get3A_746 : vector<16xf32>
          %add3A_767 = arith.addf %scan3A_730, %mul3A_766 : vector<16xf32>
          %gather3A_768 = arith.constant 0 : i32
          %gather3A_769 = arith.constant 0 : i32
          %gather3A_770 = tpu.memref_slice %arg18[%and3A_146, %gather3A_768, %gather3A_769] : memref<2x400x64xf32, #tpu.memory_space<vmem>> -> memref<1x400x64xf32, #tpu.memory_space<vmem>>
          %gather3A_771 = tpu.memref_squeeze %gather3A_770 : memref<1x400x64xf32, #tpu.memory_space<vmem>> -> memref<400x64xf32, #tpu.memory_space<vmem>>
          %gather3A_772 = tpu.vector_load_idx %gather3A_771[%add3A_160, %or3A_740] : memref<400x64xf32, #tpu.memory_space<vmem>>[vector<16xi32>, vector<16xi32>], vector<16xf32>,
          %mul3A_773 = arith.mulf %gather3A_772, %get3A_746 : vector<16xf32>
          %add3A_774 = arith.addf %scan3A_731, %mul3A_773 : vector<16xf32>
          %gather3A_775 = arith.constant 0 : i32
          %gather3A_776 = arith.constant 0 : i32
          %gather3A_777 = tpu.memref_slice %arg18[%and3A_146, %gather3A_775, %gather3A_776] : memref<2x400x64xf32, #tpu.memory_space<vmem>> -> memref<1x400x64xf32, #tpu.memory_space<vmem>>
          %gather3A_778 = tpu.memref_squeeze %gather3A_777 : memref<1x400x64xf32, #tpu.memory_space<vmem>> -> memref<400x64xf32, #tpu.memory_space<vmem>>
          %gather3A_779 = tpu.vector_load_idx %gather3A_778[%add3A_163, %or3A_740] : memref<400x64xf32, #tpu.memory_space<vmem>>[vector<16xi32>, vector<16xi32>], vector<16xf32>,
          %mul3A_780 = arith.mulf %gather3A_779, %get3A_746 : vector<16xf32>
          %add3A_781 = arith.addf %scan3A_732, %mul3A_780 : vector<16xf32>
          scf.yield %add3A_753, %add3A_760, %add3A_767, %add3A_774, %add3A_781 : vector<16xf32>, vector<16xf32>, vector<16xf32>, vector<16xf32>, vector<16xf32>
        }
        %scan3A_178 = arith.constant 64 : i32
        %mul3A_179 = arith.constant 800 : i32
        %mul3A_180 = arith.muli %shift_right_arithmetic3A_142, %mul3A_179 : i32
        %add3A_181 = vector.broadcast %mul3A_180 : i32 to vector<16xi32>
        %add3A_182 = arith.addi %add3A_181, %mul3A_6 : vector<16xi32>
        %mul3A_183 = arith.constant 25 : i32
        %mul3A_184 = arith.muli %and3A_144, %mul3A_183 : i32
        %add3A_185 = arith.constant 0 : i32
        %add3A_186 = arith.addi %mul3A_184, %add3A_185 : i32
        %add3A_187 = vector.broadcast %add3A_186 : i32 to vector<16xi32>
        %add3A_188 = arith.addi %add3A_182, %add3A_187 : vector<16xi32>
        %gather3A = arith.constant 0 : i32
        %gather3A_189 = tpu.memref_slice %arg19[%and3A_148, %gather3A] : memref<2x400xf32, #tpu.memory_space<vmem>> -> memref<1x400xf32, #tpu.memory_space<vmem>>
        %gather3A_190 = tpu.memref_squeeze %gather3A_189 : memref<1x400xf32, #tpu.memory_space<vmem>> -> memref<400xf32, #tpu.memory_space<vmem>>
        %gather3A_191 = tpu.vector_load_idx %gather3A_190[%add3A_151] : memref<400xf32, #tpu.memory_space<vmem>>[vector<16xi32>], vector<16xf32>,
        %add3A_192 = arith.addf %scan3A_177#0, %gather3A_191 : vector<16xf32>
        %gather3A_193 = tpu.vector_load_idx %arg14[%add3A_188] : memref<6400xf32, #tpu.memory_space<vmem>>[vector<16xi32>], vector<16xf32>,
        %add3A_194 = arith.addf %add3A_192, %gather3A_193 : vector<16xf32>
        tpu.vector_store_idx %arg17[%add3A_188], %add3A_194 : memref<6400xf32, #tpu.memory_space<vmem>>[vector<16xi32>], vector<16xf32>,
        %mul3A_195 = arith.constant 800 : i32
        %mul3A_196 = arith.muli %shift_right_arithmetic3A_142, %mul3A_195 : i32
        %add3A_197 = vector.broadcast %mul3A_196 : i32 to vector<16xi32>
        %add3A_198 = arith.addi %add3A_197, %mul3A_6 : vector<16xi32>
        %mul3A_199 = arith.constant 25 : i32
        %mul3A_200 = arith.muli %and3A_144, %mul3A_199 : i32
        %add3A_201 = arith.constant 1 : i32
        %add3A_202 = arith.addi %mul3A_200, %add3A_201 : i32
        %add3A_203 = vector.broadcast %add3A_202 : i32 to vector<16xi32>
        %add3A_204 = arith.addi %add3A_198, %add3A_203 : vector<16xi32>
        %gather3A_205 = arith.constant 0 : i32
        %gather3A_206 = tpu.memref_slice %arg19[%and3A_148, %gather3A_205] : memref<2x400xf32, #tpu.memory_space<vmem>> -> memref<1x400xf32, #tpu.memory_space<vmem>>
        %gather3A_207 = tpu.memref_squeeze %gather3A_206 : memref<1x400xf32, #tpu.memory_space<vmem>> -> memref<400xf32, #tpu.memory_space<vmem>>
        %gather3A_208 = tpu.vector_load_idx %gather3A_207[%add3A_154] : memref<400xf32, #tpu.memory_space<vmem>>[vector<16xi32>], vector<16xf32>,
        %add3A_209 = arith.addf %scan3A_177#1, %gather3A_208 : vector<16xf32>
        %gather3A_210 = tpu.vector_load_idx %arg14[%add3A_204] : memref<6400xf32, #tpu.memory_space<vmem>>[vector<16xi32>], vector<16xf32>,
        %add3A_211 = arith.addf %add3A_209, %gather3A_210 : vector<16xf32>
        tpu.vector_store_idx %arg17[%add3A_204], %add3A_211 : memref<6400xf32, #tpu.memory_space<vmem>>[vector<16xi32>], vector<16xf32>,
        %mul3A_212 = arith.constant 800 : i32
        %mul3A_213 = arith.muli %shift_right_arithmetic3A_142, %mul3A_212 : i32
        %add3A_214 = vector.broadcast %mul3A_213 : i32 to vector<16xi32>
        %add3A_215 = arith.addi %add3A_214, %mul3A_6 : vector<16xi32>
        %mul3A_216 = arith.constant 25 : i32
        %mul3A_217 = arith.muli %and3A_144, %mul3A_216 : i32
        %add3A_218 = arith.constant 2 : i32
        %add3A_219 = arith.addi %mul3A_217, %add3A_218 : i32
        %add3A_220 = vector.broadcast %add3A_219 : i32 to vector<16xi32>
        %add3A_221 = arith.addi %add3A_215, %add3A_220 : vector<16xi32>
        %gather3A_222 = arith.constant 0 : i32
        %gather3A_223 = tpu.memref_slice %arg19[%and3A_148, %gather3A_222] : memref<2x400xf32, #tpu.memory_space<vmem>> -> memref<1x400xf32, #tpu.memory_space<vmem>>
        %gather3A_224 = tpu.memref_squeeze %gather3A_223 : memref<1x400xf32, #tpu.memory_space<vmem>> -> memref<400xf32, #tpu.memory_space<vmem>>
        %gather3A_225 = tpu.vector_load_idx %gather3A_224[%add3A_157] : memref<400xf32, #tpu.memory_space<vmem>>[vector<16xi32>], vector<16xf32>,
        %add3A_226 = arith.addf %scan3A_177#2, %gather3A_225 : vector<16xf32>
        %gather3A_227 = tpu.vector_load_idx %arg14[%add3A_221] : memref<6400xf32, #tpu.memory_space<vmem>>[vector<16xi32>], vector<16xf32>,
        %add3A_228 = arith.addf %add3A_226, %gather3A_227 : vector<16xf32>
        tpu.vector_store_idx %arg17[%add3A_221], %add3A_228 : memref<6400xf32, #tpu.memory_space<vmem>>[vector<16xi32>], vector<16xf32>,
        %mul3A_229 = arith.constant 800 : i32
        %mul3A_230 = arith.muli %shift_right_arithmetic3A_142, %mul3A_229 : i32
        %add3A_231 = vector.broadcast %mul3A_230 : i32 to vector<16xi32>
        %add3A_232 = arith.addi %add3A_231, %mul3A_6 : vector<16xi32>
        %mul3A_233 = arith.constant 25 : i32
        %mul3A_234 = arith.muli %and3A_144, %mul3A_233 : i32
        %add3A_235 = arith.constant 3 : i32
        %add3A_236 = arith.addi %mul3A_234, %add3A_235 : i32
        %add3A_237 = vector.broadcast %add3A_236 : i32 to vector<16xi32>
        %add3A_238 = arith.addi %add3A_232, %add3A_237 : vector<16xi32>
        %gather3A_239 = arith.constant 0 : i32
        %gather3A_240 = tpu.memref_slice %arg19[%and3A_148, %gather3A_239] : memref<2x400xf32, #tpu.memory_space<vmem>> -> memref<1x400xf32, #tpu.memory_space<vmem>>
        %gather3A_241 = tpu.memref_squeeze %gather3A_240 : memref<1x400xf32, #tpu.memory_space<vmem>> -> memref<400xf32, #tpu.memory_space<vmem>>
        %gather3A_242 = tpu.vector_load_idx %gather3A_241[%add3A_160] : memref<400xf32, #tpu.memory_space<vmem>>[vector<16xi32>], vector<16xf32>,
        %add3A_243 = arith.addf %scan3A_177#3, %gather3A_242 : vector<16xf32>
        %gather3A_244 = tpu.vector_load_idx %arg14[%add3A_238] : memref<6400xf32, #tpu.memory_space<vmem>>[vector<16xi32>], vector<16xf32>,
        %add3A_245 = arith.addf %add3A_243, %gather3A_244 : vector<16xf32>
        tpu.vector_store_idx %arg17[%add3A_238], %add3A_245 : memref<6400xf32, #tpu.memory_space<vmem>>[vector<16xi32>], vector<16xf32>,
        %mul3A_246 = arith.constant 800 : i32
        %mul3A_247 = arith.muli %shift_right_arithmetic3A_142, %mul3A_246 : i32
        %add3A_248 = vector.broadcast %mul3A_247 : i32 to vector<16xi32>
        %add3A_249 = arith.addi %add3A_248, %mul3A_6 : vector<16xi32>
        %mul3A_250 = arith.constant 25 : i32
        %mul3A_251 = arith.muli %and3A_144, %mul3A_250 : i32
        %add3A_252 = arith.constant 4 : i32
        %add3A_253 = arith.addi %mul3A_251, %add3A_252 : i32
        %add3A_254 = vector.broadcast %add3A_253 : i32 to vector<16xi32>
        %add3A_255 = arith.addi %add3A_249, %add3A_254 : vector<16xi32>
        %gather3A_256 = arith.constant 0 : i32
        %gather3A_257 = tpu.memref_slice %arg19[%and3A_148, %gather3A_256] : memref<2x400xf32, #tpu.memory_space<vmem>> -> memref<1x400xf32, #tpu.memory_space<vmem>>
        %gather3A_258 = tpu.memref_squeeze %gather3A_257 : memref<1x400xf32, #tpu.memory_space<vmem>> -> memref<400xf32, #tpu.memory_space<vmem>>
        %gather3A_259 = tpu.vector_load_idx %gather3A_258[%add3A_163] : memref<400xf32, #tpu.memory_space<vmem>>[vector<16xi32>], vector<16xf32>,
        %add3A_260 = arith.addf %scan3A_177#4, %gather3A_259 : vector<16xf32>
        %gather3A_261 = tpu.vector_load_idx %arg14[%add3A_255] : memref<6400xf32, #tpu.memory_space<vmem>>[vector<16xi32>], vector<16xf32>,
        %add3A_262 = arith.addf %add3A_260, %gather3A_261 : vector<16xf32>
        tpu.vector_store_idx %arg17[%add3A_255], %add3A_262 : memref<6400xf32, #tpu.memory_space<vmem>>[vector<16xi32>], vector<16xf32>,
        %add3A_263 = arith.constant 5 : i32
        %add3A_264 = vector.broadcast %add3A_263 : i32 to vector<16xi32>
        %add3A_265 = arith.addi %mul3A_3, %add3A_264 : vector<16xi32>
        %add3A_266 = arith.constant 6 : i32
        %add3A_267 = vector.broadcast %add3A_266 : i32 to vector<16xi32>
        %add3A_268 = arith.addi %mul3A_3, %add3A_267 : vector<16xi32>
        %add3A_269 = arith.constant 7 : i32
        %add3A_270 = vector.broadcast %add3A_269 : i32 to vector<16xi32>
        %add3A_271 = arith.addi %mul3A_3, %add3A_270 : vector<16xi32>
        %add3A_272 = arith.constant 8 : i32
        %add3A_273 = vector.broadcast %add3A_272 : i32 to vector<16xi32>
        %add3A_274 = arith.addi %mul3A_3, %add3A_273 : vector<16xi32>
        %add3A_275 = arith.constant 9 : i32
        %add3A_276 = vector.broadcast %add3A_275 : i32 to vector<16xi32>
        %add3A_277 = arith.addi %mul3A_3, %add3A_276 : vector<16xi32>
        %broadcast_in_dim3A_278 = arith.constant 0.000000e+00 : f32
        %broadcast_in_dim3A_279 = vector.broadcast %broadcast_in_dim3A_278 : f32 to vector<16xf32>
        %broadcast_in_dim3A_280 = arith.constant 0.000000e+00 : f32
        %broadcast_in_dim3A_281 = vector.broadcast %broadcast_in_dim3A_280 : f32 to vector<16xf32>
        %broadcast_in_dim3A_282 = arith.constant 0.000000e+00 : f32
        %broadcast_in_dim3A_283 = vector.broadcast %broadcast_in_dim3A_282 : f32 to vector<16xf32>
        %broadcast_in_dim3A_284 = arith.constant 0.000000e+00 : f32
        %broadcast_in_dim3A_285 = vector.broadcast %broadcast_in_dim3A_284 : f32 to vector<16xf32>
        %broadcast_in_dim3A_286 = arith.constant 0.000000e+00 : f32
        %broadcast_in_dim3A_287 = vector.broadcast %broadcast_in_dim3A_286 : f32 to vector<16xf32>
        %scan3A_288 = arith.constant 0 : i32
        %scan3A_289 = arith.constant 64 : i32
        %scan3A_290 = arith.addi %scan3A_288, %scan3A_289 : i32
        %scan3A_291 = arith.constant 1 : i32
        %scan3A_292:5 = scf.for %scan3A_727 = %scan3A_288 to %scan3A_290 step %scan3A_291 iter_args(%scan3A_728 = %broadcast_in_dim3A_279, %scan3A_729 = %broadcast_in_dim3A_281, %scan3A_730 = %broadcast_in_dim3A_283, %scan3A_731 = %broadcast_in_dim3A_285, %scan3A_732 = %broadcast_in_dim3A_287) -> (vector<16xf32>, vector<16xf32>, vector<16xf32>, vector<16xf32>, vector<16xf32>)  : i32 {
          %add3A_733 = vector.broadcast %scan3A_727 : i32 to vector<16xi32>
          %add3A_734 = arith.addi %add3A_733, %iota3A : vector<16xi32>
          %and3A_735 = arith.constant 15 : i32
          %and3A_736 = vector.broadcast %and3A_735 : i32 to vector<16xi32>
          %and3A_737 = arith.andi %add3A_734, %and3A_736 : vector<16xi32>
          %and3A_738 = arith.constant -16 : i32
          %and3A_739 = arith.andi %scan3A_727, %and3A_738 : i32
          %or3A = vector.broadcast %and3A_739 : i32 to vector<16xi32>
          %or3A_740 = arith.ori %and3A_737, %or3A : vector<16xi32>
          %mul3A_741 = arith.constant 128 : i32
          %mul3A_742 = arith.muli %scan3A_727, %mul3A_741 : i32
          %mul3A_743 = arith.constant 16 : i32
          %mul3A_744 = arith.muli %shift_right_arithmetic3A_142, %mul3A_743 : i32
          %add3A_745 = arith.addi %mul3A_742, %mul3A_744 : i32
          %get3A = arith.index_cast %add3A_745 : i32 to index
          %get3A_746 = tpu.vector_load %arg16[%get3A] {strides = array<i32>} : memref<8192xf32, #tpu.memory_space<vmem>>, vector<16xf32>,
          %gather3A_747 = arith.constant 0 : i32
          %gather3A_748 = arith.constant 0 : i32
          %gather3A_749 = tpu.memref_slice %arg18[%and3A_146, %gather3A_747, %gather3A_748] : memref<2x400x64xf32, #tpu.memory_space<vmem>> -> memref<1x400x64xf32, #tpu.memory_space<vmem>>
          %gather3A_750 = tpu.memref_squeeze %gather3A_749 : memref<1x400x64xf32, #tpu.memory_space<vmem>> -> memref<400x64xf32, #tpu.memory_space<vmem>>
          %gather3A_751 = tpu.vector_load_idx %gather3A_750[%add3A_265, %or3A_740] : memref<400x64xf32, #tpu.memory_space<vmem>>[vector<16xi32>, vector<16xi32>], vector<16xf32>,
          %mul3A_752 = arith.mulf %gather3A_751, %get3A_746 : vector<16xf32>
          %add3A_753 = arith.addf %scan3A_728, %mul3A_752 : vector<16xf32>
          %gather3A_754 = arith.constant 0 : i32
          %gather3A_755 = arith.constant 0 : i32
          %gather3A_756 = tpu.memref_slice %arg18[%and3A_146, %gather3A_754, %gather3A_755] : memref<2x400x64xf32, #tpu.memory_space<vmem>> -> memref<1x400x64xf32, #tpu.memory_space<vmem>>
          %gather3A_757 = tpu.memref_squeeze %gather3A_756 : memref<1x400x64xf32, #tpu.memory_space<vmem>> -> memref<400x64xf32, #tpu.memory_space<vmem>>
          %gather3A_758 = tpu.vector_load_idx %gather3A_757[%add3A_268, %or3A_740] : memref<400x64xf32, #tpu.memory_space<vmem>>[vector<16xi32>, vector<16xi32>], vector<16xf32>,
          %mul3A_759 = arith.mulf %gather3A_758, %get3A_746 : vector<16xf32>
          %add3A_760 = arith.addf %scan3A_729, %mul3A_759 : vector<16xf32>
          %gather3A_761 = arith.constant 0 : i32
          %gather3A_762 = arith.constant 0 : i32
          %gather3A_763 = tpu.memref_slice %arg18[%and3A_146, %gather3A_761, %gather3A_762] : memref<2x400x64xf32, #tpu.memory_space<vmem>> -> memref<1x400x64xf32, #tpu.memory_space<vmem>>
          %gather3A_764 = tpu.memref_squeeze %gather3A_763 : memref<1x400x64xf32, #tpu.memory_space<vmem>> -> memref<400x64xf32, #tpu.memory_space<vmem>>
          %gather3A_765 = tpu.vector_load_idx %gather3A_764[%add3A_271, %or3A_740] : memref<400x64xf32, #tpu.memory_space<vmem>>[vector<16xi32>, vector<16xi32>], vector<16xf32>,
          %mul3A_766 = arith.mulf %gather3A_765, %get3A_746 : vector<16xf32>
          %add3A_767 = arith.addf %scan3A_730, %mul3A_766 : vector<16xf32>
          %gather3A_768 = arith.constant 0 : i32
          %gather3A_769 = arith.constant 0 : i32
          %gather3A_770 = tpu.memref_slice %arg18[%and3A_146, %gather3A_768, %gather3A_769] : memref<2x400x64xf32, #tpu.memory_space<vmem>> -> memref<1x400x64xf32, #tpu.memory_space<vmem>>
          %gather3A_771 = tpu.memref_squeeze %gather3A_770 : memref<1x400x64xf32, #tpu.memory_space<vmem>> -> memref<400x64xf32, #tpu.memory_space<vmem>>
          %gather3A_772 = tpu.vector_load_idx %gather3A_771[%add3A_274, %or3A_740] : memref<400x64xf32, #tpu.memory_space<vmem>>[vector<16xi32>, vector<16xi32>], vector<16xf32>,
          %mul3A_773 = arith.mulf %gather3A_772, %get3A_746 : vector<16xf32>
          %add3A_774 = arith.addf %scan3A_731, %mul3A_773 : vector<16xf32>
          %gather3A_775 = arith.constant 0 : i32
          %gather3A_776 = arith.constant 0 : i32
          %gather3A_777 = tpu.memref_slice %arg18[%and3A_146, %gather3A_775, %gather3A_776] : memref<2x400x64xf32, #tpu.memory_space<vmem>> -> memref<1x400x64xf32, #tpu.memory_space<vmem>>
          %gather3A_778 = tpu.memref_squeeze %gather3A_777 : memref<1x400x64xf32, #tpu.memory_space<vmem>> -> memref<400x64xf32, #tpu.memory_space<vmem>>
          %gather3A_779 = tpu.vector_load_idx %gather3A_778[%add3A_277, %or3A_740] : memref<400x64xf32, #tpu.memory_space<vmem>>[vector<16xi32>, vector<16xi32>], vector<16xf32>,
          %mul3A_780 = arith.mulf %gather3A_779, %get3A_746 : vector<16xf32>
          %add3A_781 = arith.addf %scan3A_732, %mul3A_780 : vector<16xf32>
          scf.yield %add3A_753, %add3A_760, %add3A_767, %add3A_774, %add3A_781 : vector<16xf32>, vector<16xf32>, vector<16xf32>, vector<16xf32>, vector<16xf32>
        }
        %scan3A_293 = arith.constant 64 : i32
        %mul3A_294 = arith.constant 800 : i32
        %mul3A_295 = arith.muli %shift_right_arithmetic3A_142, %mul3A_294 : i32
        %add3A_296 = vector.broadcast %mul3A_295 : i32 to vector<16xi32>
        %add3A_297 = arith.addi %add3A_296, %mul3A_6 : vector<16xi32>
        %mul3A_298 = arith.constant 25 : i32
        %mul3A_299 = arith.muli %and3A_144, %mul3A_298 : i32
        %add3A_300 = arith.constant 5 : i32
        %add3A_301 = arith.addi %mul3A_299, %add3A_300 : i32
        %add3A_302 = vector.broadcast %add3A_301 : i32 to vector<16xi32>
        %add3A_303 = arith.addi %add3A_297, %add3A_302 : vector<16xi32>
        %gather3A_304 = arith.constant 0 : i32
        %gather3A_305 = tpu.memref_slice %arg19[%and3A_148, %gather3A_304] : memref<2x400xf32, #tpu.memory_space<vmem>> -> memref<1x400xf32, #tpu.memory_space<vmem>>
        %gather3A_306 = tpu.memref_squeeze %gather3A_305 : memref<1x400xf32, #tpu.memory_space<vmem>> -> memref<400xf32, #tpu.memory_space<vmem>>
        %gather3A_307 = tpu.vector_load_idx %gather3A_306[%add3A_265] : memref<400xf32, #tpu.memory_space<vmem>>[vector<16xi32>], vector<16xf32>,
        %add3A_308 = arith.addf %scan3A_292#0, %gather3A_307 : vector<16xf32>
        %gather3A_309 = tpu.vector_load_idx %arg14[%add3A_303] : memref<6400xf32, #tpu.memory_space<vmem>>[vector<16xi32>], vector<16xf32>,
        %add3A_310 = arith.addf %add3A_308, %gather3A_309 : vector<16xf32>
        tpu.vector_store_idx %arg17[%add3A_303], %add3A_310 : memref<6400xf32, #tpu.memory_space<vmem>>[vector<16xi32>], vector<16xf32>,
        %mul3A_311 = arith.constant 800 : i32
        %mul3A_312 = arith.muli %shift_right_arithmetic3A_142, %mul3A_311 : i32
        %add3A_313 = vector.broadcast %mul3A_312 : i32 to vector<16xi32>
        %add3A_314 = arith.addi %add3A_313, %mul3A_6 : vector<16xi32>
        %mul3A_315 = arith.constant 25 : i32
        %mul3A_316 = arith.muli %and3A_144, %mul3A_315 : i32
        %add3A_317 = arith.constant 6 : i32
        %add3A_318 = arith.addi %mul3A_316, %add3A_317 : i32
        %add3A_319 = vector.broadcast %add3A_318 : i32 to vector<16xi32>
        %add3A_320 = arith.addi %add3A_314, %add3A_319 : vector<16xi32>
        %gather3A_321 = arith.constant 0 : i32
        %gather3A_322 = tpu.memref_slice %arg19[%and3A_148, %gather3A_321] : memref<2x400xf32, #tpu.memory_space<vmem>> -> memref<1x400xf32, #tpu.memory_space<vmem>>
        %gather3A_323 = tpu.memref_squeeze %gather3A_322 : memref<1x400xf32, #tpu.memory_space<vmem>> -> memref<400xf32, #tpu.memory_space<vmem>>
        %gather3A_324 = tpu.vector_load_idx %gather3A_323[%add3A_268] : memref<400xf32, #tpu.memory_space<vmem>>[vector<16xi32>], vector<16xf32>,
        %add3A_325 = arith.addf %scan3A_292#1, %gather3A_324 : vector<16xf32>
        %gather3A_326 = tpu.vector_load_idx %arg14[%add3A_320] : memref<6400xf32, #tpu.memory_space<vmem>>[vector<16xi32>], vector<16xf32>,
        %add3A_327 = arith.addf %add3A_325, %gather3A_326 : vector<16xf32>
        tpu.vector_store_idx %arg17[%add3A_320], %add3A_327 : memref<6400xf32, #tpu.memory_space<vmem>>[vector<16xi32>], vector<16xf32>,
        %mul3A_328 = arith.constant 800 : i32
        %mul3A_329 = arith.muli %shift_right_arithmetic3A_142, %mul3A_328 : i32
        %add3A_330 = vector.broadcast %mul3A_329 : i32 to vector<16xi32>
        %add3A_331 = arith.addi %add3A_330, %mul3A_6 : vector<16xi32>
        %mul3A_332 = arith.constant 25 : i32
        %mul3A_333 = arith.muli %and3A_144, %mul3A_332 : i32
        %add3A_334 = arith.constant 7 : i32
        %add3A_335 = arith.addi %mul3A_333, %add3A_334 : i32
        %add3A_336 = vector.broadcast %add3A_335 : i32 to vector<16xi32>
        %add3A_337 = arith.addi %add3A_331, %add3A_336 : vector<16xi32>
        %gather3A_338 = arith.constant 0 : i32
        %gather3A_339 = tpu.memref_slice %arg19[%and3A_148, %gather3A_338] : memref<2x400xf32, #tpu.memory_space<vmem>> -> memref<1x400xf32, #tpu.memory_space<vmem>>
        %gather3A_340 = tpu.memref_squeeze %gather3A_339 : memref<1x400xf32, #tpu.memory_space<vmem>> -> memref<400xf32, #tpu.memory_space<vmem>>
        %gather3A_341 = tpu.vector_load_idx %gather3A_340[%add3A_271] : memref<400xf32, #tpu.memory_space<vmem>>[vector<16xi32>], vector<16xf32>,
        %add3A_342 = arith.addf %scan3A_292#2, %gather3A_341 : vector<16xf32>
        %gather3A_343 = tpu.vector_load_idx %arg14[%add3A_337] : memref<6400xf32, #tpu.memory_space<vmem>>[vector<16xi32>], vector<16xf32>,
        %add3A_344 = arith.addf %add3A_342, %gather3A_343 : vector<16xf32>
        tpu.vector_store_idx %arg17[%add3A_337], %add3A_344 : memref<6400xf32, #tpu.memory_space<vmem>>[vector<16xi32>], vector<16xf32>,
        %mul3A_345 = arith.constant 800 : i32
        %mul3A_346 = arith.muli %shift_right_arithmetic3A_142, %mul3A_345 : i32
        %add3A_347 = vector.broadcast %mul3A_346 : i32 to vector<16xi32>
        %add3A_348 = arith.addi %add3A_347, %mul3A_6 : vector<16xi32>
        %mul3A_349 = arith.constant 25 : i32
        %mul3A_350 = arith.muli %and3A_144, %mul3A_349 : i32
        %add3A_351 = arith.constant 8 : i32
        %add3A_352 = arith.addi %mul3A_350, %add3A_351 : i32
        %add3A_353 = vector.broadcast %add3A_352 : i32 to vector<16xi32>
        %add3A_354 = arith.addi %add3A_348, %add3A_353 : vector<16xi32>
        %gather3A_355 = arith.constant 0 : i32
        %gather3A_356 = tpu.memref_slice %arg19[%and3A_148, %gather3A_355] : memref<2x400xf32, #tpu.memory_space<vmem>> -> memref<1x400xf32, #tpu.memory_space<vmem>>
        %gather3A_357 = tpu.memref_squeeze %gather3A_356 : memref<1x400xf32, #tpu.memory_space<vmem>> -> memref<400xf32, #tpu.memory_space<vmem>>
        %gather3A_358 = tpu.vector_load_idx %gather3A_357[%add3A_274] : memref<400xf32, #tpu.memory_space<vmem>>[vector<16xi32>], vector<16xf32>,
        %add3A_359 = arith.addf %scan3A_292#3, %gather3A_358 : vector<16xf32>
        %gather3A_360 = tpu.vector_load_idx %arg14[%add3A_354] : memref<6400xf32, #tpu.memory_space<vmem>>[vector<16xi32>], vector<16xf32>,
        %add3A_361 = arith.addf %add3A_359, %gather3A_360 : vector<16xf32>
        tpu.vector_store_idx %arg17[%add3A_354], %add3A_361 : memref<6400xf32, #tpu.memory_space<vmem>>[vector<16xi32>], vector<16xf32>,
        %mul3A_362 = arith.constant 800 : i32
        %mul3A_363 = arith.muli %shift_right_arithmetic3A_142, %mul3A_362 : i32
        %add3A_364 = vector.broadcast %mul3A_363 : i32 to vector<16xi32>
        %add3A_365 = arith.addi %add3A_364, %mul3A_6 : vector<16xi32>
        %mul3A_366 = arith.constant 25 : i32
        %mul3A_367 = arith.muli %and3A_144, %mul3A_366 : i32
        %add3A_368 = arith.constant 9 : i32
        %add3A_369 = arith.addi %mul3A_367, %add3A_368 : i32
        %add3A_370 = vector.broadcast %add3A_369 : i32 to vector<16xi32>
        %add3A_371 = arith.addi %add3A_365, %add3A_370 : vector<16xi32>
        %gather3A_372 = arith.constant 0 : i32
        %gather3A_373 = tpu.memref_slice %arg19[%and3A_148, %gather3A_372] : memref<2x400xf32, #tpu.memory_space<vmem>> -> memref<1x400xf32, #tpu.memory_space<vmem>>
        %gather3A_374 = tpu.memref_squeeze %gather3A_373 : memref<1x400xf32, #tpu.memory_space<vmem>> -> memref<400xf32, #tpu.memory_space<vmem>>
        %gather3A_375 = tpu.vector_load_idx %gather3A_374[%add3A_277] : memref<400xf32, #tpu.memory_space<vmem>>[vector<16xi32>], vector<16xf32>,
        %add3A_376 = arith.addf %scan3A_292#4, %gather3A_375 : vector<16xf32>
        %gather3A_377 = tpu.vector_load_idx %arg14[%add3A_371] : memref<6400xf32, #tpu.memory_space<vmem>>[vector<16xi32>], vector<16xf32>,
        %add3A_378 = arith.addf %add3A_376, %gather3A_377 : vector<16xf32>
        tpu.vector_store_idx %arg17[%add3A_371], %add3A_378 : memref<6400xf32, #tpu.memory_space<vmem>>[vector<16xi32>], vector<16xf32>,
        %add3A_379 = arith.constant 10 : i32
        %add3A_380 = vector.broadcast %add3A_379 : i32 to vector<16xi32>
        %add3A_381 = arith.addi %mul3A_3, %add3A_380 : vector<16xi32>
        %add3A_382 = arith.constant 11 : i32
        %add3A_383 = vector.broadcast %add3A_382 : i32 to vector<16xi32>
        %add3A_384 = arith.addi %mul3A_3, %add3A_383 : vector<16xi32>
        %add3A_385 = arith.constant 12 : i32
        %add3A_386 = vector.broadcast %add3A_385 : i32 to vector<16xi32>
        %add3A_387 = arith.addi %mul3A_3, %add3A_386 : vector<16xi32>
        %add3A_388 = arith.constant 13 : i32
        %add3A_389 = vector.broadcast %add3A_388 : i32 to vector<16xi32>
        %add3A_390 = arith.addi %mul3A_3, %add3A_389 : vector<16xi32>
        %add3A_391 = arith.constant 14 : i32
        %add3A_392 = vector.broadcast %add3A_391 : i32 to vector<16xi32>
        %add3A_393 = arith.addi %mul3A_3, %add3A_392 : vector<16xi32>
        %broadcast_in_dim3A_394 = arith.constant 0.000000e+00 : f32
        %broadcast_in_dim3A_395 = vector.broadcast %broadcast_in_dim3A_394 : f32 to vector<16xf32>
        %broadcast_in_dim3A_396 = arith.constant 0.000000e+00 : f32
        %broadcast_in_dim3A_397 = vector.broadcast %broadcast_in_dim3A_396 : f32 to vector<16xf32>
        %broadcast_in_dim3A_398 = arith.constant 0.000000e+00 : f32
        %broadcast_in_dim3A_399 = vector.broadcast %broadcast_in_dim3A_398 : f32 to vector<16xf32>
        %broadcast_in_dim3A_400 = arith.constant 0.000000e+00 : f32
        %broadcast_in_dim3A_401 = vector.broadcast %broadcast_in_dim3A_400 : f32 to vector<16xf32>
        %broadcast_in_dim3A_402 = arith.constant 0.000000e+00 : f32
        %broadcast_in_dim3A_403 = vector.broadcast %broadcast_in_dim3A_402 : f32 to vector<16xf32>
        %scan3A_404 = arith.constant 0 : i32
        %scan3A_405 = arith.constant 64 : i32
        %scan3A_406 = arith.addi %scan3A_404, %scan3A_405 : i32
        %scan3A_407 = arith.constant 1 : i32
        %scan3A_408:5 = scf.for %scan3A_727 = %scan3A_404 to %scan3A_406 step %scan3A_407 iter_args(%scan3A_728 = %broadcast_in_dim3A_395, %scan3A_729 = %broadcast_in_dim3A_397, %scan3A_730 = %broadcast_in_dim3A_399, %scan3A_731 = %broadcast_in_dim3A_401, %scan3A_732 = %broadcast_in_dim3A_403) -> (vector<16xf32>, vector<16xf32>, vector<16xf32>, vector<16xf32>, vector<16xf32>)  : i32 {
          %add3A_733 = vector.broadcast %scan3A_727 : i32 to vector<16xi32>
          %add3A_734 = arith.addi %add3A_733, %iota3A : vector<16xi32>
          %and3A_735 = arith.constant 15 : i32
          %and3A_736 = vector.broadcast %and3A_735 : i32 to vector<16xi32>
          %and3A_737 = arith.andi %add3A_734, %and3A_736 : vector<16xi32>
          %and3A_738 = arith.constant -16 : i32
          %and3A_739 = arith.andi %scan3A_727, %and3A_738 : i32
          %or3A = vector.broadcast %and3A_739 : i32 to vector<16xi32>
          %or3A_740 = arith.ori %and3A_737, %or3A : vector<16xi32>
          %mul3A_741 = arith.constant 128 : i32
          %mul3A_742 = arith.muli %scan3A_727, %mul3A_741 : i32
          %mul3A_743 = arith.constant 16 : i32
          %mul3A_744 = arith.muli %shift_right_arithmetic3A_142, %mul3A_743 : i32
          %add3A_745 = arith.addi %mul3A_742, %mul3A_744 : i32
          %get3A = arith.index_cast %add3A_745 : i32 to index
          %get3A_746 = tpu.vector_load %arg16[%get3A] {strides = array<i32>} : memref<8192xf32, #tpu.memory_space<vmem>>, vector<16xf32>,
          %gather3A_747 = arith.constant 0 : i32
          %gather3A_748 = arith.constant 0 : i32
          %gather3A_749 = tpu.memref_slice %arg18[%and3A_146, %gather3A_747, %gather3A_748] : memref<2x400x64xf32, #tpu.memory_space<vmem>> -> memref<1x400x64xf32, #tpu.memory_space<vmem>>
          %gather3A_750 = tpu.memref_squeeze %gather3A_749 : memref<1x400x64xf32, #tpu.memory_space<vmem>> -> memref<400x64xf32, #tpu.memory_space<vmem>>
          %gather3A_751 = tpu.vector_load_idx %gather3A_750[%add3A_381, %or3A_740] : memref<400x64xf32, #tpu.memory_space<vmem>>[vector<16xi32>, vector<16xi32>], vector<16xf32>,
          %mul3A_752 = arith.mulf %gather3A_751, %get3A_746 : vector<16xf32>
          %add3A_753 = arith.addf %scan3A_728, %mul3A_752 : vector<16xf32>
          %gather3A_754 = arith.constant 0 : i32
          %gather3A_755 = arith.constant 0 : i32
          %gather3A_756 = tpu.memref_slice %arg18[%and3A_146, %gather3A_754, %gather3A_755] : memref<2x400x64xf32, #tpu.memory_space<vmem>> -> memref<1x400x64xf32, #tpu.memory_space<vmem>>
          %gather3A_757 = tpu.memref_squeeze %gather3A_756 : memref<1x400x64xf32, #tpu.memory_space<vmem>> -> memref<400x64xf32, #tpu.memory_space<vmem>>
          %gather3A_758 = tpu.vector_load_idx %gather3A_757[%add3A_384, %or3A_740] : memref<400x64xf32, #tpu.memory_space<vmem>>[vector<16xi32>, vector<16xi32>], vector<16xf32>,
          %mul3A_759 = arith.mulf %gather3A_758, %get3A_746 : vector<16xf32>
          %add3A_760 = arith.addf %scan3A_729, %mul3A_759 : vector<16xf32>
          %gather3A_761 = arith.constant 0 : i32
          %gather3A_762 = arith.constant 0 : i32
          %gather3A_763 = tpu.memref_slice %arg18[%and3A_146, %gather3A_761, %gather3A_762] : memref<2x400x64xf32, #tpu.memory_space<vmem>> -> memref<1x400x64xf32, #tpu.memory_space<vmem>>
          %gather3A_764 = tpu.memref_squeeze %gather3A_763 : memref<1x400x64xf32, #tpu.memory_space<vmem>> -> memref<400x64xf32, #tpu.memory_space<vmem>>
          %gather3A_765 = tpu.vector_load_idx %gather3A_764[%add3A_387, %or3A_740] : memref<400x64xf32, #tpu.memory_space<vmem>>[vector<16xi32>, vector<16xi32>], vector<16xf32>,
          %mul3A_766 = arith.mulf %gather3A_765, %get3A_746 : vector<16xf32>
          %add3A_767 = arith.addf %scan3A_730, %mul3A_766 : vector<16xf32>
          %gather3A_768 = arith.constant 0 : i32
          %gather3A_769 = arith.constant 0 : i32
          %gather3A_770 = tpu.memref_slice %arg18[%and3A_146, %gather3A_768, %gather3A_769] : memref<2x400x64xf32, #tpu.memory_space<vmem>> -> memref<1x400x64xf32, #tpu.memory_space<vmem>>
          %gather3A_771 = tpu.memref_squeeze %gather3A_770 : memref<1x400x64xf32, #tpu.memory_space<vmem>> -> memref<400x64xf32, #tpu.memory_space<vmem>>
          %gather3A_772 = tpu.vector_load_idx %gather3A_771[%add3A_390, %or3A_740] : memref<400x64xf32, #tpu.memory_space<vmem>>[vector<16xi32>, vector<16xi32>], vector<16xf32>,
          %mul3A_773 = arith.mulf %gather3A_772, %get3A_746 : vector<16xf32>
          %add3A_774 = arith.addf %scan3A_731, %mul3A_773 : vector<16xf32>
          %gather3A_775 = arith.constant 0 : i32
          %gather3A_776 = arith.constant 0 : i32
          %gather3A_777 = tpu.memref_slice %arg18[%and3A_146, %gather3A_775, %gather3A_776] : memref<2x400x64xf32, #tpu.memory_space<vmem>> -> memref<1x400x64xf32, #tpu.memory_space<vmem>>
          %gather3A_778 = tpu.memref_squeeze %gather3A_777 : memref<1x400x64xf32, #tpu.memory_space<vmem>> -> memref<400x64xf32, #tpu.memory_space<vmem>>
          %gather3A_779 = tpu.vector_load_idx %gather3A_778[%add3A_393, %or3A_740] : memref<400x64xf32, #tpu.memory_space<vmem>>[vector<16xi32>, vector<16xi32>], vector<16xf32>,
          %mul3A_780 = arith.mulf %gather3A_779, %get3A_746 : vector<16xf32>
          %add3A_781 = arith.addf %scan3A_732, %mul3A_780 : vector<16xf32>
          scf.yield %add3A_753, %add3A_760, %add3A_767, %add3A_774, %add3A_781 : vector<16xf32>, vector<16xf32>, vector<16xf32>, vector<16xf32>, vector<16xf32>
        }
        %scan3A_409 = arith.constant 64 : i32
        %mul3A_410 = arith.constant 800 : i32
        %mul3A_411 = arith.muli %shift_right_arithmetic3A_142, %mul3A_410 : i32
        %add3A_412 = vector.broadcast %mul3A_411 : i32 to vector<16xi32>
        %add3A_413 = arith.addi %add3A_412, %mul3A_6 : vector<16xi32>
        %mul3A_414 = arith.constant 25 : i32
        %mul3A_415 = arith.muli %and3A_144, %mul3A_414 : i32
        %add3A_416 = arith.constant 10 : i32
        %add3A_417 = arith.addi %mul3A_415, %add3A_416 : i32
        %add3A_418 = vector.broadcast %add3A_417 : i32 to vector<16xi32>
        %add3A_419 = arith.addi %add3A_413, %add3A_418 : vector<16xi32>
        %gather3A_420 = arith.constant 0 : i32
        %gather3A_421 = tpu.memref_slice %arg19[%and3A_148, %gather3A_420] : memref<2x400xf32, #tpu.memory_space<vmem>> -> memref<1x400xf32, #tpu.memory_space<vmem>>
        %gather3A_422 = tpu.memref_squeeze %gather3A_421 : memref<1x400xf32, #tpu.memory_space<vmem>> -> memref<400xf32, #tpu.memory_space<vmem>>
        %gather3A_423 = tpu.vector_load_idx %gather3A_422[%add3A_381] : memref<400xf32, #tpu.memory_space<vmem>>[vector<16xi32>], vector<16xf32>,
        %add3A_424 = arith.addf %scan3A_408#0, %gather3A_423 : vector<16xf32>
        %gather3A_425 = tpu.vector_load_idx %arg14[%add3A_419] : memref<6400xf32, #tpu.memory_space<vmem>>[vector<16xi32>], vector<16xf32>,
        %add3A_426 = arith.addf %add3A_424, %gather3A_425 : vector<16xf32>
        tpu.vector_store_idx %arg17[%add3A_419], %add3A_426 : memref<6400xf32, #tpu.memory_space<vmem>>[vector<16xi32>], vector<16xf32>,
        %mul3A_427 = arith.constant 800 : i32
        %mul3A_428 = arith.muli %shift_right_arithmetic3A_142, %mul3A_427 : i32
        %add3A_429 = vector.broadcast %mul3A_428 : i32 to vector<16xi32>
        %add3A_430 = arith.addi %add3A_429, %mul3A_6 : vector<16xi32>
        %mul3A_431 = arith.constant 25 : i32
        %mul3A_432 = arith.muli %and3A_144, %mul3A_431 : i32
        %add3A_433 = arith.constant 11 : i32
        %add3A_434 = arith.addi %mul3A_432, %add3A_433 : i32
        %add3A_435 = vector.broadcast %add3A_434 : i32 to vector<16xi32>
        %add3A_436 = arith.addi %add3A_430, %add3A_435 : vector<16xi32>
        %gather3A_437 = arith.constant 0 : i32
        %gather3A_438 = tpu.memref_slice %arg19[%and3A_148, %gather3A_437] : memref<2x400xf32, #tpu.memory_space<vmem>> -> memref<1x400xf32, #tpu.memory_space<vmem>>
        %gather3A_439 = tpu.memref_squeeze %gather3A_438 : memref<1x400xf32, #tpu.memory_space<vmem>> -> memref<400xf32, #tpu.memory_space<vmem>>
        %gather3A_440 = tpu.vector_load_idx %gather3A_439[%add3A_384] : memref<400xf32, #tpu.memory_space<vmem>>[vector<16xi32>], vector<16xf32>,
        %add3A_441 = arith.addf %scan3A_408#1, %gather3A_440 : vector<16xf32>
        %gather3A_442 = tpu.vector_load_idx %arg14[%add3A_436] : memref<6400xf32, #tpu.memory_space<vmem>>[vector<16xi32>], vector<16xf32>,
        %add3A_443 = arith.addf %add3A_441, %gather3A_442 : vector<16xf32>
        tpu.vector_store_idx %arg17[%add3A_436], %add3A_443 : memref<6400xf32, #tpu.memory_space<vmem>>[vector<16xi32>], vector<16xf32>,
        %mul3A_444 = arith.constant 800 : i32
        %mul3A_445 = arith.muli %shift_right_arithmetic3A_142, %mul3A_444 : i32
        %add3A_446 = vector.broadcast %mul3A_445 : i32 to vector<16xi32>
        %add3A_447 = arith.addi %add3A_446, %mul3A_6 : vector<16xi32>
        %mul3A_448 = arith.constant 25 : i32
        %mul3A_449 = arith.muli %and3A_144, %mul3A_448 : i32
        %add3A_450 = arith.constant 12 : i32
        %add3A_451 = arith.addi %mul3A_449, %add3A_450 : i32
        %add3A_452 = vector.broadcast %add3A_451 : i32 to vector<16xi32>
        %add3A_453 = arith.addi %add3A_447, %add3A_452 : vector<16xi32>
        %gather3A_454 = arith.constant 0 : i32
        %gather3A_455 = tpu.memref_slice %arg19[%and3A_148, %gather3A_454] : memref<2x400xf32, #tpu.memory_space<vmem>> -> memref<1x400xf32, #tpu.memory_space<vmem>>
        %gather3A_456 = tpu.memref_squeeze %gather3A_455 : memref<1x400xf32, #tpu.memory_space<vmem>> -> memref<400xf32, #tpu.memory_space<vmem>>
        %gather3A_457 = tpu.vector_load_idx %gather3A_456[%add3A_387] : memref<400xf32, #tpu.memory_space<vmem>>[vector<16xi32>], vector<16xf32>,
        %add3A_458 = arith.addf %scan3A_408#2, %gather3A_457 : vector<16xf32>
        %gather3A_459 = tpu.vector_load_idx %arg14[%add3A_453] : memref<6400xf32, #tpu.memory_space<vmem>>[vector<16xi32>], vector<16xf32>,
        %add3A_460 = arith.addf %add3A_458, %gather3A_459 : vector<16xf32>
        tpu.vector_store_idx %arg17[%add3A_453], %add3A_460 : memref<6400xf32, #tpu.memory_space<vmem>>[vector<16xi32>], vector<16xf32>,
        %mul3A_461 = arith.constant 800 : i32
        %mul3A_462 = arith.muli %shift_right_arithmetic3A_142, %mul3A_461 : i32
        %add3A_463 = vector.broadcast %mul3A_462 : i32 to vector<16xi32>
        %add3A_464 = arith.addi %add3A_463, %mul3A_6 : vector<16xi32>
        %mul3A_465 = arith.constant 25 : i32
        %mul3A_466 = arith.muli %and3A_144, %mul3A_465 : i32
        %add3A_467 = arith.constant 13 : i32
        %add3A_468 = arith.addi %mul3A_466, %add3A_467 : i32
        %add3A_469 = vector.broadcast %add3A_468 : i32 to vector<16xi32>
        %add3A_470 = arith.addi %add3A_464, %add3A_469 : vector<16xi32>
        %gather3A_471 = arith.constant 0 : i32
        %gather3A_472 = tpu.memref_slice %arg19[%and3A_148, %gather3A_471] : memref<2x400xf32, #tpu.memory_space<vmem>> -> memref<1x400xf32, #tpu.memory_space<vmem>>
        %gather3A_473 = tpu.memref_squeeze %gather3A_472 : memref<1x400xf32, #tpu.memory_space<vmem>> -> memref<400xf32, #tpu.memory_space<vmem>>
        %gather3A_474 = tpu.vector_load_idx %gather3A_473[%add3A_390] : memref<400xf32, #tpu.memory_space<vmem>>[vector<16xi32>], vector<16xf32>,
        %add3A_475 = arith.addf %scan3A_408#3, %gather3A_474 : vector<16xf32>
        %gather3A_476 = tpu.vector_load_idx %arg14[%add3A_470] : memref<6400xf32, #tpu.memory_space<vmem>>[vector<16xi32>], vector<16xf32>,
        %add3A_477 = arith.addf %add3A_475, %gather3A_476 : vector<16xf32>
        tpu.vector_store_idx %arg17[%add3A_470], %add3A_477 : memref<6400xf32, #tpu.memory_space<vmem>>[vector<16xi32>], vector<16xf32>,
        %mul3A_478 = arith.constant 800 : i32
        %mul3A_479 = arith.muli %shift_right_arithmetic3A_142, %mul3A_478 : i32
        %add3A_480 = vector.broadcast %mul3A_479 : i32 to vector<16xi32>
        %add3A_481 = arith.addi %add3A_480, %mul3A_6 : vector<16xi32>
        %mul3A_482 = arith.constant 25 : i32
        %mul3A_483 = arith.muli %and3A_144, %mul3A_482 : i32
        %add3A_484 = arith.constant 14 : i32
        %add3A_485 = arith.addi %mul3A_483, %add3A_484 : i32
        %add3A_486 = vector.broadcast %add3A_485 : i32 to vector<16xi32>
        %add3A_487 = arith.addi %add3A_481, %add3A_486 : vector<16xi32>
        %gather3A_488 = arith.constant 0 : i32
        %gather3A_489 = tpu.memref_slice %arg19[%and3A_148, %gather3A_488] : memref<2x400xf32, #tpu.memory_space<vmem>> -> memref<1x400xf32, #tpu.memory_space<vmem>>
        %gather3A_490 = tpu.memref_squeeze %gather3A_489 : memref<1x400xf32, #tpu.memory_space<vmem>> -> memref<400xf32, #tpu.memory_space<vmem>>
        %gather3A_491 = tpu.vector_load_idx %gather3A_490[%add3A_393] : memref<400xf32, #tpu.memory_space<vmem>>[vector<16xi32>], vector<16xf32>,
        %add3A_492 = arith.addf %scan3A_408#4, %gather3A_491 : vector<16xf32>
        %gather3A_493 = tpu.vector_load_idx %arg14[%add3A_487] : memref<6400xf32, #tpu.memory_space<vmem>>[vector<16xi32>], vector<16xf32>,
        %add3A_494 = arith.addf %add3A_492, %gather3A_493 : vector<16xf32>
        tpu.vector_store_idx %arg17[%add3A_487], %add3A_494 : memref<6400xf32, #tpu.memory_space<vmem>>[vector<16xi32>], vector<16xf32>,
        %add3A_495 = arith.constant 15 : i32
        %add3A_496 = vector.broadcast %add3A_495 : i32 to vector<16xi32>
        %add3A_497 = arith.addi %mul3A_3, %add3A_496 : vector<16xi32>
        %add3A_498 = arith.constant 16 : i32
        %add3A_499 = vector.broadcast %add3A_498 : i32 to vector<16xi32>
        %add3A_500 = arith.addi %mul3A_3, %add3A_499 : vector<16xi32>
        %add3A_501 = arith.constant 17 : i32
        %add3A_502 = vector.broadcast %add3A_501 : i32 to vector<16xi32>
        %add3A_503 = arith.addi %mul3A_3, %add3A_502 : vector<16xi32>
        %add3A_504 = arith.constant 18 : i32
        %add3A_505 = vector.broadcast %add3A_504 : i32 to vector<16xi32>
        %add3A_506 = arith.addi %mul3A_3, %add3A_505 : vector<16xi32>
        %add3A_507 = arith.constant 19 : i32
        %add3A_508 = vector.broadcast %add3A_507 : i32 to vector<16xi32>
        %add3A_509 = arith.addi %mul3A_3, %add3A_508 : vector<16xi32>
        %broadcast_in_dim3A_510 = arith.constant 0.000000e+00 : f32
        %broadcast_in_dim3A_511 = vector.broadcast %broadcast_in_dim3A_510 : f32 to vector<16xf32>
        %broadcast_in_dim3A_512 = arith.constant 0.000000e+00 : f32
        %broadcast_in_dim3A_513 = vector.broadcast %broadcast_in_dim3A_512 : f32 to vector<16xf32>
        %broadcast_in_dim3A_514 = arith.constant 0.000000e+00 : f32
        %broadcast_in_dim3A_515 = vector.broadcast %broadcast_in_dim3A_514 : f32 to vector<16xf32>
        %broadcast_in_dim3A_516 = arith.constant 0.000000e+00 : f32
        %broadcast_in_dim3A_517 = vector.broadcast %broadcast_in_dim3A_516 : f32 to vector<16xf32>
        %broadcast_in_dim3A_518 = arith.constant 0.000000e+00 : f32
        %broadcast_in_dim3A_519 = vector.broadcast %broadcast_in_dim3A_518 : f32 to vector<16xf32>
        %scan3A_520 = arith.constant 0 : i32
        %scan3A_521 = arith.constant 64 : i32
        %scan3A_522 = arith.addi %scan3A_520, %scan3A_521 : i32
        %scan3A_523 = arith.constant 1 : i32
        %scan3A_524:5 = scf.for %scan3A_727 = %scan3A_520 to %scan3A_522 step %scan3A_523 iter_args(%scan3A_728 = %broadcast_in_dim3A_511, %scan3A_729 = %broadcast_in_dim3A_513, %scan3A_730 = %broadcast_in_dim3A_515, %scan3A_731 = %broadcast_in_dim3A_517, %scan3A_732 = %broadcast_in_dim3A_519) -> (vector<16xf32>, vector<16xf32>, vector<16xf32>, vector<16xf32>, vector<16xf32>)  : i32 {
          %add3A_733 = vector.broadcast %scan3A_727 : i32 to vector<16xi32>
          %add3A_734 = arith.addi %add3A_733, %iota3A : vector<16xi32>
          %and3A_735 = arith.constant 15 : i32
          %and3A_736 = vector.broadcast %and3A_735 : i32 to vector<16xi32>
          %and3A_737 = arith.andi %add3A_734, %and3A_736 : vector<16xi32>
          %and3A_738 = arith.constant -16 : i32
          %and3A_739 = arith.andi %scan3A_727, %and3A_738 : i32
          %or3A = vector.broadcast %and3A_739 : i32 to vector<16xi32>
          %or3A_740 = arith.ori %and3A_737, %or3A : vector<16xi32>
          %mul3A_741 = arith.constant 128 : i32
          %mul3A_742 = arith.muli %scan3A_727, %mul3A_741 : i32
          %mul3A_743 = arith.constant 16 : i32
          %mul3A_744 = arith.muli %shift_right_arithmetic3A_142, %mul3A_743 : i32
          %add3A_745 = arith.addi %mul3A_742, %mul3A_744 : i32
          %get3A = arith.index_cast %add3A_745 : i32 to index
          %get3A_746 = tpu.vector_load %arg16[%get3A] {strides = array<i32>} : memref<8192xf32, #tpu.memory_space<vmem>>, vector<16xf32>,
          %gather3A_747 = arith.constant 0 : i32
          %gather3A_748 = arith.constant 0 : i32
          %gather3A_749 = tpu.memref_slice %arg18[%and3A_146, %gather3A_747, %gather3A_748] : memref<2x400x64xf32, #tpu.memory_space<vmem>> -> memref<1x400x64xf32, #tpu.memory_space<vmem>>
          %gather3A_750 = tpu.memref_squeeze %gather3A_749 : memref<1x400x64xf32, #tpu.memory_space<vmem>> -> memref<400x64xf32, #tpu.memory_space<vmem>>
          %gather3A_751 = tpu.vector_load_idx %gather3A_750[%add3A_497, %or3A_740] : memref<400x64xf32, #tpu.memory_space<vmem>>[vector<16xi32>, vector<16xi32>], vector<16xf32>,
          %mul3A_752 = arith.mulf %gather3A_751, %get3A_746 : vector<16xf32>
          %add3A_753 = arith.addf %scan3A_728, %mul3A_752 : vector<16xf32>
          %gather3A_754 = arith.constant 0 : i32
          %gather3A_755 = arith.constant 0 : i32
          %gather3A_756 = tpu.memref_slice %arg18[%and3A_146, %gather3A_754, %gather3A_755] : memref<2x400x64xf32, #tpu.memory_space<vmem>> -> memref<1x400x64xf32, #tpu.memory_space<vmem>>
          %gather3A_757 = tpu.memref_squeeze %gather3A_756 : memref<1x400x64xf32, #tpu.memory_space<vmem>> -> memref<400x64xf32, #tpu.memory_space<vmem>>
          %gather3A_758 = tpu.vector_load_idx %gather3A_757[%add3A_500, %or3A_740] : memref<400x64xf32, #tpu.memory_space<vmem>>[vector<16xi32>, vector<16xi32>], vector<16xf32>,
          %mul3A_759 = arith.mulf %gather3A_758, %get3A_746 : vector<16xf32>
          %add3A_760 = arith.addf %scan3A_729, %mul3A_759 : vector<16xf32>
          %gather3A_761 = arith.constant 0 : i32
          %gather3A_762 = arith.constant 0 : i32
          %gather3A_763 = tpu.memref_slice %arg18[%and3A_146, %gather3A_761, %gather3A_762] : memref<2x400x64xf32, #tpu.memory_space<vmem>> -> memref<1x400x64xf32, #tpu.memory_space<vmem>>
          %gather3A_764 = tpu.memref_squeeze %gather3A_763 : memref<1x400x64xf32, #tpu.memory_space<vmem>> -> memref<400x64xf32, #tpu.memory_space<vmem>>
          %gather3A_765 = tpu.vector_load_idx %gather3A_764[%add3A_503, %or3A_740] : memref<400x64xf32, #tpu.memory_space<vmem>>[vector<16xi32>, vector<16xi32>], vector<16xf32>,
          %mul3A_766 = arith.mulf %gather3A_765, %get3A_746 : vector<16xf32>
          %add3A_767 = arith.addf %scan3A_730, %mul3A_766 : vector<16xf32>
          %gather3A_768 = arith.constant 0 : i32
          %gather3A_769 = arith.constant 0 : i32
          %gather3A_770 = tpu.memref_slice %arg18[%and3A_146, %gather3A_768, %gather3A_769] : memref<2x400x64xf32, #tpu.memory_space<vmem>> -> memref<1x400x64xf32, #tpu.memory_space<vmem>>
          %gather3A_771 = tpu.memref_squeeze %gather3A_770 : memref<1x400x64xf32, #tpu.memory_space<vmem>> -> memref<400x64xf32, #tpu.memory_space<vmem>>
          %gather3A_772 = tpu.vector_load_idx %gather3A_771[%add3A_506, %or3A_740] : memref<400x64xf32, #tpu.memory_space<vmem>>[vector<16xi32>, vector<16xi32>], vector<16xf32>,
          %mul3A_773 = arith.mulf %gather3A_772, %get3A_746 : vector<16xf32>
          %add3A_774 = arith.addf %scan3A_731, %mul3A_773 : vector<16xf32>
          %gather3A_775 = arith.constant 0 : i32
          %gather3A_776 = arith.constant 0 : i32
          %gather3A_777 = tpu.memref_slice %arg18[%and3A_146, %gather3A_775, %gather3A_776] : memref<2x400x64xf32, #tpu.memory_space<vmem>> -> memref<1x400x64xf32, #tpu.memory_space<vmem>>
          %gather3A_778 = tpu.memref_squeeze %gather3A_777 : memref<1x400x64xf32, #tpu.memory_space<vmem>> -> memref<400x64xf32, #tpu.memory_space<vmem>>
          %gather3A_779 = tpu.vector_load_idx %gather3A_778[%add3A_509, %or3A_740] : memref<400x64xf32, #tpu.memory_space<vmem>>[vector<16xi32>, vector<16xi32>], vector<16xf32>,
          %mul3A_780 = arith.mulf %gather3A_779, %get3A_746 : vector<16xf32>
          %add3A_781 = arith.addf %scan3A_732, %mul3A_780 : vector<16xf32>
          scf.yield %add3A_753, %add3A_760, %add3A_767, %add3A_774, %add3A_781 : vector<16xf32>, vector<16xf32>, vector<16xf32>, vector<16xf32>, vector<16xf32>
        }
        %scan3A_525 = arith.constant 64 : i32
        %mul3A_526 = arith.constant 800 : i32
        %mul3A_527 = arith.muli %shift_right_arithmetic3A_142, %mul3A_526 : i32
        %add3A_528 = vector.broadcast %mul3A_527 : i32 to vector<16xi32>
        %add3A_529 = arith.addi %add3A_528, %mul3A_6 : vector<16xi32>
        %mul3A_530 = arith.constant 25 : i32
        %mul3A_531 = arith.muli %and3A_144, %mul3A_530 : i32
        %add3A_532 = arith.constant 15 : i32
        %add3A_533 = arith.addi %mul3A_531, %add3A_532 : i32
        %add3A_534 = vector.broadcast %add3A_533 : i32 to vector<16xi32>
        %add3A_535 = arith.addi %add3A_529, %add3A_534 : vector<16xi32>
        %gather3A_536 = arith.constant 0 : i32
        %gather3A_537 = tpu.memref_slice %arg19[%and3A_148, %gather3A_536] : memref<2x400xf32, #tpu.memory_space<vmem>> -> memref<1x400xf32, #tpu.memory_space<vmem>>
        %gather3A_538 = tpu.memref_squeeze %gather3A_537 : memref<1x400xf32, #tpu.memory_space<vmem>> -> memref<400xf32, #tpu.memory_space<vmem>>
        %gather3A_539 = tpu.vector_load_idx %gather3A_538[%add3A_497] : memref<400xf32, #tpu.memory_space<vmem>>[vector<16xi32>], vector<16xf32>,
        %add3A_540 = arith.addf %scan3A_524#0, %gather3A_539 : vector<16xf32>
        %gather3A_541 = tpu.vector_load_idx %arg14[%add3A_535] : memref<6400xf32, #tpu.memory_space<vmem>>[vector<16xi32>], vector<16xf32>,
        %add3A_542 = arith.addf %add3A_540, %gather3A_541 : vector<16xf32>
        tpu.vector_store_idx %arg17[%add3A_535], %add3A_542 : memref<6400xf32, #tpu.memory_space<vmem>>[vector<16xi32>], vector<16xf32>,
        %mul3A_543 = arith.constant 800 : i32
        %mul3A_544 = arith.muli %shift_right_arithmetic3A_142, %mul3A_543 : i32
        %add3A_545 = vector.broadcast %mul3A_544 : i32 to vector<16xi32>
        %add3A_546 = arith.addi %add3A_545, %mul3A_6 : vector<16xi32>
        %mul3A_547 = arith.constant 25 : i32
        %mul3A_548 = arith.muli %and3A_144, %mul3A_547 : i32
        %add3A_549 = arith.constant 16 : i32
        %add3A_550 = arith.addi %mul3A_548, %add3A_549 : i32
        %add3A_551 = vector.broadcast %add3A_550 : i32 to vector<16xi32>
        %add3A_552 = arith.addi %add3A_546, %add3A_551 : vector<16xi32>
        %gather3A_553 = arith.constant 0 : i32
        %gather3A_554 = tpu.memref_slice %arg19[%and3A_148, %gather3A_553] : memref<2x400xf32, #tpu.memory_space<vmem>> -> memref<1x400xf32, #tpu.memory_space<vmem>>
        %gather3A_555 = tpu.memref_squeeze %gather3A_554 : memref<1x400xf32, #tpu.memory_space<vmem>> -> memref<400xf32, #tpu.memory_space<vmem>>
        %gather3A_556 = tpu.vector_load_idx %gather3A_555[%add3A_500] : memref<400xf32, #tpu.memory_space<vmem>>[vector<16xi32>], vector<16xf32>,
        %add3A_557 = arith.addf %scan3A_524#1, %gather3A_556 : vector<16xf32>
        %gather3A_558 = tpu.vector_load_idx %arg14[%add3A_552] : memref<6400xf32, #tpu.memory_space<vmem>>[vector<16xi32>], vector<16xf32>,
        %add3A_559 = arith.addf %add3A_557, %gather3A_558 : vector<16xf32>
        tpu.vector_store_idx %arg17[%add3A_552], %add3A_559 : memref<6400xf32, #tpu.memory_space<vmem>>[vector<16xi32>], vector<16xf32>,
        %mul3A_560 = arith.constant 800 : i32
        %mul3A_561 = arith.muli %shift_right_arithmetic3A_142, %mul3A_560 : i32
        %add3A_562 = vector.broadcast %mul3A_561 : i32 to vector<16xi32>
        %add3A_563 = arith.addi %add3A_562, %mul3A_6 : vector<16xi32>
        %mul3A_564 = arith.constant 25 : i32
        %mul3A_565 = arith.muli %and3A_144, %mul3A_564 : i32
        %add3A_566 = arith.constant 17 : i32
        %add3A_567 = arith.addi %mul3A_565, %add3A_566 : i32
        %add3A_568 = vector.broadcast %add3A_567 : i32 to vector<16xi32>
        %add3A_569 = arith.addi %add3A_563, %add3A_568 : vector<16xi32>
        %gather3A_570 = arith.constant 0 : i32
        %gather3A_571 = tpu.memref_slice %arg19[%and3A_148, %gather3A_570] : memref<2x400xf32, #tpu.memory_space<vmem>> -> memref<1x400xf32, #tpu.memory_space<vmem>>
        %gather3A_572 = tpu.memref_squeeze %gather3A_571 : memref<1x400xf32, #tpu.memory_space<vmem>> -> memref<400xf32, #tpu.memory_space<vmem>>
        %gather3A_573 = tpu.vector_load_idx %gather3A_572[%add3A_503] : memref<400xf32, #tpu.memory_space<vmem>>[vector<16xi32>], vector<16xf32>,
        %add3A_574 = arith.addf %scan3A_524#2, %gather3A_573 : vector<16xf32>
        %gather3A_575 = tpu.vector_load_idx %arg14[%add3A_569] : memref<6400xf32, #tpu.memory_space<vmem>>[vector<16xi32>], vector<16xf32>,
        %add3A_576 = arith.addf %add3A_574, %gather3A_575 : vector<16xf32>
        tpu.vector_store_idx %arg17[%add3A_569], %add3A_576 : memref<6400xf32, #tpu.memory_space<vmem>>[vector<16xi32>], vector<16xf32>,
        %mul3A_577 = arith.constant 800 : i32
        %mul3A_578 = arith.muli %shift_right_arithmetic3A_142, %mul3A_577 : i32
        %add3A_579 = vector.broadcast %mul3A_578 : i32 to vector<16xi32>
        %add3A_580 = arith.addi %add3A_579, %mul3A_6 : vector<16xi32>
        %mul3A_581 = arith.constant 25 : i32
        %mul3A_582 = arith.muli %and3A_144, %mul3A_581 : i32
        %add3A_583 = arith.constant 18 : i32
        %add3A_584 = arith.addi %mul3A_582, %add3A_583 : i32
        %add3A_585 = vector.broadcast %add3A_584 : i32 to vector<16xi32>
        %add3A_586 = arith.addi %add3A_580, %add3A_585 : vector<16xi32>
        %gather3A_587 = arith.constant 0 : i32
        %gather3A_588 = tpu.memref_slice %arg19[%and3A_148, %gather3A_587] : memref<2x400xf32, #tpu.memory_space<vmem>> -> memref<1x400xf32, #tpu.memory_space<vmem>>
        %gather3A_589 = tpu.memref_squeeze %gather3A_588 : memref<1x400xf32, #tpu.memory_space<vmem>> -> memref<400xf32, #tpu.memory_space<vmem>>
        %gather3A_590 = tpu.vector_load_idx %gather3A_589[%add3A_506] : memref<400xf32, #tpu.memory_space<vmem>>[vector<16xi32>], vector<16xf32>,
        %add3A_591 = arith.addf %scan3A_524#3, %gather3A_590 : vector<16xf32>
        %gather3A_592 = tpu.vector_load_idx %arg14[%add3A_586] : memref<6400xf32, #tpu.memory_space<vmem>>[vector<16xi32>], vector<16xf32>,
        %add3A_593 = arith.addf %add3A_591, %gather3A_592 : vector<16xf32>
        tpu.vector_store_idx %arg17[%add3A_586], %add3A_593 : memref<6400xf32, #tpu.memory_space<vmem>>[vector<16xi32>], vector<16xf32>,
        %mul3A_594 = arith.constant 800 : i32
        %mul3A_595 = arith.muli %shift_right_arithmetic3A_142, %mul3A_594 : i32
        %add3A_596 = vector.broadcast %mul3A_595 : i32 to vector<16xi32>
        %add3A_597 = arith.addi %add3A_596, %mul3A_6 : vector<16xi32>
        %mul3A_598 = arith.constant 25 : i32
        %mul3A_599 = arith.muli %and3A_144, %mul3A_598 : i32
        %add3A_600 = arith.constant 19 : i32
        %add3A_601 = arith.addi %mul3A_599, %add3A_600 : i32
        %add3A_602 = vector.broadcast %add3A_601 : i32 to vector<16xi32>
        %add3A_603 = arith.addi %add3A_597, %add3A_602 : vector<16xi32>
        %gather3A_604 = arith.constant 0 : i32
        %gather3A_605 = tpu.memref_slice %arg19[%and3A_148, %gather3A_604] : memref<2x400xf32, #tpu.memory_space<vmem>> -> memref<1x400xf32, #tpu.memory_space<vmem>>
        %gather3A_606 = tpu.memref_squeeze %gather3A_605 : memref<1x400xf32, #tpu.memory_space<vmem>> -> memref<400xf32, #tpu.memory_space<vmem>>
        %gather3A_607 = tpu.vector_load_idx %gather3A_606[%add3A_509] : memref<400xf32, #tpu.memory_space<vmem>>[vector<16xi32>], vector<16xf32>,
        %add3A_608 = arith.addf %scan3A_524#4, %gather3A_607 : vector<16xf32>
        %gather3A_609 = tpu.vector_load_idx %arg14[%add3A_603] : memref<6400xf32, #tpu.memory_space<vmem>>[vector<16xi32>], vector<16xf32>,
        %add3A_610 = arith.addf %add3A_608, %gather3A_609 : vector<16xf32>
        tpu.vector_store_idx %arg17[%add3A_603], %add3A_610 : memref<6400xf32, #tpu.memory_space<vmem>>[vector<16xi32>], vector<16xf32>,
        %add3A_611 = arith.constant 20 : i32
        %add3A_612 = vector.broadcast %add3A_611 : i32 to vector<16xi32>
        %add3A_613 = arith.addi %mul3A_3, %add3A_612 : vector<16xi32>
        %add3A_614 = arith.constant 21 : i32
        %add3A_615 = vector.broadcast %add3A_614 : i32 to vector<16xi32>
        %add3A_616 = arith.addi %mul3A_3, %add3A_615 : vector<16xi32>
        %add3A_617 = arith.constant 22 : i32
        %add3A_618 = vector.broadcast %add3A_617 : i32 to vector<16xi32>
        %add3A_619 = arith.addi %mul3A_3, %add3A_618 : vector<16xi32>
        %add3A_620 = arith.constant 23 : i32
        %add3A_621 = vector.broadcast %add3A_620 : i32 to vector<16xi32>
        %add3A_622 = arith.addi %mul3A_3, %add3A_621 : vector<16xi32>
        %add3A_623 = arith.constant 24 : i32
        %add3A_624 = vector.broadcast %add3A_623 : i32 to vector<16xi32>
        %add3A_625 = arith.addi %mul3A_3, %add3A_624 : vector<16xi32>
        %broadcast_in_dim3A_626 = arith.constant 0.000000e+00 : f32
        %broadcast_in_dim3A_627 = vector.broadcast %broadcast_in_dim3A_626 : f32 to vector<16xf32>
        %broadcast_in_dim3A_628 = arith.constant 0.000000e+00 : f32
        %broadcast_in_dim3A_629 = vector.broadcast %broadcast_in_dim3A_628 : f32 to vector<16xf32>
        %broadcast_in_dim3A_630 = arith.constant 0.000000e+00 : f32
        %broadcast_in_dim3A_631 = vector.broadcast %broadcast_in_dim3A_630 : f32 to vector<16xf32>
        %broadcast_in_dim3A_632 = arith.constant 0.000000e+00 : f32
        %broadcast_in_dim3A_633 = vector.broadcast %broadcast_in_dim3A_632 : f32 to vector<16xf32>
        %broadcast_in_dim3A_634 = arith.constant 0.000000e+00 : f32
        %broadcast_in_dim3A_635 = vector.broadcast %broadcast_in_dim3A_634 : f32 to vector<16xf32>
        %scan3A_636 = arith.constant 0 : i32
        %scan3A_637 = arith.constant 64 : i32
        %scan3A_638 = arith.addi %scan3A_636, %scan3A_637 : i32
        %scan3A_639 = arith.constant 1 : i32
        %scan3A_640:5 = scf.for %scan3A_727 = %scan3A_636 to %scan3A_638 step %scan3A_639 iter_args(%scan3A_728 = %broadcast_in_dim3A_627, %scan3A_729 = %broadcast_in_dim3A_629, %scan3A_730 = %broadcast_in_dim3A_631, %scan3A_731 = %broadcast_in_dim3A_633, %scan3A_732 = %broadcast_in_dim3A_635) -> (vector<16xf32>, vector<16xf32>, vector<16xf32>, vector<16xf32>, vector<16xf32>)  : i32 {
          %add3A_733 = vector.broadcast %scan3A_727 : i32 to vector<16xi32>
          %add3A_734 = arith.addi %add3A_733, %iota3A : vector<16xi32>
          %and3A_735 = arith.constant 15 : i32
          %and3A_736 = vector.broadcast %and3A_735 : i32 to vector<16xi32>
          %and3A_737 = arith.andi %add3A_734, %and3A_736 : vector<16xi32>
          %and3A_738 = arith.constant -16 : i32
          %and3A_739 = arith.andi %scan3A_727, %and3A_738 : i32
          %or3A = vector.broadcast %and3A_739 : i32 to vector<16xi32>
          %or3A_740 = arith.ori %and3A_737, %or3A : vector<16xi32>
          %mul3A_741 = arith.constant 128 : i32
          %mul3A_742 = arith.muli %scan3A_727, %mul3A_741 : i32
          %mul3A_743 = arith.constant 16 : i32
          %mul3A_744 = arith.muli %shift_right_arithmetic3A_142, %mul3A_743 : i32
          %add3A_745 = arith.addi %mul3A_742, %mul3A_744 : i32
          %get3A = arith.index_cast %add3A_745 : i32 to index
          %get3A_746 = tpu.vector_load %arg16[%get3A] {strides = array<i32>} : memref<8192xf32, #tpu.memory_space<vmem>>, vector<16xf32>,
          %gather3A_747 = arith.constant 0 : i32
          %gather3A_748 = arith.constant 0 : i32
          %gather3A_749 = tpu.memref_slice %arg18[%and3A_146, %gather3A_747, %gather3A_748] : memref<2x400x64xf32, #tpu.memory_space<vmem>> -> memref<1x400x64xf32, #tpu.memory_space<vmem>>
          %gather3A_750 = tpu.memref_squeeze %gather3A_749 : memref<1x400x64xf32, #tpu.memory_space<vmem>> -> memref<400x64xf32, #tpu.memory_space<vmem>>
          %gather3A_751 = tpu.vector_load_idx %gather3A_750[%add3A_613, %or3A_740] : memref<400x64xf32, #tpu.memory_space<vmem>>[vector<16xi32>, vector<16xi32>], vector<16xf32>,
          %mul3A_752 = arith.mulf %gather3A_751, %get3A_746 : vector<16xf32>
          %add3A_753 = arith.addf %scan3A_728, %mul3A_752 : vector<16xf32>
          %gather3A_754 = arith.constant 0 : i32
          %gather3A_755 = arith.constant 0 : i32
          %gather3A_756 = tpu.memref_slice %arg18[%and3A_146, %gather3A_754, %gather3A_755] : memref<2x400x64xf32, #tpu.memory_space<vmem>> -> memref<1x400x64xf32, #tpu.memory_space<vmem>>
          %gather3A_757 = tpu.memref_squeeze %gather3A_756 : memref<1x400x64xf32, #tpu.memory_space<vmem>> -> memref<400x64xf32, #tpu.memory_space<vmem>>
          %gather3A_758 = tpu.vector_load_idx %gather3A_757[%add3A_616, %or3A_740] : memref<400x64xf32, #tpu.memory_space<vmem>>[vector<16xi32>, vector<16xi32>], vector<16xf32>,
          %mul3A_759 = arith.mulf %gather3A_758, %get3A_746 : vector<16xf32>
          %add3A_760 = arith.addf %scan3A_729, %mul3A_759 : vector<16xf32>
          %gather3A_761 = arith.constant 0 : i32
          %gather3A_762 = arith.constant 0 : i32
          %gather3A_763 = tpu.memref_slice %arg18[%and3A_146, %gather3A_761, %gather3A_762] : memref<2x400x64xf32, #tpu.memory_space<vmem>> -> memref<1x400x64xf32, #tpu.memory_space<vmem>>
          %gather3A_764 = tpu.memref_squeeze %gather3A_763 : memref<1x400x64xf32, #tpu.memory_space<vmem>> -> memref<400x64xf32, #tpu.memory_space<vmem>>
          %gather3A_765 = tpu.vector_load_idx %gather3A_764[%add3A_619, %or3A_740] : memref<400x64xf32, #tpu.memory_space<vmem>>[vector<16xi32>, vector<16xi32>], vector<16xf32>,
          %mul3A_766 = arith.mulf %gather3A_765, %get3A_746 : vector<16xf32>
          %add3A_767 = arith.addf %scan3A_730, %mul3A_766 : vector<16xf32>
          %gather3A_768 = arith.constant 0 : i32
          %gather3A_769 = arith.constant 0 : i32
          %gather3A_770 = tpu.memref_slice %arg18[%and3A_146, %gather3A_768, %gather3A_769] : memref<2x400x64xf32, #tpu.memory_space<vmem>> -> memref<1x400x64xf32, #tpu.memory_space<vmem>>
          %gather3A_771 = tpu.memref_squeeze %gather3A_770 : memref<1x400x64xf32, #tpu.memory_space<vmem>> -> memref<400x64xf32, #tpu.memory_space<vmem>>
          %gather3A_772 = tpu.vector_load_idx %gather3A_771[%add3A_622, %or3A_740] : memref<400x64xf32, #tpu.memory_space<vmem>>[vector<16xi32>, vector<16xi32>], vector<16xf32>,
          %mul3A_773 = arith.mulf %gather3A_772, %get3A_746 : vector<16xf32>
          %add3A_774 = arith.addf %scan3A_731, %mul3A_773 : vector<16xf32>
          %gather3A_775 = arith.constant 0 : i32
          %gather3A_776 = arith.constant 0 : i32
          %gather3A_777 = tpu.memref_slice %arg18[%and3A_146, %gather3A_775, %gather3A_776] : memref<2x400x64xf32, #tpu.memory_space<vmem>> -> memref<1x400x64xf32, #tpu.memory_space<vmem>>
          %gather3A_778 = tpu.memref_squeeze %gather3A_777 : memref<1x400x64xf32, #tpu.memory_space<vmem>> -> memref<400x64xf32, #tpu.memory_space<vmem>>
          %gather3A_779 = tpu.vector_load_idx %gather3A_778[%add3A_625, %or3A_740] : memref<400x64xf32, #tpu.memory_space<vmem>>[vector<16xi32>, vector<16xi32>], vector<16xf32>,
          %mul3A_780 = arith.mulf %gather3A_779, %get3A_746 : vector<16xf32>
          %add3A_781 = arith.addf %scan3A_732, %mul3A_780 : vector<16xf32>
          scf.yield %add3A_753, %add3A_760, %add3A_767, %add3A_774, %add3A_781 : vector<16xf32>, vector<16xf32>, vector<16xf32>, vector<16xf32>, vector<16xf32>
        }
        %scan3A_641 = arith.constant 64 : i32
        %mul3A_642 = arith.constant 800 : i32
        %mul3A_643 = arith.muli %shift_right_arithmetic3A_142, %mul3A_642 : i32
        %add3A_644 = vector.broadcast %mul3A_643 : i32 to vector<16xi32>
        %add3A_645 = arith.addi %add3A_644, %mul3A_6 : vector<16xi32>
        %mul3A_646 = arith.constant 25 : i32
        %mul3A_647 = arith.muli %and3A_144, %mul3A_646 : i32
        %add3A_648 = arith.constant 20 : i32
        %add3A_649 = arith.addi %mul3A_647, %add3A_648 : i32
        %add3A_650 = vector.broadcast %add3A_649 : i32 to vector<16xi32>
        %add3A_651 = arith.addi %add3A_645, %add3A_650 : vector<16xi32>
        %gather3A_652 = arith.constant 0 : i32
        %gather3A_653 = tpu.memref_slice %arg19[%and3A_148, %gather3A_652] : memref<2x400xf32, #tpu.memory_space<vmem>> -> memref<1x400xf32, #tpu.memory_space<vmem>>
        %gather3A_654 = tpu.memref_squeeze %gather3A_653 : memref<1x400xf32, #tpu.memory_space<vmem>> -> memref<400xf32, #tpu.memory_space<vmem>>
        %gather3A_655 = tpu.vector_load_idx %gather3A_654[%add3A_613] : memref<400xf32, #tpu.memory_space<vmem>>[vector<16xi32>], vector<16xf32>,
        %add3A_656 = arith.addf %scan3A_640#0, %gather3A_655 : vector<16xf32>
        %gather3A_657 = tpu.vector_load_idx %arg14[%add3A_651] : memref<6400xf32, #tpu.memory_space<vmem>>[vector<16xi32>], vector<16xf32>,
        %add3A_658 = arith.addf %add3A_656, %gather3A_657 : vector<16xf32>
        tpu.vector_store_idx %arg17[%add3A_651], %add3A_658 : memref<6400xf32, #tpu.memory_space<vmem>>[vector<16xi32>], vector<16xf32>,
        %mul3A_659 = arith.constant 800 : i32
        %mul3A_660 = arith.muli %shift_right_arithmetic3A_142, %mul3A_659 : i32
        %add3A_661 = vector.broadcast %mul3A_660 : i32 to vector<16xi32>
        %add3A_662 = arith.addi %add3A_661, %mul3A_6 : vector<16xi32>
        %mul3A_663 = arith.constant 25 : i32
        %mul3A_664 = arith.muli %and3A_144, %mul3A_663 : i32
        %add3A_665 = arith.constant 21 : i32
        %add3A_666 = arith.addi %mul3A_664, %add3A_665 : i32
        %add3A_667 = vector.broadcast %add3A_666 : i32 to vector<16xi32>
        %add3A_668 = arith.addi %add3A_662, %add3A_667 : vector<16xi32>
        %gather3A_669 = arith.constant 0 : i32
        %gather3A_670 = tpu.memref_slice %arg19[%and3A_148, %gather3A_669] : memref<2x400xf32, #tpu.memory_space<vmem>> -> memref<1x400xf32, #tpu.memory_space<vmem>>
        %gather3A_671 = tpu.memref_squeeze %gather3A_670 : memref<1x400xf32, #tpu.memory_space<vmem>> -> memref<400xf32, #tpu.memory_space<vmem>>
        %gather3A_672 = tpu.vector_load_idx %gather3A_671[%add3A_616] : memref<400xf32, #tpu.memory_space<vmem>>[vector<16xi32>], vector<16xf32>,
        %add3A_673 = arith.addf %scan3A_640#1, %gather3A_672 : vector<16xf32>
        %gather3A_674 = tpu.vector_load_idx %arg14[%add3A_668] : memref<6400xf32, #tpu.memory_space<vmem>>[vector<16xi32>], vector<16xf32>,
        %add3A_675 = arith.addf %add3A_673, %gather3A_674 : vector<16xf32>
        tpu.vector_store_idx %arg17[%add3A_668], %add3A_675 : memref<6400xf32, #tpu.memory_space<vmem>>[vector<16xi32>], vector<16xf32>,
        %mul3A_676 = arith.constant 800 : i32
        %mul3A_677 = arith.muli %shift_right_arithmetic3A_142, %mul3A_676 : i32
        %add3A_678 = vector.broadcast %mul3A_677 : i32 to vector<16xi32>
        %add3A_679 = arith.addi %add3A_678, %mul3A_6 : vector<16xi32>
        %mul3A_680 = arith.constant 25 : i32
        %mul3A_681 = arith.muli %and3A_144, %mul3A_680 : i32
        %add3A_682 = arith.constant 22 : i32
        %add3A_683 = arith.addi %mul3A_681, %add3A_682 : i32
        %add3A_684 = vector.broadcast %add3A_683 : i32 to vector<16xi32>
        %add3A_685 = arith.addi %add3A_679, %add3A_684 : vector<16xi32>
        %gather3A_686 = arith.constant 0 : i32
        %gather3A_687 = tpu.memref_slice %arg19[%and3A_148, %gather3A_686] : memref<2x400xf32, #tpu.memory_space<vmem>> -> memref<1x400xf32, #tpu.memory_space<vmem>>
        %gather3A_688 = tpu.memref_squeeze %gather3A_687 : memref<1x400xf32, #tpu.memory_space<vmem>> -> memref<400xf32, #tpu.memory_space<vmem>>
        %gather3A_689 = tpu.vector_load_idx %gather3A_688[%add3A_619] : memref<400xf32, #tpu.memory_space<vmem>>[vector<16xi32>], vector<16xf32>,
        %add3A_690 = arith.addf %scan3A_640#2, %gather3A_689 : vector<16xf32>
        %gather3A_691 = tpu.vector_load_idx %arg14[%add3A_685] : memref<6400xf32, #tpu.memory_space<vmem>>[vector<16xi32>], vector<16xf32>,
        %add3A_692 = arith.addf %add3A_690, %gather3A_691 : vector<16xf32>
        tpu.vector_store_idx %arg17[%add3A_685], %add3A_692 : memref<6400xf32, #tpu.memory_space<vmem>>[vector<16xi32>], vector<16xf32>,
        %mul3A_693 = arith.constant 800 : i32
        %mul3A_694 = arith.muli %shift_right_arithmetic3A_142, %mul3A_693 : i32
        %add3A_695 = vector.broadcast %mul3A_694 : i32 to vector<16xi32>
        %add3A_696 = arith.addi %add3A_695, %mul3A_6 : vector<16xi32>
        %mul3A_697 = arith.constant 25 : i32
        %mul3A_698 = arith.muli %and3A_144, %mul3A_697 : i32
        %add3A_699 = arith.constant 23 : i32
        %add3A_700 = arith.addi %mul3A_698, %add3A_699 : i32
        %add3A_701 = vector.broadcast %add3A_700 : i32 to vector<16xi32>
        %add3A_702 = arith.addi %add3A_696, %add3A_701 : vector<16xi32>
        %gather3A_703 = arith.constant 0 : i32
        %gather3A_704 = tpu.memref_slice %arg19[%and3A_148, %gather3A_703] : memref<2x400xf32, #tpu.memory_space<vmem>> -> memref<1x400xf32, #tpu.memory_space<vmem>>
        %gather3A_705 = tpu.memref_squeeze %gather3A_704 : memref<1x400xf32, #tpu.memory_space<vmem>> -> memref<400xf32, #tpu.memory_space<vmem>>
        %gather3A_706 = tpu.vector_load_idx %gather3A_705[%add3A_622] : memref<400xf32, #tpu.memory_space<vmem>>[vector<16xi32>], vector<16xf32>,
        %add3A_707 = arith.addf %scan3A_640#3, %gather3A_706 : vector<16xf32>
        %gather3A_708 = tpu.vector_load_idx %arg14[%add3A_702] : memref<6400xf32, #tpu.memory_space<vmem>>[vector<16xi32>], vector<16xf32>,
        %add3A_709 = arith.addf %add3A_707, %gather3A_708 : vector<16xf32>
        tpu.vector_store_idx %arg17[%add3A_702], %add3A_709 : memref<6400xf32, #tpu.memory_space<vmem>>[vector<16xi32>], vector<16xf32>,
        %mul3A_710 = arith.constant 800 : i32
        %mul3A_711 = arith.muli %shift_right_arithmetic3A_142, %mul3A_710 : i32
        %add3A_712 = vector.broadcast %mul3A_711 : i32 to vector<16xi32>
        %add3A_713 = arith.addi %add3A_712, %mul3A_6 : vector<16xi32>
        %mul3A_714 = arith.constant 25 : i32
        %mul3A_715 = arith.muli %and3A_144, %mul3A_714 : i32
        %add3A_716 = arith.constant 24 : i32
        %add3A_717 = arith.addi %mul3A_715, %add3A_716 : i32
        %add3A_718 = vector.broadcast %add3A_717 : i32 to vector<16xi32>
        %add3A_719 = arith.addi %add3A_713, %add3A_718 : vector<16xi32>
        %gather3A_720 = arith.constant 0 : i32
        %gather3A_721 = tpu.memref_slice %arg19[%and3A_148, %gather3A_720] : memref<2x400xf32, #tpu.memory_space<vmem>> -> memref<1x400xf32, #tpu.memory_space<vmem>>
        %gather3A_722 = tpu.memref_squeeze %gather3A_721 : memref<1x400xf32, #tpu.memory_space<vmem>> -> memref<400xf32, #tpu.memory_space<vmem>>
        %gather3A_723 = tpu.vector_load_idx %gather3A_722[%add3A_625] : memref<400xf32, #tpu.memory_space<vmem>>[vector<16xi32>], vector<16xf32>,
        %add3A_724 = arith.addf %scan3A_640#4, %gather3A_723 : vector<16xf32>
        %gather3A_725 = tpu.vector_load_idx %arg14[%add3A_719] : memref<6400xf32, #tpu.memory_space<vmem>>[vector<16xi32>], vector<16xf32>,
        %add3A_726 = arith.addf %add3A_724, %gather3A_725 : vector<16xf32>
        tpu.vector_store_idx %arg17[%add3A_719], %add3A_726 : memref<6400xf32, #tpu.memory_space<vmem>>[vector<16xi32>], vector<16xf32>,
      }
      %scan3A_140 = arith.constant 0 : i32
      scf.yield %scan3A_140 : i32
    }
    %scan3A_117 = arith.constant 24 : i32
    %mul3A_118 = arith.constant 128 : i32
    %mul3A_119 = arith.muli %add3A, %mul3A_118 : i32
    %mul3A_120 = arith.constant 50 : i32
    %mul3A_121 = arith.muli %mul3A_119, %mul3A_120 : i32
    "tpu.region"() ({
      %run_scoped3A = tpu.sem_alloc : memref<!tpu.dma_semaphore, #tpu.memory_space<semaphore_mem>>
      %dma_start3A_122 = tpu.memref_slice %arg10[%mul3A_121] : memref<204800xf32, #tpu.memory_space<hbm>> -> memref<6400xf32, #tpu.memory_space<hbm>>
      %dma_start3A_123 = tpu.memref_slice %arg10[%mul3A_121] : memref<204800xf32, #tpu.memory_space<hbm>> -> memref<6400xf32, #tpu.memory_space<hbm>>
      tpu.enqueue_dma source(%arg17 : memref<6400xf32, #tpu.memory_space<vmem>>) target(%dma_start3A_123 : memref<6400xf32, #tpu.memory_space<hbm>>) target_semaphore(%run_scoped3A : memref<!tpu.dma_semaphore, #tpu.memory_space<semaphore_mem>>)
      %dma_wait3A_124 = tpu.memref_slice %arg10[%mul3A_121] : memref<204800xf32, #tpu.memory_space<hbm>> -> memref<6400xf32, #tpu.memory_space<hbm>>
      %dma_wait3A_125 = tpu.memref_slice %arg10[%mul3A_121] : memref<204800xf32, #tpu.memory_space<hbm>> -> memref<6400xf32, #tpu.memory_space<hbm>>
      tpu.wait_dma2 semaphore(%run_scoped3A : memref<!tpu.dma_semaphore, #tpu.memory_space<semaphore_mem>>) src(%arg17 : memref<6400xf32, #tpu.memory_space<vmem>>) dst(%dma_wait3A_125 : memref<6400xf32, #tpu.memory_space<hbm>>)
      tpu.yield
    }) : () -> ()
    return
  }
}

</mosaic_0001>

<sc_bundles>
// kernel: _run.3.cloned.1.call-start
scs
__scs_entry_jumppad:
0x0: {  	(pc) =	sbr.rel $0x88, $3  }
0x1: {  	(tag) =	ssettag $0x0;
	lr =	simm.s32 $0x1  }
0x2: {  	[smem:$0x3F99] =	sst lr;
	_ =	strace $0xD0000000  }
0x3: {  	_ = 	snop  }
0x4: {  	_ = 	snop  }
0x5: {  	_ = 	snop  }
0x6: {  	_ = 	snop  }
0x7: {  	_ = 	snop  }
__scs_overlays_trampoline_lowered:
0x8: {  	[smem:$0x3FA8] =	sst s0  }
0x9: {  	[smem:$0x3FA9] =	sst s1  }
0xa: {  	[smem:$0x3FAA] =	sst s2  }
0xb: {  	[smem:$0x3FAB] =	sst s3  }
0xc: {  	[smem:$0x3FAC] =	sst s4  }
0xd: {  	[smem:$0x3FAD] =	sst s5  }
0xe: {  	[smem:$0x3FAE] =	sst s6  }
0xf: {  	[smem:$0x3FAF] =	sst s7  }
0x10: {  	[smem:$0x3FB0] =	sst s8  }
0x11: {  	[smem:$0x3FB1] =	sst s9;
	s0 =	simm.s32 @!p0 $0x0  }
0x12: {  	s1 =	sld [smem:$0x3F97];
	s0 =	simm.s32 @p0 $0x1  }
0x13: {  	[smem:$0x3FB2] =	sst s0;
	s0 =	simm.s32 @!p1 $0x0  }
0x14: {  	s2 =	sld [smem:$0x3F96];
	s0 =	simm.s32 @p1 $0x1  }
0x15: {  	[smem:$0x3FB3] =	sst s0;
	s0 =	simm.s32 @!p2 $0x0  }
0x16: {  	s3 =	sld [smem:$0x3FDB];
	s0 =	simm.s32 @p2 $0x1  }
0x17: {  	s4 =	simm.s32 $0x1BF5;
	[smem:$0x3FB5] =	sst s0  }
0x18: {  	s0 =	sld [smem:$0x3F98];
	_ =	swait.ge [sflag:s4], $0x0  }
0x19: {  	s7 =	sld [smem:$0x3F99]  }
0x1a: {  	s8 =	sadd.s32 $0xFFFFE003, lr  }
0x1b: {  	s9 =	sadd.s32 $0xFFFFFEF7, lr;
	s5 =	simm.s32 $0xFFFFFFFF;
	p2 =	slt.u32 s8, $0xFFFFF086  }
0x1c: {  	p1 =	slt.u32 s9, $0xF7A;
	s5 =	simm.s32 @!p2 $0x0  }
0x1d: {  	s5 =	simm.s32 @p1 $0x1;
	p0 =	seq.s32 s7, s2  }
0x1e: {  	s7 =	smul.u32 @!p0 $0xF7A, s2;
	p2 =	seq.s32 @!p0 s5, $0x0  }
0x1f: {  	s9 =	smul.u32 $0xF7A, s1;
	s8 =	simm.s32 @!p0 $0x1BF5;
	p2 =	por !p2, p0  }
0x20: {  	[sflag:s8] =	ssyncset.s32 @!p0 $0xFFFFF086;
	s6 =	sadd.s32 @!p0 s3, s7;
	s7 =	simm.s32 @!p0 $0x108  }
0x21: {  	s3 =	sadd.s32 s3, s9;
	s6 =	sadd.s32 @!p0 $0x88, s6;
	s7 =	simm.s32 @p2 $0x1082  }
0x22: {  	[simem:s7], [sflag:s8] =	dma.local @!p0 [hbm:s6], $0xF7A  }
0x23: {  	s9 =	sor.u32 $0xD0000000, s2;
	s6 =	simm.s32 $0x108;
	_ =	swait.ge @!p0 [sflag:s8], $0x0  }
0x24: {  	s3 =	sadd.s32 $0x88, s3;
	s6 =	simm.s32 @!p1 $0x1082;
	[sflag:s4] =	ssyncset.s32 $0xFFFFF086  }
0x25: {  	[simem:s6], [sflag:s4] =	dma.local [hbm:s3], $0xF7A  }
0x26: {  	[smem:$0x3F99] =	sst s1;
	(tag) =	ssettag s2;
	_ =	strace s9  }
0x27: {  	s1 =	sld [smem:$0x3FA9]  }
0x28: {  	s2 =	sld [smem:$0x3FAA]  }
0x29: {  	s4 =	sld [smem:$0x3FAC]  }
0x2a: {  	p0 =	seq.s32 s5, $0x0;
	s5 =	sld [smem:$0x3FAD]  }
0x2b: {  	s6 =	sld [smem:$0x3FAE]  }
0x2c: {  	s7 =	sld [smem:$0x3FAF]  }
0x2d: {  	s3 =	simm.s32 $0x108;
	s8 =	sld [smem:$0x3FB0]  }
0x2e: {  	s3 =	simm.s32 @!p0 $0x1082;
	s9 =	sld [smem:$0x3FB1]  }
0x2f: {  	lr =	sadd.s32 s0, s3;
	s0 =	sld [smem:$0x3FA8]  }
0x30: {  	s3 =	sld [smem:$0x3FAB]  }
0x31: {  	[smem:$0x3FB4] =	sst s10  }
0x32: {  	s10 =	sld [smem:$0x3FB2];
	_ =	sdelay $0x3  }
0x33: {  	p0 =	seq.s32 s10, $0x1;
	s10 =	sld [smem:$0x3FB4];
	_ =	sdelay $0x3  }
0x34: {  	[smem:$0x3FB4] =	sst s10  }
0x35: {  	s10 =	sld [smem:$0x3FB3];
	_ =	sdelay $0x3  }
0x36: {  	p1 =	seq.s32 s10, $0x1;
	s10 =	sld [smem:$0x3FB4];
	_ =	sdelay $0x3  }
0x37: {  	[smem:$0x3FB4] =	sst s10  }
0x38: {  	s10 =	sld [smem:$0x3FB5]  }
0x39: {  	_ = 	snop;
	(pc) =	sbr.ind lr, $3  }
0x3a: {  	_ = 	snop  }
0x3b: {  	_ = 	snop  }
0x3c: {  	p2 =	seq.s32 s10, $0x1;
	s10 =	sld [smem:$0x3FB4]  }
0x3d: {  	_ =	shalt  }
0x3e: {  	_ =	shalt  }
0x3f: {  	_ =	shalt  }
0x40: {  	_ =	shalt  }
0x41: {  	_ =	shalt  }
0x42: {  	_ =	shalt  }
0x43: {  	_ =	shalt  }
0x44: {  	_ =	shalt  }
0x45: {  	_ =	shalt  }
0x46: {  	_ =	shalt  }
0x47: {  	_ =	shalt  }
0x48: {  	_ =	shalt  }
0x49: {  	_ =	shalt  }
0x4a: {  	_ =	shalt  }
0x4b: {  	_ =	shalt  }
0x4c: {  	_ =	shalt  }
0x4d: {  	_ =	shalt  }
0x4e: {  	_ =	shalt  }
0x4f: {  	_ =	shalt  }
0x50: {  	_ =	shalt  }
0x51: {  	_ =	shalt  }
0x52: {  	_ =	shalt  }
0x53: {  	_ =	shalt  }
0x54: {  	_ =	shalt  }
0x55: {  	_ =	shalt  }
0x56: {  	_ =	shalt  }
0x57: {  	_ =	shalt  }
0x58: {  	_ =	shalt  }
0x59: {  	_ =	shalt  }
0x5a: {  	_ =	shalt  }
0x5b: {  	_ =	shalt  }
0x5c: {  	_ =	shalt  }
0x5d: {  	_ =	shalt  }
0x5e: {  	_ =	shalt  }
0x5f: {  	_ =	shalt  }
0x60: {  	_ =	shalt  }
0x61: {  	_ =	shalt  }
0x62: {  	_ =	shalt  }
0x63: {  	_ =	shalt  }
0x64: {  	_ =	shalt  }
0x65: {  	_ =	shalt  }
0x66: {  	_ =	shalt  }
0x67: {  	_ =	shalt  }
0x68: {  	_ =	shalt  }
0x69: {  	_ =	shalt  }
0x6a: {  	_ =	shalt  }
0x6b: {  	_ =	shalt  }
0x6c: {  	_ =	shalt  }
0x6d: {  	_ =	shalt  }
0x6e: {  	_ =	shalt  }
0x6f: {  	_ =	shalt  }
0x70: {  	_ =	shalt  }
0x71: {  	_ =	shalt  }
0x72: {  	_ =	shalt  }
0x73: {  	_ =	shalt  }
0x74: {  	_ =	shalt  }
0x75: {  	_ =	shalt  }
0x76: {  	_ =	shalt  }
0x77: {  	_ =	shalt  }
0x78: {  	_ =	shalt  }
0x79: {  	_ =	shalt  }
0x7a: {  	_ =	shalt  }
0x7b: {  	_ =	shalt  }
0x7c: {  	_ =	shalt  }
0x7d: {  	_ =	shalt  }
0x7e: {  	_ =	shalt  }
0x7f: {  	_ =	shalt  }
0x80: {  	_ =	shalt  }
0x81: {  	_ =	shalt  }
0x82: {  	_ =	shalt  }
0x83: {  	_ =	shalt  }
0x84: {  	_ =	shalt  }
0x85: {  	_ =	shalt  }
0x86: {  	_ =	shalt  }
0x87: {  	_ =	shalt  }
.Lfunc_end0:
.L_simem_size_0:
called_computation_lowered:
.L_overlay_start_0:
0x88: {  	s2 =	sld [smem:$0x3FD9]  }
0x89: {  	s3 =	sld [smem:$0x3FFE];
	_ =	sdelay $0x1  }
0x8a: {  	s1 =	srdreg.scid  }
0x8b: {  	s0 =	sand.u32 $0x1, s1  }
0x8c: {  	s17 =	sshll.u32 s0, $0xA;
	s2 =	sadd.s32 s3, s2  }
0x8d: {  	s2 =	sadd.s32 s2, s17  }
0x8e: {  	[smem:$0x3FC0] =	sst s2  }
0x8f: {  	_ = 	snop  }
0x90: {  	s2 =	sld [smem:$0x3FC9]  }
0x91: {  	s18 =	sld [smem:$0x3FC8]  }
0x92: {  	s4 =	sld [smem:$0x3FC7]  }
0x93: {  	s5 =	sld [smem:$0x3FC6]  }
0x94: {  	s6 =	sld [smem:$0x3FC3]  }
0x95: {  	s7 =	sld [smem:$0x3FD0];
	(tm) =	ssettm $0x1  }
0x96: {  	s8 =	sld [smem:$0x3FFB];
	_ =	sdelay $0x3  }
0x97: {  	_ =	strace s8  }
0x98: {  	s8 =	sld [smem:$0x3FFC];
	_ =	sdelay $0x3  }
0x99: {  	_ =	strace s8  }
0x9a: {  	s8 =	sld [smem:$0x3FFD];
	_ =	sdelay $0x3  }
0x9b: {  	_ =	strace s8  }
0x9c: {  	_ =	strace $0x8FFFFFFF  }
0x9d: {  	s19 =	sld [smem:$0x3FDB];
	_ =	sdelay $0x1  }
0x9e: {  	s9 =	simm.s32 $_scs_section_size  }
0x9f: {  	s10 =	simm.s32 $_size__tile_overlayer_lowered;
	s11 =	simm.s32 $_tile_overlayer_lowered  }
0xa0: {  	s22 =	simm.s32 $0x1BFF;
	s21 =	sshll.u32 s11, $0x1;
	s8 =	sadd.s32 s9, s19  }
0xa1: {  	s12 =	simm.s32 $0x0;
	s20 =	sshll.u32 s10, $0x1;
	s10 =	sadd.s32 s21, s8  }
0xa2: {  	[timem:s12], [sflag:s22] =	dma.local [hbm:s10], s20  }
0xa3: {  	_ =	swait.ge [sflag:s22], s20  }
0xa4: {  	s9 =	ssub.s32 $0x0, s20;
	[sflag:s22] =	ssyncset.done $0x0  }
0xa5: {  	[sflag:s22] =	ssyncadd.s32 s9;
	_ =	sdelay $0x1  }
0xa6: {  	s23 =	simm.s32 $0x1B8B  }
0xa7: {  	_ =	swait.ge [sflag:s23], $0x1  }
0xa8: {  	[sflag:s23] =	ssyncset.done $0x0  }
0xa9: {  	s25 =	simm.s32 $0x1B8E;
	s24 =	sld [smem:$0x3FFE];
	[sflag:s23] =	ssyncadd.s32 $0xFFFFFFFF  }
0xaa: {  	s26 =	simm.s32 $execute0_lowered;
	[smem:$0x3FD2] =	sst s25  }
0xab: {  	s10 =	sshll.u32 s26, $0x1;
	_ =	strace $0x80000046;
	[dreg:$0x1] =	wrdreg $0xFFFFFFFF  }
0xac: {  	s28 =	simm.s32 $_size_execute0_lowered;
	s8 =	sadd.s32 s8, s10;
	[dreg:$0x0] =	wrdreg $0x0  }
0xad: {  	s10 =	sshll.u32 s28, $0x1;
	[dreg:$0x2] =	wrdreg s8  }
0xae: {  	[dreg:$0x3] =	wrdreg s10  }
0xaf: {  	[dreg:$0x4] =	wrdreg $0xC0  }
0xb0: {  	_ =	task [dreg:s12], $0x5FFFF  }
0xb1: {  	[dreg:$0x1] =	wrdreg $0xFFFFFFFF  }
0xb2: {  	[dreg:$0x0] =	wrdreg $0x60  }
0xb3: {  	[dreg:$0x2] =	wrdreg s2  }
0xb4: {  	[dreg:$0x3] =	wrdreg s18  }
0xb5: {  	[dreg:$0x4] =	wrdreg s4  }
0xb6: {  	[dreg:$0x5] =	wrdreg s5  }
0xb7: {  	[dreg:$0x6] =	wrdreg s24  }
0xb8: {  	[dreg:$0x7] =	wrdreg s6  }
0xb9: {  	[dreg:$0x8] =	wrdreg s7  }
0xba: {  	[dreg:$0x9] =	wrdreg $0x9  }
0xbb: {  	_ =	task.clear_ibuf [dreg:s12], $0xAFFFF;
	_ =	strace $0x90000046  }
0xbc: {  	s29 =	simm.s32 $0x9;
	_ =	strace $0x80000048  }
0xbd: {  	_ =	swait.ge [sflag:s29], $0x1  }
0xbe: {  	[sflag:s29] =	ssyncadd.s32 $0xFFFFFFFF  }
0xbf: {  	_ =	strace $0x90000048  }
0xc0: {  	_ =	sfence  }
0xc1: {  	s30 =	sld [smem:$0x0];
	_ =	sdelay $0x2  }
0xc2: {  	s31 =	sshll.u32 s1, $0xD;
	s1 =	sshrl.u32 s1, $0x2  }
0xc3: {  	s3 =	sand.u32 $0x4000, s31;
	s1 =	sadd.s32 s1, s30  }
0xc4: {  	s0 =	sor.u32 s3, s0;
	s1 =	sshll.u32 s1, $0x11  }
0xc5: {  	s0 =	sor.u32 s1, s0  }
0xc6: {  	s0 =	sadd.s32 $0x8F2B, s0  }
0xc7: {  	[sflag:s0] =	ssyncadd.remote.s32 $0x1  }
0xc8: {  	_ =	sfence.sel $0xFFFF  }
0xc9: {  	[dreg:$0x0] =	wrdreg $0xFFFFFFFF;
	(pc) =	sbr.abs _section_cstart, $3  }
0xca: {  	[dreg:$0x1] =	wrdreg $0xFFFFFFFF  }
0xcb: {  	_ =	task.clear_ibuf [dreg:s12], $0x2FFFF;
	_ =	strace $0x9FFFFFFF  }
0xcc: {  	(tm) =	ssettm $0x7FFFFFFF  }
0xcd: {  	_ =	shalt  }
tec
execute0_lowered:
.L_overlay_start_1:
0x0: {  	(tag) =	ssettag $0x1  }
0x1: {  	s0 =	rddreg [dreg:$0x0];
	v0 =	vlaneseq.u32  }
0x2: {  	s2 =	rddreg [dreg:$0x1];
	v1 =	vmul.u32 $0x640, v0  }
0x3: {  	s9 =	rddreg [dreg:$0x2]  }
0x4: {  	s10 =	rddreg [dreg:$0x3];
	v4 =	vmul.u32 $0x19, v0;
	v7 =	vmul.u32 $0x32, v0;
	v2 =	vadd.s32 $0x40, v1  }
0x5: {  	s6 =	rddreg [dreg:$0x4];
	v3 =	vadd.s32 $0x80, v1;
	v5 =	vadd.s32 $0xC0, v1;
	v6 =	vadd.s32 $0x100, v1  }
0x6: {  	s1 =	rddreg [dreg:$0x5];
	[tilespmem:$0x1FF70] =	vst v7;
	v7 =	vadd.s32 $0x1, v4;
	v12 =	vadd.s32 $0x140, v1;
	v13 =	vadd.s32 $0x180, v1  }
0x7: {  	s11 =	rddreg [dreg:$0x6];
	s3 =	simm.s32 $0x0;
	v14 =	vadd.s32 $0x1C0, v1;
	v15 =	vadd.s32 $0x200, v1;
	v16 =	vadd.s32 $0x240, v1  }
0x8: {  	s4 =	srdreg.scid;
	s7 =	stileid.u32;
	s16 =	simm.s32 $0x2600;
	v21 =	vadd.s32 $0x9, v4;
	v22 =	vadd.s32 $0x280, v1;
	v23 =	vadd.s32 $0x2C0, v1  }
0x9: {  	s18 =	simm.s32 $0x3F00;
	s19 =	simm.s32 $0x1;
	s20 =	simm.s32 $0x50;
	v24 =	vadd.s32 $0x300, v1;
	v25 =	vadd.s32 $0x340, v1;
	v26 =	vadd.s32 $0x380, v1  }
0xa: {  	s28 =	simm.s32 $0x140;
	s29 =	simm.s32 $0xE800;
	s30 =	simm.s32 $0x7F00;
	v27 =	vadd.s32 $0xA, v4;
	v28 =	vadd.s32 $0xB, v4;
	v29 =	vadd.s32 $0xC, v4  }
0xb: {  	s5 =	sand.u32 $0x1, s4;
	s26 =	sshll.u32 s7, $0x1;
	s4 =	sadd.s32 $0x24C200, s6;
	v30 =	vadd.s32 $0xD, v4;
	v31 =	vadd.s32 $0xE, v4;
	[tilespmem:$0x1FF80] =	vst v7;
	v7 =	vadd.s32 $0x2, v4  }
0xc: {  	s7 =	sor.u32 s5, s26;
	s8 =	ssub.s32 $0x2, s5;
	s5 =	sadd.s32 $0x188C00, s6;
	v32 =	vadd.s32 $0x3C0, v1;
	v33 =	vadd.s32 $0x400, v1;
	[tilespmem:$0x1FF90] =	vst v7;
	v7 =	vadd.s32 $0x3, v4  }
0xd: {  	[smem:$0x7FF] =	sst s3;
	s6 =	sadd.s32 $0x2200, s6;
	s12 =	smul.u32 $0x190, s7;
	v34 =	vadd.s32 $0x440, v1;
	v35 =	vadd.s32 $0x480, v1;
	[tilespmem:$0x1FFA0] =	vst v7;
	v7 =	vadd.s32 $0x4, v4  }
.Ltmp0:
0xe: {  	s31 =	simm.s32 $0x0;
	v36 =	vadd.s32 $0x4C0, v1;
	v37 =	vadd.s32 $0xF, v4;
	_ =	strace $0x80000047;
	[tilespmem:$0x1FFB0] =	vst v7;
	v7 =	vadd.s32 $0x5, v4;
	(pc) =	sbr.rel .LBB2_1-.Ltmp0, $4  }
0xf: {  	s13 =	sshrl.u32 s8, $0x1;
	s14 =	smul.u32 $0x320, s7;
	s15 =	sshll.u32 s7, $0x4;
	v38 =	vadd.s32 $0x10, v4;
	v39 =	vadd.s32 $0x11, v4;
	[tilespmem:$0x1FFC0] =	vst v7;
	v7 =	vadd.s32 $0x6, v4  }
0x10: {  	v40 =	vadd.s32 $0x12, v4;
	v41 =	vadd.s32 $0x13, v4;
	s13 =	ssub.s32 s8, s13;
	s9 =	sadd.s32 s9, s15;
	s15 =	simm.s32 $0x2580;
	[tilespmem:$0x1FFD0] =	vst v7;
	v7 =	vadd.s32 $0x7, v4  }
0x11: {  	v42 =	vadd.s32 $0x500, v1;
	v43 =	vadd.s32 $0x540, v1;
	s7 =	sadd.s32 s0, s12;
	s8 =	sadd.s32 s2, s14;
	s10 =	sadd.s32 s10, s14;
	[tilespmem:$0x1FFE0] =	vst v7;
	v7 =	vadd.s32 $0x8, v4  }
0x12: {  	v44 =	vadd.s32 $0x580, v1;
	v45 =	vadd.s32 $0x5C0, v1;
	v46 =	vadd.s32 $0x600, v1;
	s11 =	sadd.s32 s11, s14;
	s12 =	smax.u32 s13, $0x1;
	s13 =	simm.s32 $0x3;
	[tilespmem:$0x1FFF0] =	vst v7  }
.LBB2_22:
0x13: {  	s31 =	sadd.s32 $0x1, s31  }
0x14: {  	p0 =	sne.s32 s31, s12  }
.Ltmp1:
0x15: {  	_ = 	snop;
	(pc) =	sbr.rel @!p0 .LBB2_23-.Ltmp1, $4  }
0x16: {  	[hbm4b:s11+s3] =	stream.linear.scatter [tilespmem:s30], [sflag:$0x3], $0x1900, $0x38;
	[tilespmem:$0x16320] =	vst v63  }
0x17: {  	_ =	swait.ge [sflag:s13], $0x1900  }
0x18: {  	[sflag:s13] =	ssyncset.done $0x0  }
0x19: {  	[sflag:s13] =	ssyncadd.s32 $0xFFFFE700  }
.LBB2_1:
0x1a: {  	[tilespmem:s3], [sflag:$0x3] =	stream.linear.gather [hbm4b:s7+s3], $0xC80, $0x38;
	[tilespmem:$0x16320] =	vst v63  }
0x1b: {  	_ =	swait.ge [sflag:s13], $0xC80  }
0x1c: {  	[sflag:s13] =	ssyncset.done $0x0  }
0x1d: {  	s0 =	simm.s32 $0xC80;
	[sflag:s13] =	ssyncadd.s32 $0xFFFFF380  }
0x1e: {  	[tilespmem:s0], [sflag:$0x3] =	stream.linear.gather [hbm4b:s8+s3], $0x1900, $0x38;
	[tilespmem:$0x16320] =	vst v63  }
0x1f: {  	_ =	swait.ge [sflag:s13], $0x1900  }
0x20: {  	[sflag:s13] =	ssyncset.done $0x0  }
0x21: {  	[sflag:s13] =	ssyncadd.s32 $0xFFFFE700  }
0x22: {  	[tilespmem:s15], [sflag:$0x3] =	stream.linear.gather [hbm4b:s9+s3], $0x80, $0x38;
	[tilespmem:$0x16320] =	vst v63  }
0x23: {  	_ =	swait.ge [sflag:s13], $0x80  }
0x24: {  	[sflag:s13] =	ssyncset.done $0x0  }
0x25: {  	[sflag:s13] =	ssyncadd.s32 $0xFFFFFF80  }
0x26: {  	[tilespmem:s16], [sflag:$0x3] =	stream.linear.gather [hbm4b:s10+s3], $0x1900, $0x38;
	[tilespmem:$0x16320] =	vst v63  }
0x27: {  	_ =	swait.ge [sflag:s13], $0x1900  }
0x28: {  	[sflag:s13] =	ssyncset.done $0x0  }
0x29: {  	s21 =	simm.s32 $0x80;
	[sflag:s13] =	ssyncadd.s32 $0xFFFFE700  }
0x2a: {  	[tilespmem:s18], [sflag:$0x1] =	stream.indirect.gather [hbm4b:s6+s21], $0x40, s15, s21, $0xb8;
	[tilespmem:$0x16320] =	vst v63  }
0x2b: {  	_ =	swait.ge [sflag:s19], $0x2000  }
0x2c: {  	[sflag:s19] =	ssyncset.done $0x0  }
0x2d: {  	s22 =	simm.s32 $0x9800;
	[sflag:s19] =	ssyncadd.s32 $0xFFFFE000  }
0x2e: {  	[tilespmem:s22], [sflag:$0x1] =	stream.indirect.gather [hbm4b:s4+s20], $0x40, s3, s20, $0xb8;
	[tilespmem:$0x16320] =	vst v63  }
0x2f: {  	s23 =	simm.s32 $0xAC00  }
0x30: {  	[tilespmem:s23], [sflag:$0x1] =	stream.indirect.gather [hbm4b:s4+s20], $0x40, s20, s20, $0xb8;
	[tilespmem:$0x16320] =	vst v63  }
0x31: {  	s24 =	simm.s32 $0xA0;
	s2 =	simm.s32 $0xC000  }
0x32: {  	[tilespmem:s2], [sflag:$0x1] =	stream.indirect.gather [hbm4b:s4+s20], $0x40, s24, s20, $0xb8;
	[tilespmem:$0x16320] =	vst v63  }
.Ltmp2:
0x33: {  	_ = 	snop;
	(pc) =	sbr.rel .LBB2_2-.Ltmp2, $4  }
0x34: {  	s25 =	simm.s32 $0xF0;
	s26 =	simm.s32 $0xD400  }
0x35: {  	[tilespmem:s26], [sflag:$0x1] =	stream.indirect.gather [hbm4b:s4+s20], $0x40, s25, s20, $0xb8;
	[tilespmem:$0x16320] =	vst v63  }
0x36: {  	s0 =	simm.s32 $0x5F00;
	s21 =	simm.s32 $0x0;
	s2 =	simm.s32 $0xFFFFFFF8  }
0x37: {  	[tilespmem:s29], [sflag:$0x1] =	stream.indirect.gather [hbm4b:s4+s20], $0x40, s28, s20, $0xb8;
	[tilespmem:$0x16320] =	vst v63  }
.LBB2_21:
0x38: {  	p0 =	sne.s32 s14, $0x18  }
.Ltmp3:
0x39: {  	_ = 	snop;
	(pc) =	sbr.rel @!p0 .LBB2_22-.Ltmp3, $2  }
0x3a: {  	_ =	sdelay $0x2  }
0x3b: {  	s0 =	sadd.s32 $0x10, s0;
	s2 =	sadd.s32 $0x1, s2;
	s21 =	smov.u32 s14  }
.LBB2_2:
0x3c: {  	p0 =	seq.s32 s21, $0x17  }
.Ltmp4:
0x3d: {  	_ = 	snop;
	(pc) =	sbr.rel @!p0 .LBB2_3-.Ltmp4, $2  }
0x3e: {  	_ =	sdelay $0x2  }
0x3f: {  	s14 =	sadd.s32 $0x1, s21;
	s22 =	simm.s32 $0x1  }
.LBB2_10:
0x40: {  	s17 =	simm.s32 $0x0  }
0x41: {  	s23 =	sadd.s32 $0x1, s22;
	v7 =	vadd.s32 s17, v0  }
0x42: {  	s17 =	sand.u32 $0x30, s17;
	_ =	swait.ge [sflag:s23], $0x6400;
	v7 =	vand.u32 $0xF, v7  }
0x43: {  	[sflag:s23] =	ssyncset.done $0x0;
	v7 =	vor.u32 s17, v7  }
0x44: {  	s26 =	sshll.u32 s2, $0x5;
	s24 =	smul.u32 $0x19000, s22;
	[sflag:s23] =	ssyncadd.s32 $0xFFFF9C00;
	v8 =	vor.u32 v6, v7  }
0x45: {  	s25 =	simm.s32 $0x1;
	s17 =	sshra.s32 s26, $0x2;
	_ =	swait.ge [sflag:s23], $0x190;
	v47 =	vor.u32 v1, v7  }
0x46: {  	v49 =	vadd.s32 s25, v0;
	s25 =	sand.u32 $0x30, s25;
	s26 =	sand.u32 $0xFFFFFFF0, s17;
	v48 =	vor.u32 v2, v7;
	[sflag:s23] =	ssyncset.done $0x0  }
0x47: {  	s24 =	sshrl.u32 s24, $0x2;
	v49 =	vand.u32 $0xF, v49;
	v50 =	vor.u32 v3, v7;
	[sflag:s23] =	ssyncadd.s32 $0xFFFFFE70;
	s23 =	sadd.s32 $0x5F00, s26  }
0x48: {  	v51 =	vor.u32 s25, v49;
	s17 =	sadd.s32 $0x9800, s24;
	v7 =	vor.u32 v5, v7;
	v53 =	vld [tilespmem:s23+$0x0]  }
0x49: {  	v49 =	vor.u32 v6, v51;
	v8 =	vld.idx.msk [tilespmem:v8+s17+$0x0], $0xffff  }
0x4a: {  	v47 =	vld.idx.msk [tilespmem:v47+s17+$0x0], $0xffff  }
0x4b: {  	s25 =	simm.s32 $0x2;
	v52 =	vld.idx.msk [tilespmem:v48+s17+$0x0], $0xffff  }
0x4c: {  	v54 =	vor.u32 v1, v51;
	v63 =	vadd.s32 s25, v0;
	v55 =	vld.idx.msk [tilespmem:v50+s17+$0x0], $0xffff  }
0x4d: {  	v56 =	vor.u32 v2, v51;
	s26 =	sand.u32 $0x30, s25;
	v7 =	vld.idx.msk [tilespmem:v7+s17+$0x0], $0xffff;
	v48 =	vand.u32 $0xF, v63  }
0x4e: {  	v57 =	vor.u32 v3, v51;
	v51 =	vor.u32 v5, v51;
	s24 =	sadd.s32 $0x80, s23;
	v9 =	vld.idx.msk [tilespmem:v49+s17+$0x0], $0xffff;
	v58 =	vor.u32 s26, v48  }
0x4f: {  	v49 =	vimm.f32 $0.0e+00;
	v50 =	vld [tilespmem:s24+$0x0];
	v60 =	vor.u32 v2, v58  }
0x50: {  	v63 =	vor.u32 v6, v58;
	v59 =	vor.u32 v3, v58;
	v8 =	vmul.f32 v8, v53  }
0x51: {  	v62 =	vld.idx.msk [tilespmem:v54+s17+$0x0], $0xffff;
	v61 =	vmul.f32 v47, v53;
	v47 =	vor.u32 v1, v58;
	v58 =	vor.u32 v5, v58  }
0x52: {  	v56 =	vld.idx.msk [tilespmem:v56+s17+$0x0], $0xffff;
	s26 =	simm.s32 $0x3;
	v11 =	vmul.f32 v55, v53;
	v48 =	vadd.f32 v8, v49;
	v8 =	vmul.f32 v52, v53  }
0x53: {  	s21 =	sadd.s32 $0xFFFFFFF8, s21;
	v51 =	vld.idx.msk [tilespmem:v51+s17+$0x0], $0xffff;
	v55 =	vmul.f32 v7, v53;
	v7 =	vadd.s32 s26, v0;
	v61 =	vadd.f32 v61, v49  }
0x54: {  	s21 =	sshrl.u32 s21, $0x1;
	s25 =	simm.s32 $0x4;
	v52 =	vld.idx.msk [tilespmem:v57+s17+$0x0], $0xffff;
	v53 =	vmul.f32 v9, v50;
	v54 =	vadd.f32 v11, v49;
	v57 =	vadd.f32 v8, v49  }
.LBB2_11:
0x55: {  	p0 =	sne.s32 s25, $0x3F;
	s26 =	sand.u32 $0x30, s26;
	v7 =	vand.u32 $0xF, v7;
	v8 =	vld.idx.msk [tilespmem:v63+s17+$0x0], $0xffff;
	s24 =	sadd.s32 $0x80, s24;
	v49 =	vadd.f32 v55, v49  }
0x56: {  	v55 =	vmul.f32 v62, v50;
	v7 =	vor.u32 s26, v7;
	v9 =	vld [tilespmem:s24+$0x0];
	v48 =	vadd.f32 v53, v48;
	s26 =	smov.u32 s25  }
.Ltmp5:
0x57: {  	v53 =	vor.u32 v2, v7;
	v63 =	vor.u32 v6, v7;
	v62 =	vld.idx.msk [tilespmem:v47+s17+$0x0], $0xffff;
	v47 =	vor.u32 v1, v7;
	(pc) =	sbr.rel @p0 .LBB2_11-.Ltmp5, $4  }
0x58: {  	v11 =	vmul.f32 v56, v50;
	v10 =	vor.u32 v3, v7;
	v7 =	vor.u32 v5, v7;
	v56 =	vld.idx.msk [tilespmem:v60+s17+$0x0], $0xffff  }
0x59: {  	v61 =	vadd.f32 v55, v61;
	v17 =	vmul.f32 v52, v50;
	v55 =	vmul.f32 v51, v50;
	v52 =	vld.idx.msk [tilespmem:v59+s17+$0x0], $0xffff  }
0x5a: {  	v57 =	vadd.f32 v11, v57;
	v60 =	vmovc v53;
	v59 =	vmov v10;
	v51 =	vld.idx.msk [tilespmem:v58+s17+$0x0], $0xffff;
	v58 =	vmov v7  }
0x5b: {  	s25 =	sadd.s32 $0x1, s25;
	v54 =	vadd.f32 v17, v54;
	v7 =	vadd.s32 s26, v0;
	v53 =	vmul.f32 v8, v9;
	v50 =	vmovc v9  }
0x5c: {  	s25 =	sand.u32 $0x30, s26;
	v7 =	vand.u32 $0xF, v7  }
0x5d: {  	v7 =	vor.u32 s25, v7  }
0x5e: {  	v17 =	vld [tilespmem:$0x1FF70];
	v8 =	vor.u32 v1, v7;
	_ =	sdelay $0x1  }
0x5f: {  	s24 =	sadd.s32 $0x80, s24;
	v10 =	vld.idx.msk [tilespmem:v47+s17+$0x0], $0xffff  }
0x60: {  	s26 =	smul.u32 $0x320, s21;
	v9 =	vld [tilespmem:s24+$0x0];
	s24 =	sadd.s32 $0x80, s24  }
0x61: {  	s21 =	smul.u32 $0x19, s22;
	v11 =	vld [tilespmem:s24+$0x0]  }
0x62: {  	s24 =	smul.u32 $0x640, s22;
	v47 =	vadd.s32 s26, v17;
	v8 =	vld.idx.msk [tilespmem:v8+s17+$0x0], $0xffff  }
0x63: {  	v17 =	vmul.f32 v62, v50;
	v62 =	vadd.s32 s21, v47  }
0x64: {  	s22 =	sshrl.u32 s24, $0x2  }
0x65: {  	v63 =	vld.idx.msk [tilespmem:v63+s17+$0x0], $0xffff;
	v19 =	vor.u32 v2, v7;
	s22 =	sor.u32 $0x16000, s22;
	v10 =	vmul.f32 v10, v9;
	v17 =	vadd.f32 v17, v61  }
0x66: {  	v18 =	vld.idx.msk [tilespmem:v4+s22+$0x0], $0xffff  }
0x67: {  	v60 =	vld.idx.msk [tilespmem:v60+s17+$0x0], $0xffff;
	v10 =	vadd.f32 v10, v17;
	v17 =	vor.u32 v3, v7;
	v8 =	vmul.f32 v8, v11  }
0x68: {  	v61 =	vor.u32 v6, v7;
	v7 =	vor.u32 v5, v7;
	v20 =	vld.idx.msk [tilespmem:v62+s16+$0x0], $0xffff  }
0x69: {  	v58 =	vld.idx.msk [tilespmem:v58+s17+$0x0], $0xffff;
	v8 =	vadd.f32 v8, v10  }
0x6a: {  	v19 =	vld.idx.msk [tilespmem:v19+s17+$0x0], $0xffff  }
0x6b: {  	v10 =	vld.idx.msk [tilespmem:v59+s17+$0x0], $0xffff;
	v8 =	vadd.f32 v18, v8  }
0x6c: {  	v17 =	vld.idx.msk [tilespmem:v17+s17+$0x0], $0xffff  }
0x6d: {  	v7 =	vld.idx.msk [tilespmem:v7+s17+$0x0], $0xffff;
	v8 =	vadd.f32 v20, v8  }
0x6e: {  	v18 =	vld.idx.msk [tilespmem:v61+s17+$0x0], $0xffff  }
0x6f: {  	[tilespmem:v62+s30+$0x0] =	vst.idx.msk $0xffff, v8;
	v62 =	vmul.f32 v60, v9;
	v60 =	vld [tilespmem:$0x1FF80];
	_ =	sdelay $0x3  }
0x70: {  	s25 =	sadd.s32 $0x1, s21  }
0x71: {  	v56 =	vmul.f32 v56, v50;
	v20 =	vadd.s32 s25, v47;
	_ =	sdelay $0x1  }
0x72: {  	v8 =	vadd.f32 v56, v57  }
0x73: {  	v57 =	vld.idx.msk [tilespmem:v60+s22+$0x0], $0xffff  }
0x74: {  	v19 =	vmul.f32 v19, v11;
	v8 =	vadd.f32 v62, v8  }
0x75: {  	v61 =	vld.idx.msk [tilespmem:v20+s16+$0x0], $0xffff  }
0x76: {  	v8 =	vadd.f32 v19, v8;
	_ =	sdelay $0x1  }
0x77: {  	v8 =	vadd.f32 v57, v8;
	_ =	sdelay $0x1  }
0x78: {  	v8 =	vadd.f32 v61, v8;
	_ =	sdelay $0x1  }
0x79: {  	[tilespmem:v20+s30+$0x0] =	vst.idx.msk $0xffff, v8;
	v8 =	vld [tilespmem:$0x1FF90];
	_ =	sdelay $0x3  }
0x7a: {  	s26 =	sadd.s32 $0x2, s21  }
0x7b: {  	v62 =	vadd.s32 s26, v47;
	v19 =	vmul.f32 v52, v50;
	_ =	sdelay $0x1  }
0x7c: {  	v10 =	vmul.f32 v10, v9;
	v19 =	vadd.f32 v19, v54  }
0x7d: {  	v8 =	vld.idx.msk [tilespmem:v8+s22+$0x0], $0xffff  }
0x7e: {  	v17 =	vmul.f32 v17, v11;
	v10 =	vadd.f32 v10, v19  }
0x7f: {  	v19 =	vld.idx.msk [tilespmem:v62+s16+$0x0], $0xffff  }
0x80: {  	v10 =	vadd.f32 v17, v10;
	_ =	sdelay $0x1  }
0x81: {  	v8 =	vadd.f32 v8, v10;
	_ =	sdelay $0x1  }
0x82: {  	v8 =	vadd.f32 v19, v8;
	_ =	sdelay $0x1  }
0x83: {  	[tilespmem:v62+s30+$0x0] =	vst.idx.msk $0xffff, v8;
	v8 =	vld [tilespmem:$0x1FFA0];
	_ =	sdelay $0x3  }
0x84: {  	s25 =	sadd.s32 $0x3, s21  }
0x85: {  	v17 =	vmul.f32 v51, v50;
	v10 =	vadd.f32 v55, v49;
	v19 =	vadd.s32 s25, v47;
	_ =	sdelay $0x1  }
0x86: {  	v10 =	vadd.f32 v17, v10;
	v17 =	vmul.f32 v58, v9  }
0x87: {  	v8 =	vld.idx.msk [tilespmem:v8+s22+$0x0], $0xffff  }
0x88: {  	v7 =	vmul.f32 v7, v11;
	v10 =	vadd.f32 v17, v10  }
0x89: {  	v17 =	vld.idx.msk [tilespmem:v19+s16+$0x0], $0xffff  }
0x8a: {  	v7 =	vadd.f32 v7, v10;
	_ =	sdelay $0x1  }
0x8b: {  	v7 =	vadd.f32 v8, v7;
	_ =	sdelay $0x1  }
0x8c: {  	v7 =	vadd.f32 v17, v7;
	_ =	sdelay $0x1  }
0x8d: {  	[tilespmem:v19+s30+$0x0] =	vst.idx.msk $0xffff, v7;
	v7 =	vld [tilespmem:$0x1FFB0];
	_ =	sdelay $0x3  }
0x8e: {  	s26 =	sadd.s32 $0x4, s21  }
0x8f: {  	v8 =	vadd.s32 s26, v47;
	_ =	sdelay $0x1  }
0x90: {  	v9 =	vmul.f32 v63, v9;
	v10 =	vadd.f32 v53, v48  }
0x91: {  	v7 =	vld.idx.msk [tilespmem:v7+s22+$0x0], $0xffff  }
0x92: {  	s25 =	simm.s32 $0x0;
	v9 =	vadd.f32 v9, v10;
	v10 =	vmul.f32 v18, v11  }
0x93: {  	v17 =	vadd.s32 s25, v0;
	v11 =	vld.idx.msk [tilespmem:v8+s16+$0x0], $0xffff  }
0x94: {  	s24 =	sand.u32 $0x30, s25;
	v9 =	vadd.f32 v10, v9;
	v10 =	vand.u32 $0xF, v17  }
0x95: {  	v10 =	vor.u32 s24, v10  }
0x96: {  	v7 =	vadd.f32 v7, v9;
	v9 =	vor.u32 v16, v10;
	_ =	sdelay $0x1  }
0x97: {  	v17 =	vor.u32 v13, v10;
	v7 =	vadd.f32 v11, v7  }
0x98: {  	s26 =	simm.s32 $0x1;
	v11 =	vor.u32 v12, v10  }
0x99: {  	v18 =	vadd.s32 s26, v0;
	[tilespmem:v8+s30+$0x0] =	vst.idx.msk $0xffff, v7  }
0x9a: {  	s24 =	sand.u32 $0x30, s26;
	v7 =	vor.u32 v14, v10;
	v8 =	vand.u32 $0xF, v18;
	v9 =	vld.idx.msk [tilespmem:v9+s17+$0x0], $0xffff  }
0x9b: {  	v10 =	vor.u32 v15, v10;
	v8 =	vor.u32 s24, v8;
	v18 =	vld [tilespmem:s23+$0x0]  }
0x9c: {  	v17 =	vld.idx.msk [tilespmem:v17+s17+$0x0], $0xffff;
	v19 =	vor.u32 v16, v8  }
0x9d: {  	s24 =	sadd.s32 $0x80, s23;
	v11 =	vld.idx.msk [tilespmem:v11+s17+$0x0], $0xffff  }
0x9e: {  	s25 =	simm.s32 $0x2;
	v20 =	vor.u32 v12, v8;
	v50 =	vld [tilespmem:s24+$0x0]  }
0x9f: {  	v52 =	vor.u32 v13, v8;
	v51 =	vld.idx.msk [tilespmem:v7+s17+$0x0], $0xffff;
	v7 =	vadd.s32 s25, v0  }
0xa0: {  	s26 =	sand.u32 $0x30, s25;
	v53 =	vor.u32 v14, v8;
	v10 =	vld.idx.msk [tilespmem:v10+s17+$0x0], $0xffff;
	v9 =	vmul.f32 v9, v18;
	v7 =	vand.u32 $0xF, v7  }
0xa1: {  	v49 =	vimm.f32 $0.0e+00;
	v8 =	vor.u32 v15, v8;
	v19 =	vld.idx.msk [tilespmem:v19+s17+$0x0], $0xffff;
	v54 =	vor.u32 s26, v7  }
0xa2: {  	v11 =	vmul.f32 v11, v18;
	v48 =	vadd.f32 v9, v49;
	v7 =	vor.u32 v16, v54  }
0xa3: {  	v63 =	vld.idx.msk [tilespmem:v20+s17+$0x0], $0xffff;
	v61 =	vor.u32 v12, v54;
	v60 =	vor.u32 v13, v54;
	v9 =	vmul.f32 v17, v18  }
0xa4: {  	v57 =	vld.idx.msk [tilespmem:v52+s17+$0x0], $0xffff;
	v59 =	vor.u32 v14, v54;
	v58 =	vor.u32 v15, v54;
	v17 =	vmul.f32 v51, v18  }
0xa5: {  	s26 =	simm.s32 $0x3;
	v52 =	vld.idx.msk [tilespmem:v53+s17+$0x0], $0xffff;
	v62 =	vadd.f32 v11, v49;
	v55 =	vmul.f32 v10, v18;
	v56 =	vadd.f32 v9, v49  }
0xa6: {  	s25 =	simm.s32 $0x4;
	v51 =	vld.idx.msk [tilespmem:v8+s17+$0x0], $0xffff;
	v8 =	vadd.s32 s26, v0;
	v53 =	vmul.f32 v19, v50;
	v54 =	vadd.f32 v17, v49  }
.LBB2_13:
0xa7: {  	p0 =	sne.s32 s25, $0x3F;
	s26 =	sand.u32 $0x30, s26;
	v8 =	vand.u32 $0xF, v8;
	v9 =	vld.idx.msk [tilespmem:v7+s17+$0x0], $0xffff;
	s24 =	sadd.s32 $0x80, s24;
	v49 =	vadd.f32 v55, v49  }
0xa8: {  	v11 =	vmul.f32 v63, v50;
	v8 =	vor.u32 s26, v8;
	v10 =	vld [tilespmem:s24+$0x0];
	v48 =	vadd.f32 v53, v48;
	s26 =	smov.u32 s25  }
.Ltmp6:
0xa9: {  	v17 =	vor.u32 v13, v8;
	v7 =	vor.u32 v16, v8;
	v63 =	vld.idx.msk [tilespmem:v61+s17+$0x0], $0xffff;
	v61 =	vor.u32 v12, v8;
	(pc) =	sbr.rel @p0 .LBB2_13-.Ltmp6, $4  }
0xaa: {  	v19 =	vmul.f32 v57, v50;
	v18 =	vor.u32 v14, v8;
	v8 =	vor.u32 v15, v8;
	v57 =	vld.idx.msk [tilespmem:v60+s17+$0x0], $0xffff  }
0xab: {  	v62 =	vadd.f32 v11, v62;
	v11 =	vmul.f32 v52, v50;
	v55 =	vmul.f32 v51, v50;
	v52 =	vld.idx.msk [tilespmem:v59+s17+$0x0], $0xffff  }
0xac: {  	v56 =	vadd.f32 v19, v56;
	v60 =	vmovc v17;
	v59 =	vmov v18;
	v51 =	vld.idx.msk [tilespmem:v58+s17+$0x0], $0xffff;
	v58 =	vmov v8  }
0xad: {  	s25 =	sadd.s32 $0x1, s25;
	v54 =	vadd.f32 v11, v54;
	v8 =	vadd.s32 s26, v0;
	v53 =	vmul.f32 v9, v10;
	v50 =	vmovc v10  }
0xae: {  	_ =	sdelay $0x1  }
0xaf: {  	s25 =	sand.u32 $0x30, s26;
	v8 =	vand.u32 $0xF, v8  }
0xb0: {  	v8 =	vor.u32 s25, v8  }
0xb1: {  	v11 =	vld.idx.msk [tilespmem:v61+s17+$0x0], $0xffff;
	v9 =	vor.u32 v12, v8  }
0xb2: {  	s24 =	sadd.s32 $0x80, s24;
	v61 =	vld [tilespmem:$0x1FFC0]  }
0xb3: {  	v10 =	vld [tilespmem:s24+$0x0]  }
0xb4: {  	s24 =	sadd.s32 $0x80, s24  }
0xb5: {  	v17 =	vld [tilespmem:s24+$0x0]  }
0xb6: {  	s26 =	sadd.s32 $0x5, s21;
	v18 =	vmul.f32 v63, v50;
	v9 =	vld.idx.msk [tilespmem:v9+s17+$0x0], $0xffff  }
0xb7: {  	v19 =	vadd.s32 s26, v47  }
0xb8: {  	v18 =	vadd.f32 v18, v62;
	v11 =	vmul.f32 v11, v10  }
0xb9: {  	v7 =	vld.idx.msk [tilespmem:v7+s17+$0x0], $0xffff;
	v20 =	vor.u32 v16, v8  }
0xba: {  	v61 =	vld.idx.msk [tilespmem:v61+s22+$0x0], $0xffff;
	v11 =	vadd.f32 v11, v18;
	v18 =	vor.u32 v14, v8  }
0xbb: {  	v60 =	vld.idx.msk [tilespmem:v60+s17+$0x0], $0xffff;
	v62 =	vor.u32 v13, v8;
	v8 =	vor.u32 v15, v8;
	v9 =	vmul.f32 v9, v17  }
0xbc: {  	v63 =	vld.idx.msk [tilespmem:v19+s16+$0x0], $0xffff  }
0xbd: {  	v58 =	vld.idx.msk [tilespmem:v58+s17+$0x0], $0xffff;
	v9 =	vadd.f32 v9, v11  }
0xbe: {  	v20 =	vld.idx.msk [tilespmem:v20+s17+$0x0], $0xffff  }
0xbf: {  	v18 =	vld.idx.msk [tilespmem:v18+s17+$0x0], $0xffff;
	v9 =	vadd.f32 v61, v9  }
0xc0: {  	v8 =	vld.idx.msk [tilespmem:v8+s17+$0x0], $0xffff  }
0xc1: {  	v11 =	vld.idx.msk [tilespmem:v59+s17+$0x0], $0xffff;
	v9 =	vadd.f32 v63, v9  }
0xc2: {  	v59 =	vld.idx.msk [tilespmem:v62+s17+$0x0], $0xffff  }
0xc3: {  	[tilespmem:v19+s30+$0x0] =	vst.idx.msk $0xffff, v9;
	v19 =	vmul.f32 v60, v10;
	v60 =	vld [tilespmem:$0x1FFD0];
	_ =	sdelay $0x3  }
0xc4: {  	s25 =	sadd.s32 $0x6, s21  }
0xc5: {  	v57 =	vmul.f32 v57, v50;
	v61 =	vadd.s32 s25, v47;
	_ =	sdelay $0x1  }
0xc6: {  	v9 =	vadd.f32 v57, v56  }
0xc7: {  	v56 =	vld.idx.msk [tilespmem:v60+s22+$0x0], $0xffff  }
0xc8: {  	v9 =	vadd.f32 v19, v9;
	v19 =	vmul.f32 v59, v17  }
0xc9: {  	v62 =	vld.idx.msk [tilespmem:v61+s16+$0x0], $0xffff  }
0xca: {  	v9 =	vadd.f32 v19, v9;
	_ =	sdelay $0x1  }
0xcb: {  	v9 =	vadd.f32 v56, v9;
	_ =	sdelay $0x1  }
0xcc: {  	v9 =	vadd.f32 v62, v9;
	_ =	sdelay $0x1  }
0xcd: {  	[tilespmem:v61+s30+$0x0] =	vst.idx.msk $0xffff, v9;
	v9 =	vld [tilespmem:$0x1FFE0];
	_ =	sdelay $0x3  }
0xce: {  	s26 =	sadd.s32 $0x7, s21  }
0xcf: {  	v63 =	vadd.s32 s26, v47;
	v19 =	vmul.f32 v52, v50;
	_ =	sdelay $0x1  }
0xd0: {  	v11 =	vmul.f32 v11, v10;
	v19 =	vadd.f32 v19, v54  }
0xd1: {  	v9 =	vld.idx.msk [tilespmem:v9+s22+$0x0], $0xffff  }
0xd2: {  	v18 =	vmul.f32 v18, v17;
	v11 =	vadd.f32 v11, v19  }
0xd3: {  	v19 =	vld.idx.msk [tilespmem:v63+s16+$0x0], $0xffff  }
0xd4: {  	v11 =	vadd.f32 v18, v11;
	_ =	sdelay $0x1  }
0xd5: {  	v9 =	vadd.f32 v9, v11;
	_ =	sdelay $0x1  }
0xd6: {  	v9 =	vadd.f32 v19, v9;
	_ =	sdelay $0x1  }
0xd7: {  	[tilespmem:v63+s30+$0x0] =	vst.idx.msk $0xffff, v9;
	v9 =	vld [tilespmem:$0x1FFF0];
	_ =	sdelay $0x3  }
0xd8: {  	s25 =	sadd.s32 $0x8, s21  }
0xd9: {  	v18 =	vmul.f32 v51, v50;
	v11 =	vadd.f32 v55, v49;
	v19 =	vadd.s32 s25, v47;
	_ =	sdelay $0x1  }
0xda: {  	v11 =	vadd.f32 v18, v11;
	v18 =	vmul.f32 v58, v10  }
0xdb: {  	v9 =	vld.idx.msk [tilespmem:v9+s22+$0x0], $0xffff  }
0xdc: {  	v8 =	vmul.f32 v8, v17;
	v11 =	vadd.f32 v18, v11  }
0xdd: {  	v18 =	vld.idx.msk [tilespmem:v19+s16+$0x0], $0xffff  }
0xde: {  	v8 =	vadd.f32 v8, v11;
	_ =	sdelay $0x1  }
0xdf: {  	v8 =	vadd.f32 v9, v8  }
0xe0: {  	s26 =	sadd.s32 $0x9, s21  }
0xe1: {  	v9 =	vadd.s32 s26, v47;
	v8 =	vadd.f32 v18, v8;
	_ =	sdelay $0x1  }
0xe2: {  	v7 =	vmul.f32 v7, v10;
	v11 =	vadd.f32 v53, v48;
	[tilespmem:v19+s30+$0x0] =	vst.idx.msk $0xffff, v8  }
0xe3: {  	v8 =	vld.idx.msk [tilespmem:v21+s22+$0x0], $0xffff  }
0xe4: {  	v10 =	vmul.f32 v20, v17;
	s25 =	simm.s32 $0x0;
	v7 =	vadd.f32 v7, v11  }
0xe5: {  	v17 =	vadd.s32 s25, v0;
	v11 =	vld.idx.msk [tilespmem:v9+s16+$0x0], $0xffff  }
0xe6: {  	s24 =	sand.u32 $0x30, s25;
	v7 =	vadd.f32 v10, v7;
	v10 =	vand.u32 $0xF, v17  }
0xe7: {  	v10 =	vor.u32 s24, v10  }
0xe8: {  	v7 =	vadd.f32 v8, v7;
	v8 =	vor.u32 v26, v10;
	_ =	sdelay $0x1  }
0xe9: {  	v17 =	vor.u32 v23, v10;
	v7 =	vadd.f32 v11, v7  }
0xea: {  	s26 =	simm.s32 $0x1;
	v11 =	vor.u32 v22, v10  }
0xeb: {  	v18 =	vadd.s32 s26, v0;
	[tilespmem:v9+s30+$0x0] =	vst.idx.msk $0xffff, v7  }
0xec: {  	s24 =	sand.u32 $0x30, s26;
	v7 =	vor.u32 v24, v10;
	v9 =	vand.u32 $0xF, v18;
	v8 =	vld.idx.msk [tilespmem:v8+s17+$0x0], $0xffff  }
0xed: {  	v10 =	vor.u32 v25, v10;
	v9 =	vor.u32 s24, v9;
	v18 =	vld [tilespmem:s23+$0x0]  }
0xee: {  	v17 =	vld.idx.msk [tilespmem:v17+s17+$0x0], $0xffff;
	v19 =	vor.u32 v26, v9  }
0xef: {  	s24 =	sadd.s32 $0x80, s23;
	v11 =	vld.idx.msk [tilespmem:v11+s17+$0x0], $0xffff  }
0xf0: {  	s25 =	simm.s32 $0x2;
	v20 =	vor.u32 v22, v9;
	v50 =	vld [tilespmem:s24+$0x0]  }
0xf1: {  	v52 =	vor.u32 v23, v9;
	v51 =	vld.idx.msk [tilespmem:v7+s17+$0x0], $0xffff;
	v7 =	vadd.s32 s25, v0  }
0xf2: {  	s26 =	sand.u32 $0x30, s25;
	v53 =	vor.u32 v24, v9;
	v10 =	vld.idx.msk [tilespmem:v10+s17+$0x0], $0xffff;
	v8 =	vmul.f32 v8, v18;
	v7 =	vand.u32 $0xF, v7  }
0xf3: {  	v49 =	vimm.f32 $0.0e+00;
	v9 =	vor.u32 v25, v9;
	v19 =	vld.idx.msk [tilespmem:v19+s17+$0x0], $0xffff;
	v54 =	vor.u32 s26, v7  }
0xf4: {  	v11 =	vmul.f32 v11, v18;
	v48 =	vadd.f32 v8, v49;
	v7 =	vor.u32 v26, v54  }
0xf5: {  	v63 =	vld.idx.msk [tilespmem:v20+s17+$0x0], $0xffff;
	v61 =	vor.u32 v22, v54;
	v60 =	vor.u32 v23, v54;
	v8 =	vmul.f32 v17, v18  }
0xf6: {  	v57 =	vld.idx.msk [tilespmem:v52+s17+$0x0], $0xffff;
	v59 =	vor.u32 v24, v54;
	v58 =	vor.u32 v25, v54;
	v17 =	vmul.f32 v51, v18  }
0xf7: {  	s26 =	simm.s32 $0x3;
	v52 =	vld.idx.msk [tilespmem:v53+s17+$0x0], $0xffff;
	v62 =	vadd.f32 v11, v49;
	v55 =	vmul.f32 v10, v18;
	v56 =	vadd.f32 v8, v49  }
0xf8: {  	s25 =	simm.s32 $0x4;
	v51 =	vld.idx.msk [tilespmem:v9+s17+$0x0], $0xffff;
	v8 =	vadd.s32 s26, v0;
	v53 =	vmul.f32 v19, v50;
	v54 =	vadd.f32 v17, v49  }
.LBB2_15:
0xf9: {  	p0 =	sne.s32 s25, $0x3F;
	s26 =	sand.u32 $0x30, s26;
	v8 =	vand.u32 $0xF, v8;
	v9 =	vld.idx.msk [tilespmem:v7+s17+$0x0], $0xffff;
	s24 =	sadd.s32 $0x80, s24;
	v49 =	vadd.f32 v55, v49  }
0xfa: {  	v11 =	vmul.f32 v63, v50;
	v8 =	vor.u32 s26, v8;
	v10 =	vld [tilespmem:s24+$0x0];
	v48 =	vadd.f32 v53, v48;
	s26 =	smov.u32 s25  }
.Ltmp7:
0xfb: {  	v17 =	vor.u32 v23, v8;
	v7 =	vor.u32 v26, v8;
	v63 =	vld.idx.msk [tilespmem:v61+s17+$0x0], $0xffff;
	v61 =	vor.u32 v22, v8;
	(pc) =	sbr.rel @p0 .LBB2_15-.Ltmp7, $4  }
0xfc: {  	v19 =	vmul.f32 v57, v50;
	v18 =	vor.u32 v24, v8;
	v8 =	vor.u32 v25, v8;
	v57 =	vld.idx.msk [tilespmem:v60+s17+$0x0], $0xffff  }
0xfd: {  	v62 =	vadd.f32 v11, v62;
	v11 =	vmul.f32 v52, v50;
	v55 =	vmul.f32 v51, v50;
	v52 =	vld.idx.msk [tilespmem:v59+s17+$0x0], $0xffff  }
0xfe: {  	v56 =	vadd.f32 v19, v56;
	v60 =	vmovc v17;
	v59 =	vmov v18;
	v51 =	vld.idx.msk [tilespmem:v58+s17+$0x0], $0xffff;
	v58 =	vmov v8  }
0xff: {  	s25 =	sadd.s32 $0x1, s25;
	v54 =	vadd.f32 v11, v54;
	v8 =	vadd.s32 s26, v0;
	v53 =	vmul.f32 v9, v10;
	v50 =	vmovc v10  }
0x100: {  	s25 =	sand.u32 $0x30, s26;
	v8 =	vand.u32 $0xF, v8  }
0x101: {  	v8 =	vor.u32 s25, v8  }
0x102: {  	v9 =	vor.u32 v22, v8;
	_ =	sdelay $0x1  }
0x103: {  	s24 =	sadd.s32 $0x80, s24;
	v11 =	vld.idx.msk [tilespmem:v61+s17+$0x0], $0xffff  }
0x104: {  	v10 =	vld [tilespmem:s24+$0x0];
	s24 =	sadd.s32 $0x80, s24  }
0x105: {  	v17 =	vld [tilespmem:s24+$0x0]  }
0x106: {  	s26 =	sadd.s32 $0xA, s21;
	v9 =	vld.idx.msk [tilespmem:v9+s17+$0x0], $0xffff  }
0x107: {  	v18 =	vmul.f32 v63, v50;
	v19 =	vadd.s32 s26, v47;
	_ =	sdelay $0x1  }
0x108: {  	v18 =	vadd.f32 v18, v62;
	v11 =	vmul.f32 v11, v10  }
0x109: {  	v61 =	vld.idx.msk [tilespmem:v27+s22+$0x0], $0xffff  }
0x10a: {  	v7 =	vld.idx.msk [tilespmem:v7+s17+$0x0], $0xffff;
	v62 =	vor.u32 v23, v8;
	v11 =	vadd.f32 v11, v18;
	v9 =	vmul.f32 v9, v17  }
0x10b: {  	v20 =	vor.u32 v26, v8;
	v63 =	vld.idx.msk [tilespmem:v19+s16+$0x0], $0xffff  }
0x10c: {  	v60 =	vld.idx.msk [tilespmem:v60+s17+$0x0], $0xffff;
	v18 =	vor.u32 v24, v8;
	v9 =	vadd.f32 v9, v11  }
0x10d: {  	v58 =	vld.idx.msk [tilespmem:v58+s17+$0x0], $0xffff;
	v8 =	vor.u32 v25, v8  }
0x10e: {  	v11 =	vld.idx.msk [tilespmem:v59+s17+$0x0], $0xffff;
	v9 =	vadd.f32 v61, v9  }
0x10f: {  	s25 =	sadd.s32 $0xB, s21;
	v59 =	vld.idx.msk [tilespmem:v62+s17+$0x0], $0xffff  }
0x110: {  	v57 =	vmul.f32 v57, v50;
	v20 =	vld.idx.msk [tilespmem:v20+s17+$0x0], $0xffff;
	v61 =	vadd.s32 s25, v47;
	v9 =	vadd.f32 v63, v9  }
0x111: {  	v18 =	vld.idx.msk [tilespmem:v18+s17+$0x0], $0xffff  }
0x112: {  	v8 =	vld.idx.msk [tilespmem:v8+s17+$0x0], $0xffff;
	[tilespmem:v19+s30+$0x0] =	vst.idx.msk $0xffff, v9;
	v9 =	vadd.f32 v57, v56;
	v19 =	vmul.f32 v60, v10  }
0x113: {  	v60 =	vld.idx.msk [tilespmem:v28+s22+$0x0], $0xffff  }
0x114: {  	v9 =	vadd.f32 v19, v9;
	v19 =	vmul.f32 v59, v17  }
0x115: {  	v62 =	vld.idx.msk [tilespmem:v61+s16+$0x0], $0xffff  }
0x116: {  	v9 =	vadd.f32 v19, v9;
	_ =	sdelay $0x1  }
0x117: {  	v9 =	vadd.f32 v60, v9  }
0x118: {  	s26 =	sadd.s32 $0xC, s21  }
0x119: {  	v63 =	vadd.s32 s26, v47;
	v19 =	vmul.f32 v52, v50;
	v9 =	vadd.f32 v62, v9;
	_ =	sdelay $0x1  }
0x11a: {  	v11 =	vmul.f32 v11, v10;
	v19 =	vadd.f32 v19, v54;
	[tilespmem:v61+s30+$0x0] =	vst.idx.msk $0xffff, v9  }
0x11b: {  	v9 =	vld.idx.msk [tilespmem:v29+s22+$0x0], $0xffff  }
0x11c: {  	v18 =	vmul.f32 v18, v17;
	v11 =	vadd.f32 v11, v19  }
0x11d: {  	v19 =	vld.idx.msk [tilespmem:v63+s16+$0x0], $0xffff  }
0x11e: {  	v11 =	vadd.f32 v18, v11;
	_ =	sdelay $0x1  }
0x11f: {  	v9 =	vadd.f32 v9, v11  }
0x120: {  	s25 =	sadd.s32 $0xD, s21;
	v18 =	vmul.f32 v51, v50  }
0x121: {  	v11 =	vadd.f32 v55, v49;
	v9 =	vadd.f32 v19, v9;
	v19 =	vadd.s32 s25, v47;
	_ =	sdelay $0x1  }
0x122: {  	v11 =	vadd.f32 v18, v11;
	v18 =	vmul.f32 v58, v10;
	[tilespmem:v63+s30+$0x0] =	vst.idx.msk $0xffff, v9  }
0x123: {  	v9 =	vld.idx.msk [tilespmem:v30+s22+$0x0], $0xffff  }
0x124: {  	v8 =	vmul.f32 v8, v17;
	v11 =	vadd.f32 v18, v11  }
0x125: {  	v18 =	vld.idx.msk [tilespmem:v19+s16+$0x0], $0xffff  }
0x126: {  	v8 =	vadd.f32 v8, v11;
	_ =	sdelay $0x1  }
0x127: {  	v8 =	vadd.f32 v9, v8  }
0x128: {  	s26 =	sadd.s32 $0xE, s21  }
0x129: {  	v9 =	vadd.s32 s26, v47;
	v8 =	vadd.f32 v18, v8;
	_ =	sdelay $0x1  }
0x12a: {  	v7 =	vmul.f32 v7, v10;
	v11 =	vadd.f32 v53, v48;
	[tilespmem:v19+s30+$0x0] =	vst.idx.msk $0xffff, v8  }
0x12b: {  	v8 =	vld.idx.msk [tilespmem:v31+s22+$0x0], $0xffff  }
0x12c: {  	v10 =	vmul.f32 v20, v17;
	s25 =	simm.s32 $0x0;
	v7 =	vadd.f32 v7, v11  }
0x12d: {  	v17 =	vadd.s32 s25, v0;
	v11 =	vld.idx.msk [tilespmem:v9+s16+$0x0], $0xffff  }
0x12e: {  	s24 =	sand.u32 $0x30, s25;
	v7 =	vadd.f32 v10, v7;
	v10 =	vand.u32 $0xF, v17  }
0x12f: {  	v10 =	vor.u32 s24, v10  }
0x130: {  	v7 =	vadd.f32 v8, v7;
	v8 =	vor.u32 v36, v10;
	_ =	sdelay $0x1  }
0x131: {  	v17 =	vor.u32 v33, v10;
	v7 =	vadd.f32 v11, v7  }
0x132: {  	s26 =	simm.s32 $0x1;
	v11 =	vor.u32 v32, v10  }
0x133: {  	v18 =	vadd.s32 s26, v0;
	[tilespmem:v9+s30+$0x0] =	vst.idx.msk $0xffff, v7  }
0x134: {  	s24 =	sand.u32 $0x30, s26;
	v7 =	vor.u32 v34, v10;
	v9 =	vand.u32 $0xF, v18;
	v8 =	vld.idx.msk [tilespmem:v8+s17+$0x0], $0xffff  }
0x135: {  	v10 =	vor.u32 v35, v10;
	v9 =	vor.u32 s24, v9;
	v18 =	vld [tilespmem:s23+$0x0]  }
0x136: {  	v17 =	vld.idx.msk [tilespmem:v17+s17+$0x0], $0xffff;
	v19 =	vor.u32 v36, v9  }
0x137: {  	s24 =	sadd.s32 $0x80, s23;
	v11 =	vld.idx.msk [tilespmem:v11+s17+$0x0], $0xffff  }
0x138: {  	s25 =	simm.s32 $0x2;
	v20 =	vor.u32 v32, v9;
	v50 =	vld [tilespmem:s24+$0x0]  }
0x139: {  	v52 =	vor.u32 v33, v9;
	v51 =	vld.idx.msk [tilespmem:v7+s17+$0x0], $0xffff;
	v7 =	vadd.s32 s25, v0  }
0x13a: {  	s26 =	sand.u32 $0x30, s25;
	v53 =	vor.u32 v34, v9;
	v10 =	vld.idx.msk [tilespmem:v10+s17+$0x0], $0xffff;
	v8 =	vmul.f32 v8, v18;
	v7 =	vand.u32 $0xF, v7  }
0x13b: {  	v49 =	vimm.f32 $0.0e+00;
	v9 =	vor.u32 v35, v9;
	v19 =	vld.idx.msk [tilespmem:v19+s17+$0x0], $0xffff;
	v54 =	vor.u32 s26, v7  }
0x13c: {  	v11 =	vmul.f32 v11, v18;
	v48 =	vadd.f32 v8, v49;
	v7 =	vor.u32 v36, v54  }
0x13d: {  	v63 =	vld.idx.msk [tilespmem:v20+s17+$0x0], $0xffff;
	v61 =	vor.u32 v32, v54;
	v60 =	vor.u32 v33, v54;
	v8 =	vmul.f32 v17, v18  }
0x13e: {  	v57 =	vld.idx.msk [tilespmem:v52+s17+$0x0], $0xffff;
	v59 =	vor.u32 v34, v54;
	v58 =	vor.u32 v35, v54;
	v17 =	vmul.f32 v51, v18  }
0x13f: {  	s26 =	simm.s32 $0x3;
	v52 =	vld.idx.msk [tilespmem:v53+s17+$0x0], $0xffff;
	v62 =	vadd.f32 v11, v49;
	v55 =	vmul.f32 v10, v18;
	v56 =	vadd.f32 v8, v49  }
0x140: {  	s25 =	simm.s32 $0x4;
	v51 =	vld.idx.msk [tilespmem:v9+s17+$0x0], $0xffff;
	v8 =	vadd.s32 s26, v0;
	v53 =	vmul.f32 v19, v50;
	v54 =	vadd.f32 v17, v49  }
.LBB2_17:
0x141: {  	p0 =	sne.s32 s25, $0x3F;
	s26 =	sand.u32 $0x30, s26;
	v8 =	vand.u32 $0xF, v8;
	v9 =	vld.idx.msk [tilespmem:v7+s17+$0x0], $0xffff;
	s24 =	sadd.s32 $0x80, s24;
	v49 =	vadd.f32 v55, v49  }
0x142: {  	v11 =	vmul.f32 v63, v50;
	v8 =	vor.u32 s26, v8;
	v10 =	vld [tilespmem:s24+$0x0];
	v48 =	vadd.f32 v53, v48;
	s26 =	smov.u32 s25  }
.Ltmp8:
0x143: {  	v17 =	vor.u32 v33, v8;
	v7 =	vor.u32 v36, v8;
	v63 =	vld.idx.msk [tilespmem:v61+s17+$0x0], $0xffff;
	v61 =	vor.u32 v32, v8;
	(pc) =	sbr.rel @p0 .LBB2_17-.Ltmp8, $4  }
0x144: {  	v19 =	vmul.f32 v57, v50;
	v18 =	vor.u32 v34, v8;
	v8 =	vor.u32 v35, v8;
	v57 =	vld.idx.msk [tilespmem:v60+s17+$0x0], $0xffff  }
0x145: {  	v62 =	vadd.f32 v11, v62;
	v11 =	vmul.f32 v52, v50;
	v55 =	vmul.f32 v51, v50;
	v52 =	vld.idx.msk [tilespmem:v59+s17+$0x0], $0xffff  }
0x146: {  	v56 =	vadd.f32 v19, v56;
	v60 =	vmovc v17;
	v59 =	vmov v18;
	v51 =	vld.idx.msk [tilespmem:v58+s17+$0x0], $0xffff;
	v58 =	vmov v8  }
0x147: {  	s25 =	sadd.s32 $0x1, s25;
	v54 =	vadd.f32 v11, v54;
	v8 =	vadd.s32 s26, v0;
	v53 =	vmul.f32 v9, v10;
	v50 =	vmovc v10  }
0x148: {  	s25 =	sand.u32 $0x30, s26;
	v8 =	vand.u32 $0xF, v8  }
0x149: {  	v8 =	vor.u32 s25, v8  }
0x14a: {  	v9 =	vor.u32 v32, v8;
	_ =	sdelay $0x1  }
0x14b: {  	s24 =	sadd.s32 $0x80, s24;
	v11 =	vld.idx.msk [tilespmem:v61+s17+$0x0], $0xffff  }
0x14c: {  	v10 =	vld [tilespmem:s24+$0x0];
	s24 =	sadd.s32 $0x80, s24  }
0x14d: {  	v17 =	vld [tilespmem:s24+$0x0]  }
0x14e: {  	s25 =	sadd.s32 $0xF, s21;
	v9 =	vld.idx.msk [tilespmem:v9+s17+$0x0], $0xffff  }
0x14f: {  	v18 =	vmul.f32 v63, v50;
	v19 =	vadd.s32 s25, v47;
	_ =	sdelay $0x1  }
0x150: {  	v18 =	vadd.f32 v18, v62;
	v11 =	vmul.f32 v11, v10  }
0x151: {  	v61 =	vld.idx.msk [tilespmem:v37+s22+$0x0], $0xffff  }
0x152: {  	v7 =	vld.idx.msk [tilespmem:v7+s17+$0x0], $0xffff;
	v62 =	vor.u32 v33, v8;
	v11 =	vadd.f32 v11, v18;
	v9 =	vmul.f32 v9, v17  }
0x153: {  	v20 =	vor.u32 v36, v8;
	v63 =	vld.idx.msk [tilespmem:v19+s16+$0x0], $0xffff  }
0x154: {  	v60 =	vld.idx.msk [tilespmem:v60+s17+$0x0], $0xffff;
	v18 =	vor.u32 v34, v8;
	v9 =	vadd.f32 v9, v11  }
0x155: {  	v58 =	vld.idx.msk [tilespmem:v58+s17+$0x0], $0xffff;
	v8 =	vor.u32 v35, v8  }
0x156: {  	v11 =	vld.idx.msk [tilespmem:v59+s17+$0x0], $0xffff;
	v9 =	vadd.f32 v61, v9  }
0x157: {  	s26 =	sadd.s32 $0x10, s21;
	v59 =	vld.idx.msk [tilespmem:v62+s17+$0x0], $0xffff  }
0x158: {  	v57 =	vmul.f32 v57, v50;
	v20 =	vld.idx.msk [tilespmem:v20+s17+$0x0], $0xffff;
	v61 =	vadd.s32 s26, v47;
	v9 =	vadd.f32 v63, v9  }
0x159: {  	v18 =	vld.idx.msk [tilespmem:v18+s17+$0x0], $0xffff  }
0x15a: {  	v8 =	vld.idx.msk [tilespmem:v8+s17+$0x0], $0xffff;
	[tilespmem:v19+s30+$0x0] =	vst.idx.msk $0xffff, v9;
	v9 =	vadd.f32 v57, v56;
	v19 =	vmul.f32 v60, v10  }
0x15b: {  	v60 =	vld.idx.msk [tilespmem:v38+s22+$0x0], $0xffff  }
0x15c: {  	v9 =	vadd.f32 v19, v9;
	v19 =	vmul.f32 v59, v17  }
0x15d: {  	v62 =	vld.idx.msk [tilespmem:v61+s16+$0x0], $0xffff  }
0x15e: {  	v9 =	vadd.f32 v19, v9;
	_ =	sdelay $0x1  }
0x15f: {  	v9 =	vadd.f32 v60, v9  }
0x160: {  	s25 =	sadd.s32 $0x11, s21  }
0x161: {  	v63 =	vadd.s32 s25, v47;
	v19 =	vmul.f32 v52, v50;
	v9 =	vadd.f32 v62, v9;
	_ =	sdelay $0x1  }
0x162: {  	v11 =	vmul.f32 v11, v10;
	v19 =	vadd.f32 v19, v54;
	[tilespmem:v61+s30+$0x0] =	vst.idx.msk $0xffff, v9  }
0x163: {  	v9 =	vld.idx.msk [tilespmem:v39+s22+$0x0], $0xffff  }
0x164: {  	v18 =	vmul.f32 v18, v17;
	v11 =	vadd.f32 v11, v19  }
0x165: {  	v19 =	vld.idx.msk [tilespmem:v63+s16+$0x0], $0xffff  }
0x166: {  	v11 =	vadd.f32 v18, v11;
	_ =	sdelay $0x1  }
0x167: {  	v9 =	vadd.f32 v9, v11  }
0x168: {  	s26 =	sadd.s32 $0x12, s21;
	v18 =	vmul.f32 v51, v50  }
0x169: {  	v11 =	vadd.f32 v55, v49;
	v9 =	vadd.f32 v19, v9;
	v19 =	vadd.s32 s26, v47;
	_ =	sdelay $0x1  }
0x16a: {  	v11 =	vadd.f32 v18, v11;
	v18 =	vmul.f32 v58, v10;
	[tilespmem:v63+s30+$0x0] =	vst.idx.msk $0xffff, v9  }
0x16b: {  	v9 =	vld.idx.msk [tilespmem:v40+s22+$0x0], $0xffff  }
0x16c: {  	v8 =	vmul.f32 v8, v17;
	v11 =	vadd.f32 v18, v11  }
0x16d: {  	v18 =	vld.idx.msk [tilespmem:v19+s16+$0x0], $0xffff  }
0x16e: {  	v8 =	vadd.f32 v8, v11;
	_ =	sdelay $0x1  }
0x16f: {  	v8 =	vadd.f32 v9, v8  }
0x170: {  	s25 =	sadd.s32 $0x13, s21  }
0x171: {  	v9 =	vadd.s32 s25, v47;
	v8 =	vadd.f32 v18, v8;
	_ =	sdelay $0x1  }
0x172: {  	v7 =	vmul.f32 v7, v10;
	v11 =	vadd.f32 v53, v48;
	[tilespmem:v19+s30+$0x0] =	vst.idx.msk $0xffff, v8  }
0x173: {  	v8 =	vld.idx.msk [tilespmem:v41+s22+$0x0], $0xffff  }
0x174: {  	v10 =	vmul.f32 v20, v17;
	s26 =	simm.s32 $0x0;
	v7 =	vadd.f32 v7, v11  }
0x175: {  	v17 =	vadd.s32 s26, v0;
	v11 =	vld.idx.msk [tilespmem:v9+s16+$0x0], $0xffff  }
0x176: {  	s24 =	sand.u32 $0x30, s26;
	v7 =	vadd.f32 v10, v7;
	v10 =	vand.u32 $0xF, v17  }
0x177: {  	v10 =	vor.u32 s24, v10  }
0x178: {  	v7 =	vadd.f32 v8, v7;
	v8 =	vor.u32 v46, v10;
	_ =	sdelay $0x1  }
0x179: {  	v17 =	vor.u32 v43, v10;
	v7 =	vadd.f32 v11, v7  }
0x17a: {  	s25 =	simm.s32 $0x1;
	v11 =	vor.u32 v42, v10  }
0x17b: {  	v18 =	vadd.s32 s25, v0;
	[tilespmem:v9+s30+$0x0] =	vst.idx.msk $0xffff, v7  }
0x17c: {  	s24 =	sand.u32 $0x30, s25;
	v7 =	vor.u32 v44, v10;
	v9 =	vand.u32 $0xF, v18;
	v8 =	vld.idx.msk [tilespmem:v8+s17+$0x0], $0xffff  }
0x17d: {  	v10 =	vor.u32 v45, v10;
	v9 =	vor.u32 s24, v9;
	v18 =	vld [tilespmem:s23+$0x0]  }
0x17e: {  	v17 =	vld.idx.msk [tilespmem:v17+s17+$0x0], $0xffff;
	v19 =	vor.u32 v46, v9  }
0x17f: {  	s23 =	sadd.s32 $0x80, s23;
	v11 =	vld.idx.msk [tilespmem:v11+s17+$0x0], $0xffff  }
0x180: {  	s26 =	simm.s32 $0x2;
	v20 =	vor.u32 v42, v9;
	v50 =	vld [tilespmem:s23+$0x0]  }
0x181: {  	v52 =	vor.u32 v43, v9;
	v51 =	vld.idx.msk [tilespmem:v7+s17+$0x0], $0xffff;
	v7 =	vadd.s32 s26, v0  }
0x182: {  	s24 =	sand.u32 $0x30, s26;
	v53 =	vor.u32 v44, v9;
	v10 =	vld.idx.msk [tilespmem:v10+s17+$0x0], $0xffff;
	v8 =	vmul.f32 v8, v18;
	v7 =	vand.u32 $0xF, v7  }
0x183: {  	v49 =	vimm.f32 $0.0e+00;
	v9 =	vor.u32 v45, v9;
	v19 =	vld.idx.msk [tilespmem:v19+s17+$0x0], $0xffff;
	v54 =	vor.u32 s24, v7  }
0x184: {  	v11 =	vmul.f32 v11, v18;
	v48 =	vadd.f32 v8, v49;
	v7 =	vor.u32 v46, v54  }
0x185: {  	v63 =	vld.idx.msk [tilespmem:v20+s17+$0x0], $0xffff;
	v61 =	vor.u32 v42, v54;
	v60 =	vor.u32 v43, v54;
	v8 =	vmul.f32 v17, v18  }
0x186: {  	v57 =	vld.idx.msk [tilespmem:v52+s17+$0x0], $0xffff;
	v59 =	vor.u32 v44, v54;
	v58 =	vor.u32 v45, v54;
	v17 =	vmul.f32 v51, v18  }
0x187: {  	s25 =	simm.s32 $0x3;
	v52 =	vld.idx.msk [tilespmem:v53+s17+$0x0], $0xffff;
	v62 =	vadd.f32 v11, v49;
	v55 =	vmul.f32 v10, v18;
	v56 =	vadd.f32 v8, v49  }
0x188: {  	s24 =	simm.s32 $0x4;
	v51 =	vld.idx.msk [tilespmem:v9+s17+$0x0], $0xffff;
	v8 =	vadd.s32 s25, v0;
	v53 =	vmul.f32 v19, v50;
	v54 =	vadd.f32 v17, v49  }
.LBB2_19:
0x189: {  	p0 =	sne.s32 s24, $0x3F;
	s25 =	sand.u32 $0x30, s25;
	v8 =	vand.u32 $0xF, v8;
	v9 =	vld.idx.msk [tilespmem:v7+s17+$0x0], $0xffff;
	s23 =	sadd.s32 $0x80, s23;
	v49 =	vadd.f32 v55, v49  }
0x18a: {  	v11 =	vmul.f32 v63, v50;
	v8 =	vor.u32 s25, v8;
	v10 =	vld [tilespmem:s23+$0x0];
	v48 =	vadd.f32 v53, v48;
	s25 =	smov.u32 s24  }
.Ltmp9:
0x18b: {  	v17 =	vor.u32 v43, v8;
	v7 =	vor.u32 v46, v8;
	v63 =	vld.idx.msk [tilespmem:v61+s17+$0x0], $0xffff;
	v61 =	vor.u32 v42, v8;
	(pc) =	sbr.rel @p0 .LBB2_19-.Ltmp9, $4  }
0x18c: {  	v19 =	vmul.f32 v57, v50;
	v18 =	vor.u32 v44, v8;
	v8 =	vor.u32 v45, v8;
	v57 =	vld.idx.msk [tilespmem:v60+s17+$0x0], $0xffff  }
0x18d: {  	v62 =	vadd.f32 v11, v62;
	v11 =	vmul.f32 v52, v50;
	v55 =	vmul.f32 v51, v50;
	v52 =	vld.idx.msk [tilespmem:v59+s17+$0x0], $0xffff  }
0x18e: {  	v56 =	vadd.f32 v19, v56;
	v60 =	vmovc v17;
	v59 =	vmov v18;
	v51 =	vld.idx.msk [tilespmem:v58+s17+$0x0], $0xffff;
	v58 =	vmov v8  }
0x18f: {  	s24 =	sadd.s32 $0x1, s24;
	v54 =	vadd.f32 v11, v54;
	v8 =	vadd.s32 s25, v0;
	v53 =	vmul.f32 v9, v10;
	v50 =	vmovc v10  }
0x190: {  	s24 =	sand.u32 $0x30, s25;
	v8 =	vand.u32 $0xF, v8  }
0x191: {  	v8 =	vor.u32 s24, v8  }
0x192: {  	v9 =	vor.u32 v42, v8;
	_ =	sdelay $0x1  }
0x193: {  	s23 =	sadd.s32 $0x80, s23;
	v11 =	vld.idx.msk [tilespmem:v61+s17+$0x0], $0xffff  }
0x194: {  	v10 =	vld [tilespmem:s23+$0x0];
	s23 =	sadd.s32 $0x80, s23  }
0x195: {  	v18 =	vadd.s32 $0x14, v4;
	v17 =	vld [tilespmem:s23+$0x0]  }
0x196: {  	s25 =	sadd.s32 $0x14, s21;
	v9 =	vld.idx.msk [tilespmem:v9+s17+$0x0], $0xffff  }
0x197: {  	v19 =	vmul.f32 v63, v50;
	v20 =	vadd.s32 s25, v47;
	_ =	sdelay $0x1  }
0x198: {  	v19 =	vadd.f32 v19, v62;
	v11 =	vmul.f32 v11, v10  }
0x199: {  	v61 =	vor.u32 v46, v8;
	v18 =	vld.idx.msk [tilespmem:v18+s22+$0x0], $0xffff  }
0x19a: {  	v7 =	vld.idx.msk [tilespmem:v7+s17+$0x0], $0xffff;
	v62 =	vor.u32 v43, v8;
	v11 =	vadd.f32 v11, v19;
	v9 =	vmul.f32 v9, v17  }
0x19b: {  	v63 =	vld.idx.msk [tilespmem:v20+s16+$0x0], $0xffff  }
0x19c: {  	v60 =	vld.idx.msk [tilespmem:v60+s17+$0x0], $0xffff;
	v19 =	vor.u32 v44, v8;
	v9 =	vadd.f32 v9, v11  }
0x19d: {  	v8 =	vor.u32 v45, v8;
	v11 =	vld.idx.msk [tilespmem:v59+s17+$0x0], $0xffff  }
0x19e: {  	v59 =	vld.idx.msk [tilespmem:v61+s17+$0x0], $0xffff;
	v9 =	vadd.f32 v18, v9;
	v18 =	vadd.s32 $0x15, v4  }
0x19f: {  	s26 =	sadd.s32 $0x15, s21;
	v61 =	vld.idx.msk [tilespmem:v62+s17+$0x0], $0xffff  }
0x1a0: {  	v58 =	vld.idx.msk [tilespmem:v58+s17+$0x0], $0xffff;
	v57 =	vmul.f32 v57, v50;
	v62 =	vadd.s32 s26, v47;
	v9 =	vadd.f32 v63, v9  }
0x1a1: {  	v19 =	vld.idx.msk [tilespmem:v19+s17+$0x0], $0xffff  }
0x1a2: {  	v57 =	vadd.f32 v57, v56;
	v8 =	vld.idx.msk [tilespmem:v8+s17+$0x0], $0xffff;
	[tilespmem:v20+s30+$0x0] =	vst.idx.msk $0xffff, v9;
	v20 =	vmul.f32 v60, v10  }
0x1a3: {  	v18 =	vld.idx.msk [tilespmem:v18+s22+$0x0], $0xffff  }
0x1a4: {  	v9 =	vadd.f32 v20, v57;
	v20 =	vmul.f32 v61, v17  }
0x1a5: {  	v63 =	vld.idx.msk [tilespmem:v62+s16+$0x0], $0xffff  }
0x1a6: {  	v9 =	vadd.f32 v20, v9;
	_ =	sdelay $0x1  }
0x1a7: {  	v9 =	vadd.f32 v18, v9;
	v18 =	vadd.s32 $0x16, v4  }
0x1a8: {  	s24 =	sadd.s32 $0x16, s21  }
0x1a9: {  	v56 =	vadd.s32 s24, v47;
	v20 =	vmul.f32 v52, v50;
	v9 =	vadd.f32 v63, v9;
	_ =	sdelay $0x1  }
0x1aa: {  	v11 =	vmul.f32 v11, v10;
	v20 =	vadd.f32 v20, v54;
	[tilespmem:v62+s30+$0x0] =	vst.idx.msk $0xffff, v9  }
0x1ab: {  	v9 =	vld.idx.msk [tilespmem:v18+s22+$0x0], $0xffff  }
0x1ac: {  	v11 =	vadd.f32 v11, v20;
	v18 =	vmul.f32 v19, v17  }
0x1ad: {  	v19 =	vld.idx.msk [tilespmem:v56+s16+$0x0], $0xffff  }
0x1ae: {  	v11 =	vadd.f32 v18, v11;
	_ =	sdelay $0x1  }
0x1af: {  	v57 =	vadd.s32 $0x17, v4;
	v9 =	vadd.f32 v9, v11  }
0x1b0: {  	s25 =	sadd.s32 $0x17, s21;
	v20 =	vmul.f32 v51, v50  }
0x1b1: {  	v18 =	vadd.f32 v55, v49;
	v9 =	vadd.f32 v19, v9;
	v19 =	vadd.s32 s25, v47;
	_ =	sdelay $0x1  }
0x1b2: {  	v18 =	vadd.f32 v20, v18;
	v20 =	vmul.f32 v58, v10;
	[tilespmem:v56+s30+$0x0] =	vst.idx.msk $0xffff, v9  }
0x1b3: {  	v9 =	vld.idx.msk [tilespmem:v57+s22+$0x0], $0xffff  }
0x1b4: {  	v8 =	vmul.f32 v8, v17;
	v58 =	vadd.f32 v20, v18  }
0x1b5: {  	v18 =	vld.idx.msk [tilespmem:v19+s16+$0x0], $0xffff  }
0x1b6: {  	v8 =	vadd.f32 v8, v58;
	_ =	sdelay $0x1  }
0x1b7: {  	v60 =	vadd.s32 $0x18, v4;
	v8 =	vadd.f32 v9, v8  }
0x1b8: {  	s26 =	sadd.s32 $0x18, s21  }
0x1b9: {  	v61 =	vadd.s32 s26, v47;
	v8 =	vadd.f32 v18, v8;
	_ =	sdelay $0x1  }
0x1ba: {  	v7 =	vmul.f32 v7, v10;
	v18 =	vadd.f32 v53, v48;
	[tilespmem:v19+s30+$0x0] =	vst.idx.msk $0xffff, v8  }
0x1bb: {  	v8 =	vld.idx.msk [tilespmem:v60+s22+$0x0], $0xffff  }
0x1bc: {  	v62 =	vmul.f32 v59, v17;
	v7 =	vadd.f32 v7, v18  }
0x1bd: {  	v63 =	vld.idx.msk [tilespmem:v61+s16+$0x0], $0xffff  }
0x1be: {  	v7 =	vadd.f32 v62, v7;
	_ =	sdelay $0x1  }
.Ltmp10:
0x1bf: {  	v7 =	vadd.f32 v8, v7;
	(pc) =	sbr.rel .LBB2_21-.Ltmp10, $3  }
0x1c0: {  	_ = 	snop  }
0x1c1: {  	v7 =	vadd.f32 v63, v7;
	_ =	sdelay $0x1  }
0x1c2: {  	[tilespmem:v61+s30+$0x0] =	vst.idx.msk $0xffff, v7  }
.LBB2_3:
0x1c3: {  	p0 =	sgt.u32 s21, $0x6  }
.Ltmp11:
0x1c4: {  	s22 =	sand.u32 $0x1, s14;
	(pc) =	sbr.rel @p0 .LBB2_8-.Ltmp11, $3  }
0x1c5: {  	s17 =	smul.u32 $0x19000, s22;
	_ =	sdelay $0x1  }
0x1c6: {  	s17 =	sshrl.u32 s17, $0x2  }
0x1c7: {  	s23 =	sadd.s32 $0x9800, s17  }
0x1c8: {  	s24 =	smul.u32 $0x640, s14;
	_ =	sdelay $0x1  }
0x1c9: {  	s22 =	sadd.s32 $0x1, s22;
	s24 =	sshra.s32 s24, $0x2  }
0x1ca: {  	[tilespmem:s23], [sflag:s22] =	stream.indirect.gather [hbm4b:s4+s20], $0x40, s24, s20, $0xb8;
	[tilespmem:$0x16320] =	vst v63  }
0x1cb: {  	s26 =	sadd.s32 $0xAC00, s17;
	s25 =	sadd.s32 $0x50, s24  }
0x1cc: {  	[tilespmem:s26], [sflag:s22] =	stream.indirect.gather [hbm4b:s4+s20], $0x40, s25, s20, $0xb8;
	[tilespmem:$0x16320] =	vst v63  }
0x1cd: {  	s25 =	sadd.s32 $0xC000, s17;
	s26 =	sadd.s32 $0xA0, s24  }
0x1ce: {  	[tilespmem:s25], [sflag:s22] =	stream.indirect.gather [hbm4b:s4+s20], $0x40, s26, s20, $0xb8;
	[tilespmem:$0x16320] =	vst v63  }
.Ltmp12:
0x1cf: {  	_ = 	snop;
	(pc) =	sbr.rel .LBB2_5-.Ltmp12, $4  }
0x1d0: {  	s25 =	sadd.s32 $0xD400, s17;
	s26 =	sadd.s32 $0xF0, s24  }
0x1d1: {  	[tilespmem:s25], [sflag:s22] =	stream.indirect.gather [hbm4b:s4+s20], $0x40, s26, s20, $0xb8;
	[tilespmem:$0x16320] =	vst v63  }
0x1d2: {  	s25 =	sadd.s32 $0xE800, s17;
	s26 =	sadd.s32 $0x140, s24;
	s17 =	sand.u32 $0x1, s21  }
0x1d3: {  	[tilespmem:s25], [sflag:s22] =	stream.indirect.gather [hbm4b:s4+s20], $0x40, s26, s20, $0xb8;
	[tilespmem:$0x16320] =	vst v63  }
.LBB2_8:
0x1d4: {  	s24 =	smul.u32 $0x640, s21  }
0x1d5: {  	s26 =	sadd.s32 $0x1, s22;
	s22 =	smul.u32 $0x640, s22  }
0x1d6: {  	s24 =	sshra.s32 s24, $0x2  }
0x1d7: {  	s22 =	sshrl.u32 s22, $0x2;
	s25 =	sadd.s32 $0x190, s24  }
0x1d8: {  	[tilespmem:s23], [sflag:s26] =	stream.indirect.gather [hbm4b:s5+s20], $0x40, s25, s20, $0xb8;
	[tilespmem:$0x16320] =	vst v63  }
0x1d9: {  	s23 =	sor.u32 $0x16000, s22  }
0x1da: {  	[tilespmem:s23], [sflag:s26] =	stream.indirect.gather [hbm4b:s1+s20], $0x1, s25, s20, $0xb8;
	[tilespmem:$0x16320] =	vst v63  }
0x1db: {  	s23 =	sadd.s32 $0xAC00, s17;
	s25 =	sadd.s32 $0x1E0, s24  }
0x1dc: {  	[tilespmem:s23], [sflag:s26] =	stream.indirect.gather [hbm4b:s5+s20], $0x40, s25, s20, $0xb8;
	[tilespmem:$0x16320] =	vst v63  }
0x1dd: {  	s23 =	sadd.s32 $0x16050, s22  }
0x1de: {  	[tilespmem:s23], [sflag:s26] =	stream.indirect.gather [hbm4b:s1+s20], $0x1, s25, s20, $0xb8;
	[tilespmem:$0x16320] =	vst v63  }
0x1df: {  	s23 =	sadd.s32 $0xC000, s17;
	s25 =	sadd.s32 $0x230, s24  }
0x1e0: {  	[tilespmem:s23], [sflag:s26] =	stream.indirect.gather [hbm4b:s5+s20], $0x40, s25, s20, $0xb8;
	[tilespmem:$0x16320] =	vst v63  }
0x1e1: {  	s23 =	sadd.s32 $0x160A0, s22  }
0x1e2: {  	[tilespmem:s23], [sflag:s26] =	stream.indirect.gather [hbm4b:s1+s20], $0x1, s25, s20, $0xb8;
	[tilespmem:$0x16320] =	vst v63  }
0x1e3: {  	s23 =	sadd.s32 $0xD400, s17;
	s25 =	sadd.s32 $0x280, s24  }
0x1e4: {  	[tilespmem:s23], [sflag:s26] =	stream.indirect.gather [hbm4b:s5+s20], $0x40, s25, s20, $0xb8;
	[tilespmem:$0x16320] =	vst v63  }
0x1e5: {  	p0 =	sne.s32 s21, $0x7;
	s23 =	sadd.s32 $0x160F0, s22  }
0x1e6: {  	[tilespmem:s23], [sflag:s26] =	stream.indirect.gather [hbm4b:s1+s20], $0x1, s25, s20, $0xb8;
	[tilespmem:$0x16320] =	vst v63  }
.Ltmp13:
0x1e7: {  	_ = 	snop;
	(pc) =	sbr.rel @p0 .LBB2_9-.Ltmp13, $4  }
0x1e8: {  	s24 =	sadd.s32 $0x2D0, s24;
	s23 =	sadd.s32 $0xE800, s17  }
0x1e9: {  	[tilespmem:s23], [sflag:s26] =	stream.indirect.gather [hbm4b:s5+s20], $0x40, s24, s20, $0xb8;
	[tilespmem:$0x16320] =	vst v63  }
0x1ea: {  	s25 =	sadd.s32 $0x16140, s22;
	s17 =	simm.s32 $0x1  }
0x1eb: {  	[tilespmem:s25], [sflag:s26] =	stream.indirect.gather [hbm4b:s1+s20], $0x1, s24, s20, $0xb8;
	[tilespmem:$0x16320] =	vst v63  }
.LBB2_5:
0x1ec: {  	s22 =	simm.s32 $0x0  }
0x1ed: {  	v7 =	vadd.s32 s22, v0  }
0x1ee: {  	s22 =	sand.u32 $0x30, s22;
	v8 =	vand.u32 $0x8, v7  }
0x1ef: {  	v7 =	vand.u32 $0x7, v7;
	v8 =	vor.u32 s22, v8  }
0x1f0: {  	v7 =	vor.u32 v7, v8  }
0x1f1: {  	v8 =	vor.u32 v2, v7  }
0x1f2: {  	s23 =	sadd.s32 $0x1, s17;
	s24 =	smul.u32 $0x19000, s17;
	v47 =	vor.u32 v1, v7  }
0x1f3: {  	_ =	swait.ge [sflag:s23], $0x6400  }
0x1f4: {  	[sflag:s23] =	ssyncset.done $0x0;
	s17 =	sshrl.u32 s24, $0x2;
	v48 =	vor.u32 v3, v7  }
0x1f5: {  	[sflag:s23] =	ssyncadd.s32 $0xFFFF9C00;
	s17 =	sadd.s32 $0x9800, s17  }
0x1f6: {  	v49 =	vor.u32 v5, v7;
	v8 =	vld.idx.msk [tilespmem:v8+s17+$0x0], $0xffff  }
0x1f7: {  	v47 =	vld.idx.msk [tilespmem:v47+s17+$0x0], $0xffff  }
0x1f8: {  	v50 =	vor.u32 v6, v7  }
0x1f9: {  	v48 =	vld.idx.msk [tilespmem:v48+s17+$0x0], $0xffff  }
0x1fa: {  	v51 =	vor.u32 v12, v7  }
0x1fb: {  	v49 =	vld.idx.msk [tilespmem:v49+s17+$0x0], $0xffff  }
0x1fc: {  	v52 =	vor.u32 v13, v7;
	v8 =	vadd.f32 v8, v47  }
0x1fd: {  	v59 =	vld.idx.msk [tilespmem:v50+s17+$0x0], $0xffff  }
0x1fe: {  	v60 =	vor.u32 v14, v7;
	v8 =	vadd.f32 v48, v8  }
0x1ff: {  	v61 =	vld.idx.msk [tilespmem:v51+s17+$0x0], $0xffff  }
0x200: {  	v62 =	vor.u32 v15, v7;
	v8 =	vadd.f32 v49, v8  }
0x201: {  	v63 =	vld.idx.msk [tilespmem:v52+s17+$0x0], $0xffff  }
0x202: {  	v56 =	vor.u32 v16, v7;
	v8 =	vadd.f32 v59, v8  }
0x203: {  	v57 =	vld.idx.msk [tilespmem:v60+s17+$0x0], $0xffff  }
0x204: {  	v58 =	vor.u32 v22, v7;
	v8 =	vadd.f32 v61, v8  }
0x205: {  	v59 =	vld.idx.msk [tilespmem:v62+s17+$0x0], $0xffff  }
0x206: {  	v60 =	vor.u32 v23, v7;
	v8 =	vadd.f32 v63, v8  }
0x207: {  	v61 =	vld.idx.msk [tilespmem:v56+s17+$0x0], $0xffff  }
0x208: {  	v62 =	vor.u32 v24, v7;
	v8 =	vadd.f32 v57, v8  }
0x209: {  	v63 =	vld.idx.msk [tilespmem:v58+s17+$0x0], $0xffff  }
0x20a: {  	v56 =	vor.u32 v25, v7;
	v8 =	vadd.f32 v59, v8  }
0x20b: {  	v57 =	vld.idx.msk [tilespmem:v60+s17+$0x0], $0xffff  }
0x20c: {  	v58 =	vor.u32 v26, v7;
	v8 =	vadd.f32 v61, v8  }
0x20d: {  	v59 =	vld.idx.msk [tilespmem:v62+s17+$0x0], $0xffff  }
0x20e: {  	v60 =	vor.u32 v32, v7;
	v8 =	vadd.f32 v63, v8  }
0x20f: {  	v61 =	vld.idx.msk [tilespmem:v56+s17+$0x0], $0xffff  }
0x210: {  	v62 =	vor.u32 v33, v7;
	v8 =	vadd.f32 v57, v8  }
0x211: {  	v63 =	vld.idx.msk [tilespmem:v58+s17+$0x0], $0xffff  }
0x212: {  	v56 =	vor.u32 v34, v7;
	v8 =	vadd.f32 v59, v8  }
0x213: {  	v57 =	vld.idx.msk [tilespmem:v60+s17+$0x0], $0xffff  }
0x214: {  	v58 =	vor.u32 v35, v7;
	v8 =	vadd.f32 v61, v8  }
0x215: {  	v59 =	vld.idx.msk [tilespmem:v62+s17+$0x0], $0xffff  }
0x216: {  	v60 =	vor.u32 v36, v7;
	v8 =	vadd.f32 v63, v8  }
0x217: {  	v61 =	vld.idx.msk [tilespmem:v56+s17+$0x0], $0xffff  }
0x218: {  	v62 =	vor.u32 v42, v7;
	v8 =	vadd.f32 v57, v8  }
0x219: {  	v63 =	vld.idx.msk [tilespmem:v58+s17+$0x0], $0xffff  }
0x21a: {  	v56 =	vor.u32 v43, v7;
	v8 =	vadd.f32 v59, v8  }
0x21b: {  	v57 =	vld.idx.msk [tilespmem:v60+s17+$0x0], $0xffff  }
0x21c: {  	v58 =	vor.u32 v44, v7;
	v8 =	vadd.f32 v61, v8  }
0x21d: {  	v59 =	vld.idx.msk [tilespmem:v62+s17+$0x0], $0xffff  }
0x21e: {  	v60 =	vor.u32 v45, v7;
	v8 =	vadd.f32 v63, v8  }
0x21f: {  	v61 =	vld.idx.msk [tilespmem:v56+s17+$0x0], $0xffff  }
0x220: {  	s21 =	sshll.u32 s21, $0x4;
	v62 =	vor.u32 v46, v7;
	v8 =	vadd.f32 v57, v8  }
0x221: {  	v53 =	vmul.u32 $0x40, v0;
	v50 =	vld.idx.msk [tilespmem:v58+s17+$0x0], $0xffff;
	v63 =	vmov s21  }
0x222: {  	v47 =	vshll.u32 v63, $0x6;
	v8 =	vadd.f32 v59, v8  }
0x223: {  	v55 =	vld.idx.msk [tilespmem:v60+s17+$0x0], $0xffff;
	v47 =	vor.u32 v53, v47  }
0x224: {  	v7 =	vor.u32 v47, v7;
	v8 =	vadd.f32 v61, v8  }
0x225: {  	v56 =	vld.idx.msk [tilespmem:v62+s17+$0x0], $0xffff  }
0x226: {  	v8 =	vadd.f32 v50, v8  }
0x227: {  	s25 =	simm.s32 $0x1  }
0x228: {  	v57 =	vadd.s32 s25, v0;
	v8 =	vadd.f32 v55, v8  }
0x229: {  	s21 =	sand.u32 $0x30, s25;
	v58 =	vand.u32 $0x8, v57;
	v7 =	vld.idx.msk [tilespmem:v7+s18+$0x0], $0xffff  }
0x22a: {  	v48 =	vor.u32 s21, v58;
	v50 =	vand.u32 $0x7, v57;
	v8 =	vadd.f32 v56, v8  }
0x22b: {  	v48 =	vor.u32 v50, v48  }
0x22c: {  	v59 =	vor.u32 v2, v48;
	v8 =	vmul.f32 $3.999999910e-02, v8  }
0x22d: {  	v50 =	vor.u32 v1, v48  }
0x22e: {  	v7 =	vmul.f32 v8, v7  }
0x22f: {  	v8 =	vor.u32 v3, v48  }
0x230: {  	[tilespmem:s0+$0x0] =	vst v7  }
0x231: {  	v60 =	vor.u32 v5, v48;
	v7 =	vld.idx.msk [tilespmem:v59+s17+$0x0], $0xffff  }
0x232: {  	v50 =	vld.idx.msk [tilespmem:v50+s17+$0x0], $0xffff  }
0x233: {  	v61 =	vor.u32 v6, v48  }
0x234: {  	v8 =	vld.idx.msk [tilespmem:v8+s17+$0x0], $0xffff  }
0x235: {  	v62 =	vor.u32 v12, v48  }
0x236: {  	v49 =	vld.idx.msk [tilespmem:v60+s17+$0x0], $0xffff  }
0x237: {  	v63 =	vor.u32 v13, v48;
	v7 =	vadd.f32 v7, v50  }
0x238: {  	v56 =	vld.idx.msk [tilespmem:v61+s17+$0x0], $0xffff  }
0x239: {  	v57 =	vor.u32 v14, v48;
	v7 =	vadd.f32 v8, v7  }
0x23a: {  	v8 =	vld.idx.msk [tilespmem:v62+s17+$0x0], $0xffff  }
0x23b: {  	v58 =	vor.u32 v15, v48;
	v7 =	vadd.f32 v49, v7  }
0x23c: {  	v59 =	vld.idx.msk [tilespmem:v63+s17+$0x0], $0xffff  }
0x23d: {  	v60 =	vor.u32 v16, v48;
	v7 =	vadd.f32 v56, v7  }
0x23e: {  	v61 =	vld.idx.msk [tilespmem:v57+s17+$0x0], $0xffff  }
0x23f: {  	v62 =	vor.u32 v22, v48;
	v7 =	vadd.f32 v8, v7  }
0x240: {  	v8 =	vld.idx.msk [tilespmem:v58+s17+$0x0], $0xffff  }
0x241: {  	v63 =	vor.u32 v23, v48;
	v7 =	vadd.f32 v59, v7  }
0x242: {  	v56 =	vld.idx.msk [tilespmem:v60+s17+$0x0], $0xffff  }
0x243: {  	v57 =	vor.u32 v24, v48;
	v7 =	vadd.f32 v61, v7  }
0x244: {  	v58 =	vld.idx.msk [tilespmem:v62+s17+$0x0], $0xffff  }
0x245: {  	v59 =	vor.u32 v25, v48;
	v7 =	vadd.f32 v8, v7  }
0x246: {  	v8 =	vld.idx.msk [tilespmem:v63+s17+$0x0], $0xffff  }
0x247: {  	v60 =	vor.u32 v26, v48;
	v7 =	vadd.f32 v56, v7  }
0x248: {  	v61 =	vld.idx.msk [tilespmem:v57+s17+$0x0], $0xffff  }
0x249: {  	v62 =	vor.u32 v32, v48;
	v7 =	vadd.f32 v58, v7  }
0x24a: {  	v63 =	vld.idx.msk [tilespmem:v59+s17+$0x0], $0xffff  }
0x24b: {  	v56 =	vor.u32 v33, v48;
	v7 =	vadd.f32 v8, v7  }
0x24c: {  	v8 =	vld.idx.msk [tilespmem:v60+s17+$0x0], $0xffff  }
0x24d: {  	v57 =	vor.u32 v34, v48;
	v7 =	vadd.f32 v61, v7  }
0x24e: {  	v58 =	vld.idx.msk [tilespmem:v62+s17+$0x0], $0xffff  }
0x24f: {  	v59 =	vor.u32 v35, v48;
	v7 =	vadd.f32 v63, v7  }
0x250: {  	v60 =	vld.idx.msk [tilespmem:v56+s17+$0x0], $0xffff  }
0x251: {  	v61 =	vor.u32 v36, v48;
	v7 =	vadd.f32 v8, v7  }
0x252: {  	v8 =	vld.idx.msk [tilespmem:v57+s17+$0x0], $0xffff  }
0x253: {  	v62 =	vor.u32 v42, v48;
	v7 =	vadd.f32 v58, v7  }
0x254: {  	v63 =	vld.idx.msk [tilespmem:v59+s17+$0x0], $0xffff  }
0x255: {  	v56 =	vor.u32 v43, v48;
	v7 =	vadd.f32 v60, v7  }
0x256: {  	v57 =	vld.idx.msk [tilespmem:v61+s17+$0x0], $0xffff  }
0x257: {  	v58 =	vor.u32 v44, v48;
	v7 =	vadd.f32 v8, v7  }
0x258: {  	v8 =	vld.idx.msk [tilespmem:v62+s17+$0x0], $0xffff  }
0x259: {  	v59 =	vor.u32 v45, v48;
	v7 =	vadd.f32 v63, v7  }
0x25a: {  	v60 =	vld.idx.msk [tilespmem:v56+s17+$0x0], $0xffff  }
0x25b: {  	v62 =	vor.u32 v46, v48;
	v7 =	vadd.f32 v57, v7  }
0x25c: {  	v61 =	vld.idx.msk [tilespmem:v58+s17+$0x0], $0xffff  }
0x25d: {  	v7 =	vadd.f32 v8, v7  }
0x25e: {  	v8 =	vld.idx.msk [tilespmem:v59+s17+$0x0], $0xffff  }
0x25f: {  	v63 =	vor.u32 v47, v48;
	v7 =	vadd.f32 v60, v7  }
0x260: {  	v48 =	vld.idx.msk [tilespmem:v62+s17+$0x0], $0xffff  }
0x261: {  	v7 =	vadd.f32 v61, v7  }
0x262: {  	s26 =	simm.s32 $0x2  }
0x263: {  	v49 =	vadd.s32 s26, v0;
	v50 =	vadd.f32 v8, v7  }
0x264: {  	s23 =	sand.u32 $0x30, s26;
	s22 =	simm.s32 $0x3;
	s21 =	smov.u32 s0;
	v7 =	vld.idx.msk [tilespmem:v63+s18+$0x0], $0xffff;
	v8 =	vand.u32 $0x8, v49  }
.LBB2_6:
0x265: {  	p0 =	seq.s32 s22, $0x3F;
	v8 =	vor.u32 s23, v8;
	v49 =	vand.u32 $0x7, v49;
	v48 =	vadd.f32 v48, v50  }
0x266: {  	v8 =	vor.u32 v49, v8  }
0x267: {  	v49 =	vor.u32 v2, v8;
	v48 =	vmul.f32 $3.999999910e-02, v48  }
0x268: {  	v50 =	vor.u32 v1, v8  }
0x269: {  	v7 =	vmul.f32 v48, v7  }
0x26a: {  	s21 =	sadd.s32 $0x80, s21;
	v48 =	vor.u32 v3, v8  }
0x26b: {  	[tilespmem:s21+$0x0] =	vst v7  }
0x26c: {  	v7 =	vld.idx.msk [tilespmem:v49+s17+$0x0], $0xffff;
	v49 =	vor.u32 v5, v8  }
0x26d: {  	v50 =	vld.idx.msk [tilespmem:v50+s17+$0x0], $0xffff  }
0x26e: {  	v51 =	vor.u32 v6, v8  }
0x26f: {  	v48 =	vld.idx.msk [tilespmem:v48+s17+$0x0], $0xffff  }
0x270: {  	v52 =	vor.u32 v12, v8  }
0x271: {  	v49 =	vld.idx.msk [tilespmem:v49+s17+$0x0], $0xffff  }
0x272: {  	v53 =	vor.u32 v13, v8  }
0x273: {  	v7 =	vadd.f32 v7, v50;
	v50 =	vld.idx.msk [tilespmem:v51+s17+$0x0], $0xffff  }
0x274: {  	v51 =	vor.u32 v14, v8  }
0x275: {  	v7 =	vadd.f32 v48, v7;
	v48 =	vld.idx.msk [tilespmem:v52+s17+$0x0], $0xffff  }
0x276: {  	v52 =	vor.u32 v15, v8  }
0x277: {  	v7 =	vadd.f32 v49, v7;
	v49 =	vld.idx.msk [tilespmem:v53+s17+$0x0], $0xffff  }
0x278: {  	v53 =	vor.u32 v16, v8  }
0x279: {  	v7 =	vadd.f32 v50, v7;
	v50 =	vld.idx.msk [tilespmem:v51+s17+$0x0], $0xffff  }
0x27a: {  	v51 =	vor.u32 v22, v8  }
0x27b: {  	v7 =	vadd.f32 v48, v7;
	v48 =	vld.idx.msk [tilespmem:v52+s17+$0x0], $0xffff  }
0x27c: {  	v52 =	vor.u32 v23, v8  }
0x27d: {  	v7 =	vadd.f32 v49, v7;
	v49 =	vld.idx.msk [tilespmem:v53+s17+$0x0], $0xffff  }
0x27e: {  	v53 =	vor.u32 v24, v8  }
0x27f: {  	v7 =	vadd.f32 v50, v7;
	v50 =	vld.idx.msk [tilespmem:v51+s17+$0x0], $0xffff  }
0x280: {  	v51 =	vor.u32 v25, v8  }
0x281: {  	v7 =	vadd.f32 v48, v7;
	v48 =	vld.idx.msk [tilespmem:v52+s17+$0x0], $0xffff  }
0x282: {  	v52 =	vor.u32 v26, v8  }
0x283: {  	v7 =	vadd.f32 v49, v7;
	v49 =	vld.idx.msk [tilespmem:v53+s17+$0x0], $0xffff  }
0x284: {  	v53 =	vor.u32 v32, v8  }
0x285: {  	v7 =	vadd.f32 v50, v7;
	v50 =	vld.idx.msk [tilespmem:v51+s17+$0x0], $0xffff  }
0x286: {  	v51 =	vor.u32 v33, v8  }
0x287: {  	v7 =	vadd.f32 v48, v7;
	v48 =	vld.idx.msk [tilespmem:v52+s17+$0x0], $0xffff  }
0x288: {  	v52 =	vor.u32 v34, v8  }
0x289: {  	v7 =	vadd.f32 v49, v7;
	v49 =	vld.idx.msk [tilespmem:v53+s17+$0x0], $0xffff  }
0x28a: {  	v53 =	vor.u32 v35, v8  }
0x28b: {  	v7 =	vadd.f32 v50, v7;
	v50 =	vld.idx.msk [tilespmem:v51+s17+$0x0], $0xffff  }
0x28c: {  	v51 =	vor.u32 v36, v8  }
0x28d: {  	v7 =	vadd.f32 v48, v7;
	v48 =	vld.idx.msk [tilespmem:v52+s17+$0x0], $0xffff  }
0x28e: {  	v52 =	vor.u32 v42, v8  }
0x28f: {  	v7 =	vadd.f32 v49, v7;
	v49 =	vld.idx.msk [tilespmem:v53+s17+$0x0], $0xffff  }
0x290: {  	v53 =	vor.u32 v43, v8  }
0x291: {  	v7 =	vadd.f32 v50, v7;
	v50 =	vld.idx.msk [tilespmem:v51+s17+$0x0], $0xffff  }
0x292: {  	v51 =	vor.u32 v44, v8  }
0x293: {  	v7 =	vadd.f32 v48, v7;
	v48 =	vld.idx.msk [tilespmem:v52+s17+$0x0], $0xffff  }
0x294: {  	v52 =	vor.u32 v45, v8  }
0x295: {  	v7 =	vadd.f32 v49, v7;
	v49 =	vld.idx.msk [tilespmem:v53+s17+$0x0], $0xffff  }
0x296: {  	v53 =	vor.u32 v46, v8  }
0x297: {  	v7 =	vadd.f32 v50, v7;
	v50 =	vld.idx.msk [tilespmem:v51+s17+$0x0], $0xffff;
	_ =	sdelay $0x1  }
0x298: {  	v7 =	vadd.f32 v48, v7;
	v51 =	vld.idx.msk [tilespmem:v52+s17+$0x0], $0xffff  }
0x299: {  	v8 =	vor.u32 v47, v8  }
0x29a: {  	v7 =	vadd.f32 v49, v7;
	v48 =	vld.idx.msk [tilespmem:v53+s17+$0x0], $0xffff  }
.Ltmp14:
0x29b: {  	(pc) =	sbr.rel @!p0 .LBB2_6-.Ltmp14, $3  }
0x29c: {  	v7 =	vadd.f32 v50, v7;
	_ =	sdelay $0x1  }
0x29d: {  	v49 =	vadd.s32 s22, v0;
	v50 =	vadd.f32 v51, v7;
	v7 =	vld.idx.msk [tilespmem:v8+s18+$0x0], $0xffff  }
0x29e: {  	s23 =	sand.u32 $0x30, s22;
	s22 =	sadd.s32 $0x1, s22;
	v8 =	vand.u32 $0x8, v49  }
0x29f: {  	v8 =	vor.u32 s23, v8;
	v49 =	vand.u32 $0x7, v49;
	v48 =	vadd.f32 v48, v50  }
0x2a0: {  	v8 =	vor.u32 v49, v8  }
0x2a1: {  	v49 =	vor.u32 v2, v8;
	v48 =	vmul.f32 $3.999999910e-02, v48  }
0x2a2: {  	v55 =	vor.u32 v1, v8  }
0x2a3: {  	v7 =	vmul.f32 v48, v7  }
0x2a4: {  	s21 =	sadd.s32 $0x80, s21;
	v56 =	vor.u32 v3, v8  }
0x2a5: {  	[tilespmem:s21+$0x0] =	vst v7  }
0x2a6: {  	v57 =	vor.u32 v5, v8;
	v7 =	vld.idx.msk [tilespmem:v49+s17+$0x0], $0xffff  }
0x2a7: {  	v50 =	vld.idx.msk [tilespmem:v55+s17+$0x0], $0xffff  }
0x2a8: {  	v51 =	vor.u32 v6, v8  }
0x2a9: {  	v48 =	vld.idx.msk [tilespmem:v56+s17+$0x0], $0xffff  }
0x2aa: {  	v52 =	vor.u32 v12, v8  }
0x2ab: {  	v49 =	vld.idx.msk [tilespmem:v57+s17+$0x0], $0xffff  }
0x2ac: {  	v53 =	vor.u32 v13, v8;
	v7 =	vadd.f32 v7, v50  }
0x2ad: {  	v58 =	vld.idx.msk [tilespmem:v51+s17+$0x0], $0xffff  }
0x2ae: {  	v59 =	vor.u32 v14, v8;
	v7 =	vadd.f32 v48, v7  }
0x2af: {  	v60 =	vld.idx.msk [tilespmem:v52+s17+$0x0], $0xffff  }
0x2b0: {  	v61 =	vor.u32 v15, v8;
	v7 =	vadd.f32 v49, v7  }
0x2b1: {  	v62 =	vld.idx.msk [tilespmem:v53+s17+$0x0], $0xffff  }
0x2b2: {  	v63 =	vor.u32 v16, v8;
	v7 =	vadd.f32 v58, v7  }
0x2b3: {  	v9 =	vld.idx.msk [tilespmem:v59+s17+$0x0], $0xffff  }
0x2b4: {  	v10 =	vor.u32 v22, v8;
	v7 =	vadd.f32 v60, v7  }
0x2b5: {  	v11 =	vld.idx.msk [tilespmem:v61+s17+$0x0], $0xffff  }
0x2b6: {  	v56 =	vor.u32 v23, v8;
	v7 =	vadd.f32 v62, v7  }
0x2b7: {  	v57 =	vld.idx.msk [tilespmem:v63+s17+$0x0], $0xffff  }
0x2b8: {  	v58 =	vor.u32 v24, v8;
	v7 =	vadd.f32 v9, v7  }
0x2b9: {  	v59 =	vld.idx.msk [tilespmem:v10+s17+$0x0], $0xffff  }
0x2ba: {  	v60 =	vor.u32 v25, v8;
	v7 =	vadd.f32 v11, v7  }
0x2bb: {  	v61 =	vld.idx.msk [tilespmem:v56+s17+$0x0], $0xffff  }
0x2bc: {  	v62 =	vor.u32 v26, v8;
	v7 =	vadd.f32 v57, v7  }
0x2bd: {  	v63 =	vld.idx.msk [tilespmem:v58+s17+$0x0], $0xffff  }
0x2be: {  	v9 =	vor.u32 v32, v8;
	v7 =	vadd.f32 v59, v7  }
0x2bf: {  	v10 =	vld.idx.msk [tilespmem:v60+s17+$0x0], $0xffff  }
0x2c0: {  	v11 =	vor.u32 v33, v8;
	v7 =	vadd.f32 v61, v7  }
0x2c1: {  	v56 =	vld.idx.msk [tilespmem:v62+s17+$0x0], $0xffff  }
0x2c2: {  	v57 =	vor.u32 v34, v8;
	v7 =	vadd.f32 v63, v7  }
0x2c3: {  	v58 =	vld.idx.msk [tilespmem:v9+s17+$0x0], $0xffff  }
0x2c4: {  	v59 =	vor.u32 v35, v8;
	v7 =	vadd.f32 v10, v7  }
0x2c5: {  	v60 =	vld.idx.msk [tilespmem:v11+s17+$0x0], $0xffff  }
0x2c6: {  	v61 =	vor.u32 v36, v8;
	v7 =	vadd.f32 v56, v7  }
0x2c7: {  	v62 =	vld.idx.msk [tilespmem:v57+s17+$0x0], $0xffff  }
0x2c8: {  	v63 =	vor.u32 v42, v8;
	v7 =	vadd.f32 v58, v7  }
0x2c9: {  	v9 =	vld.idx.msk [tilespmem:v59+s17+$0x0], $0xffff  }
0x2ca: {  	v10 =	vor.u32 v43, v8;
	v7 =	vadd.f32 v60, v7  }
0x2cb: {  	v11 =	vld.idx.msk [tilespmem:v61+s17+$0x0], $0xffff  }
0x2cc: {  	v56 =	vor.u32 v44, v8;
	v7 =	vadd.f32 v62, v7  }
0x2cd: {  	v57 =	vld.idx.msk [tilespmem:v63+s17+$0x0], $0xffff  }
0x2ce: {  	v58 =	vor.u32 v45, v8;
	v7 =	vadd.f32 v9, v7  }
0x2cf: {  	v59 =	vld.idx.msk [tilespmem:v10+s17+$0x0], $0xffff  }
0x2d0: {  	v60 =	vor.u32 v46, v8;
	v7 =	vadd.f32 v11, v7  }
0x2d1: {  	v61 =	vld.idx.msk [tilespmem:v56+s17+$0x0], $0xffff  }
0x2d2: {  	v7 =	vadd.f32 v57, v7  }
0x2d3: {  	v62 =	vld.idx.msk [tilespmem:v58+s17+$0x0], $0xffff  }
0x2d4: {  	v8 =	vor.u32 v47, v8;
	v7 =	vadd.f32 v59, v7  }
0x2d5: {  	v63 =	vld.idx.msk [tilespmem:v60+s17+$0x0], $0xffff  }
0x2d6: {  	v7 =	vadd.f32 v61, v7;
	_ =	sdelay $0x1  }
0x2d7: {  	v7 =	vadd.f32 v62, v7  }
0x2d8: {  	v8 =	vld.idx.msk [tilespmem:v8+s18+$0x0], $0xffff  }
0x2d9: {  	v7 =	vadd.f32 v63, v7;
	_ =	sdelay $0x1  }
.Ltmp15:
0x2da: {  	v7 =	vmul.f32 $3.999999910e-02, v7;
	(pc) =	sbr.rel .LBB2_21-.Ltmp15, $4  }
0x2db: {  	_ = 	snop  }
0x2dc: {  	v7 =	vmul.f32 v7, v8  }
0x2dd: {  	s26 =	sadd.s32 $0x80, s21  }
0x2de: {  	[tilespmem:s26+$0x0] =	vst v7  }
.LBB2_9:
.Ltmp16:
0x2df: {  	(pc) =	sbr.rel .LBB2_10-.Ltmp16, $2  }
0x2e0: {  	_ =	sdelay $0x2  }
0x2e1: {  	s22 =	sand.u32 $0x1, s21  }
.LBB2_23:
0x2e2: {  	_ =	sfence.sel $0x180000  }
0x2e3: {  	[bflag:$0x0] =	sbarrier.arrive $0xFFFF  }
0x2e4: {  	_ =	strace $0x90000047  }
0x2e5: {  	s0 =	stileid.u32;
	[bflag:$0x2] =	sbarrier.arrive $0xFFFF  }
0x2e6: {  	p0 =	sne.s32 s0, $0x0;
	s0 =	rddreg [dreg:$0x7]  }
0x2e7: {  	s0 =	sadd.s32 @!p0 $0x100000, s0  }
0x2e8: {  	[sflag:s0] =	ssyncadd.tile.s32 @!p0 $0x1;
	_ =	shalt  }
.Lfunc_end2:
_tile_overlayer_lowered:
.L_overlay_start_2:
0x2e9: {  	(tag) =	ssettag $0x2  }
0x2ea: {  	s0 =	rddreg [dreg:$0x0];
	s2 =	stileid.u32  }
0x2eb: {  	s1 =	rddreg [dreg:$0x1];
	p0 =	sne.s32 s2, $0x0  }
0x2ec: {  	s3 =	rddreg [dreg:$0x2];
	[bflag:$0x3] =	sbarrier.arrive $0xFFFF;
	s2 =	simm.s32 @!p0 $0x1C03  }
0x2ed: {  	[timem:s3], [sflag:s2] =	dma.local @!p0 [hbm:s0], s1  }
0x2ee: {  	s0 =	simm.s32 @!p0 $0x3  }
0x2ef: {  	_ =	swait.ge @!p0 [sflag:s0], s1  }
0x2f0: {  	s1 =	ssub.s32 @!p0 $0x0, s1;
	[sflag:s0] =	ssyncset.done @!p0 $0x0  }
0x2f1: {  	[sflag:s0] =	ssyncadd.s32 @!p0 s1  }
0x2f2: {  	[bflag:$0x3] =	sbarrier.arrive $0xFFFF  }
0x2f3: {  	_ =	shalt  }

</sc_bundles>
